<compile_context>
chip_gen: v7x
topology: tpu7x:2x2x1
jax: 0.10.2.dev20260603
libtpu: 0.0.44.dev20260713+nightly
codegen_flags: <defaults>
</compile_context>

<pallas_src>
import functools

import jax
import jax.numpy as jnp
from jax import lax
from jax.experimental import pallas as pl
from jax.experimental.pallas import tpu as pltpu
from jax.experimental.pallas import tpu_sc as plsc

_info = plsc.get_sparse_core_info()
_NC, _NS = _info.num_cores, _info.num_subcores
_NW = _NC * _NS


def _make_lookup(B0, B1, DP):
    assert B0 % _NW == 0
    n_iter = B0 // _NW
    b_per_w = n_iter * B1
    D = 64
    mesh = plsc.VectorSubcoreMesh(core_axis_name="c", subcore_axis_name="s")

    @functools.partial(
        pl.kernel,
        mesh=mesh,
        out_type=jax.ShapeDtypeStruct((B0, B1, D), jnp.float32),
        scratch_types=[
            pltpu.VMEM((b_per_w,), jnp.int32),
            pltpu.VMEM((2, B1, DP), jnp.float32),
            pltpu.VMEM((2, B1, D), jnp.float32),
            pltpu.SemaphoreType.DMA((2,)),
            pltpu.SemaphoreType.DMA((2,)),
        ],
    )
    def lookup(x_hbm, table_hbm, out_hbm, idx_v, rows_v, rows64_v, gsem, ssem):
        wid = lax.axis_index("s") * _NC + lax.axis_index("c")
        base = wid * n_iter

        pltpu.sync_copy(x_hbm.at[pl.ds(base * B1, b_per_w)], idx_v)

        def gather_parts(it, p):
            off = it * B1
            yield idx_v.at[pl.ds(off, 128)], rows_v.at[p, pl.ds(0, 128)]
            yield (
                idx_v.at[pl.ds(off + 128, B1 - 128)],
                rows_v.at[p, pl.ds(128, B1 - 128)],
            )

        def start_gathers(it, p):
            for isl, rsl in gather_parts(it, p):
                pltpu.make_async_copy(table_hbm.at[isl], rsl, gsem.at[p]).start()

        def wait_gathers(it, p):
            for isl, rsl in gather_parts(it, p):
                pltpu.make_async_copy(table_hbm.at[isl], rsl, gsem.at[p]).wait()

        def compact(p):
            def cbody(j, carry):
                for r in range(8):
                    for k in range(D // 16):
                        rows64_v[p, j * 8 + r, pl.ds(k * 16, 16)] = rows_v[
                            p, j * 8 + r, pl.ds(k * 16, 16)
                        ]
                return carry

            lax.fori_loop(0, B1 // 8, cbody, 0)

        def start_store(it, p):
            pltpu.make_async_copy(
                rows64_v.at[p], out_hbm.at[base + it], ssem.at[p]
            ).start()

        def wait_store(it, p):
            pltpu.make_async_copy(
                rows64_v.at[p], out_hbm.at[base + it], ssem.at[p]
            ).wait()

        def step(it, p):
            q = 1 - p
            wait_store(it - 1, q)
            start_gathers(it + 1, q)
            wait_gathers(it, p)
            compact(p)
            start_store(it, p)

        start_gathers(0, 0)
        start_gathers(1, 1)
        wait_gathers(0, 0)
        compact(0)
        start_store(0, 0)

        def body(i, carry):
            for p in (1, 0):
                step(2 * i + (1 if p == 1 else 2), p)
            return carry

        lax.fori_loop(0, (n_iter - 2) // 2, body, 0)

        it = n_iter - 1
        wait_store(it - 1, 0)
        wait_gathers(it, 1)
        compact(1)
        start_store(it, 1)
        wait_store(it, 1)

    return lookup


def kernel(x, table):
    B0, B1 = x.shape
    V, D = table.shape
    DP = 128
    tpad = jnp.pad(table, ((0, 0), (0, DP - D)))
    xflat = x.reshape((B0 * B1,)).astype(jnp.int32)
    return _make_lookup(B0, B1, DP)(xflat, tpad)

# --- scband reference (transcript-rebuilt; emitter-appended) ---
"""Pipeline reference for scband-word-embedding-25881472926259 (READ-ONLY COPY).

The authoritative reference and input builder live on the scoring server;
editing this copy changes nothing except your own understanding.
"""

import jax, jax.numpy as jnp
import numpy as np

VOCAB = 1000000
EMB_DIM = 64

def setup_inputs(seed: int = 0) -> dict:
    key = jax.random.key(seed)
    k1, k2 = jax.random.split(key)
    x = jax.random.randint(k1, (4096, 200), 0, VOCAB, dtype=jnp.int64 if jax.config.jax_enable_x64 else jnp.int32)
    # embedding table initialized uniform(-0.5, 0.5) as in init_embedding
    table = jax.random.uniform(k2, (VOCAB, EMB_DIM), dtype=jnp.float32, minval=-0.5, maxval=0.5)
    return {"x": x, "table": table}

def reference(x, table):
    # nn.Embedding lookup: gather rows of the table.
    # Dropout is identity in eval mode.
    emb = jnp.take(table, x, axis=0)
    return emb

if __name__ == "__main__":
    import jax
    _d = setup_inputs()
    print(jax.jit(kernel)(*tuple(_d.values())))

</pallas_src>

<mosaic_0001>
#map = affine_map<(d0, d1) -> (0)>
#map1 = affine_map<(d0, d1) -> (0, 0)>
#map2 = affine_map<(d0, d1) -> (0, 0, 0)>
module attributes {stable_mosaic.version = 14 : i64} {
  func.func @lookup(%arg0: i32, %arg1: i32, %arg2: memref<819200xi32, #tpu.memory_space<hbm>>, %arg3: memref<1000000x128xf32, #tpu.memory_space<hbm>>, %arg4: memref<4096x200x64xf32, #tpu.memory_space<hbm>>, %arg5: memref<25600xi32, #tpu.memory_space<vmem>>, %arg6: memref<2x200x128xf32, #tpu.memory_space<vmem>>, %arg7: memref<2x200x64xf32, #tpu.memory_space<vmem>>, %arg8: memref<2x!tpu.dma_semaphore, #tpu.memory_space<semaphore_mem>>, %arg9: memref<2x!tpu.dma_semaphore, #tpu.memory_space<semaphore_mem>>) attributes {dimension_semantics = [#tpu.dimension_semantics<core_parallel>, #tpu.dimension_semantics<subcore_parallel>], iteration_bounds = array<i64: 2, 16>, scalar_prefetch = 0 : i64, scratch_operands = 5 : i64, tpu.core_type = #tpu.core_type<sc_vector_subcore>, window_params = [{transform_indices = #map}, {transform_indices = #map1}, {transform_indices = #map2}]} {
    %mul3A = arith.constant 2 : i32
    %mul3A_0 = arith.muli %arg1, %mul3A : i32
    %add3A = arith.addi %mul3A_0, %arg0 : i32
    %mul3A_1 = arith.constant 128 : i32
    %mul3A_2 = arith.muli %add3A, %mul3A_1 : i32
    %mul3A_3 = arith.constant 200 : i32
    %mul3A_4 = arith.muli %mul3A_2, %mul3A_3 : i32
    "tpu.region"() ({
      %run_scoped3A = tpu.sem_alloc : memref<!tpu.dma_semaphore, #tpu.memory_space<semaphore_mem>>
      %dma_start3A_212 = tpu.memref_slice %arg2[%mul3A_4] : memref<819200xi32, #tpu.memory_space<hbm>> -> memref<25600xi32, #tpu.memory_space<hbm>>
      %dma_start3A_213 = tpu.memref_slice %arg2[%mul3A_4] : memref<819200xi32, #tpu.memory_space<hbm>> -> memref<25600xi32, #tpu.memory_space<hbm>>
      tpu.enqueue_dma source(%dma_start3A_213 : memref<25600xi32, #tpu.memory_space<hbm>>) target(%arg5 : memref<25600xi32, #tpu.memory_space<vmem>>) target_semaphore(%run_scoped3A : memref<!tpu.dma_semaphore, #tpu.memory_space<semaphore_mem>>)
      %dma_wait3A_214 = tpu.memref_slice %arg2[%mul3A_4] : memref<819200xi32, #tpu.memory_space<hbm>> -> memref<25600xi32, #tpu.memory_space<hbm>>
      %dma_wait3A_215 = tpu.memref_slice %arg2[%mul3A_4] : memref<819200xi32, #tpu.memory_space<hbm>> -> memref<25600xi32, #tpu.memory_space<hbm>>
      tpu.wait_dma2 semaphore(%run_scoped3A : memref<!tpu.dma_semaphore, #tpu.memory_space<semaphore_mem>>) src(%dma_wait3A_215 : memref<25600xi32, #tpu.memory_space<hbm>>) dst(%arg5 : memref<25600xi32, #tpu.memory_space<vmem>>)
      tpu.yield
    }) : () -> ()
    %dma_start3A = arith.constant 0 : i32
    %dma_start3A_5 = arith.constant 0 : i32
    %dma_start3A_6 = arith.constant 0 : i32
    %dma_start3A_7 = arith.constant 0 : i32
    %dma_start3A_8 = tpu.memref_slice %arg6[%dma_start3A, %dma_start3A_6, %dma_start3A_7] : memref<2x200x128xf32, #tpu.memory_space<vmem>> -> memref<1x128x128xf32, #tpu.memory_space<vmem>>
    %dma_start3A_9 = tpu.memref_squeeze %dma_start3A_8 : memref<1x128x128xf32, #tpu.memory_space<vmem>> -> memref<128x128xf32, #tpu.memory_space<vmem>>
    %dma_start3A_10 = arith.constant 0 : i32
    %dma_start3A_11 = tpu.memref_slice %arg5[%dma_start3A_10] : memref<25600xi32, #tpu.memory_space<vmem>> -> memref<128xi32, #tpu.memory_space<vmem>>
    %dma_start3A_12 = arith.constant 0 : i32
    %dma_start3A_13 = arith.constant 0 : i32
    %dma_start3A_14 = tpu.memref_slice %arg3[%dma_start3A_12, %dma_start3A_13] : memref<1000000x128xf32, #tpu.memory_space<hbm>> -> memref<1000000x128xf32, #tpu.memory_space<hbm>>
    %dma_start3A_15 = tpu.memref_slice %arg8[%dma_start3A_5] : memref<2x!tpu.dma_semaphore, #tpu.memory_space<semaphore_mem>> -> memref<1x!tpu.dma_semaphore, #tpu.memory_space<semaphore_mem>>
    %dma_start3A_16 = tpu.memref_squeeze %dma_start3A_15 : memref<1x!tpu.dma_semaphore, #tpu.memory_space<semaphore_mem>> -> memref<!tpu.dma_semaphore, #tpu.memory_space<semaphore_mem>>
    tpu.enqueue_indirect_dma source(%dma_start3A_14 : memref<1000000x128xf32, #tpu.memory_space<hbm>>) target(%dma_start3A_9 : memref<128x128xf32, #tpu.memory_space<vmem>>) offsets(%dma_start3A_11 : memref<128xi32, #tpu.memory_space<vmem>>) semaphore(%dma_start3A_16 : memref<!tpu.dma_semaphore, #tpu.memory_space<semaphore_mem>>)
    %dma_start3A_17 = arith.constant 0 : i32
    %dma_start3A_18 = arith.constant 0 : i32
    %dma_start3A_19 = arith.constant 128 : i32
    %dma_start3A_20 = arith.constant 0 : i32
    %dma_start3A_21 = tpu.memref_slice %arg6[%dma_start3A_17, %dma_start3A_19, %dma_start3A_20] : memref<2x200x128xf32, #tpu.memory_space<vmem>> -> memref<1x72x128xf32, #tpu.memory_space<vmem>>
    %dma_start3A_22 = tpu.memref_squeeze %dma_start3A_21 : memref<1x72x128xf32, #tpu.memory_space<vmem>> -> memref<72x128xf32, #tpu.memory_space<vmem>>
    %dma_start3A_23 = arith.constant 128 : i32
    %dma_start3A_24 = tpu.memref_slice %arg5[%dma_start3A_23] : memref<25600xi32, #tpu.memory_space<vmem>> -> memref<72xi32, #tpu.memory_space<vmem>>
    %dma_start3A_25 = arith.constant 0 : i32
    %dma_start3A_26 = arith.constant 0 : i32
    %dma_start3A_27 = tpu.memref_slice %arg3[%dma_start3A_25, %dma_start3A_26] : memref<1000000x128xf32, #tpu.memory_space<hbm>> -> memref<1000000x128xf32, #tpu.memory_space<hbm>>
    %dma_start3A_28 = tpu.memref_slice %arg8[%dma_start3A_18] : memref<2x!tpu.dma_semaphore, #tpu.memory_space<semaphore_mem>> -> memref<1x!tpu.dma_semaphore, #tpu.memory_space<semaphore_mem>>
    %dma_start3A_29 = tpu.memref_squeeze %dma_start3A_28 : memref<1x!tpu.dma_semaphore, #tpu.memory_space<semaphore_mem>> -> memref<!tpu.dma_semaphore, #tpu.memory_space<semaphore_mem>>
    tpu.enqueue_indirect_dma source(%dma_start3A_27 : memref<1000000x128xf32, #tpu.memory_space<hbm>>) target(%dma_start3A_22 : memref<72x128xf32, #tpu.memory_space<vmem>>) offsets(%dma_start3A_24 : memref<72xi32, #tpu.memory_space<vmem>>) semaphore(%dma_start3A_29 : memref<!tpu.dma_semaphore, #tpu.memory_space<semaphore_mem>>)
    %dma_start3A_30 = arith.constant 1 : i32
    %dma_start3A_31 = arith.constant 1 : i32
    %dma_start3A_32 = arith.constant 0 : i32
    %dma_start3A_33 = arith.constant 0 : i32
    %dma_start3A_34 = tpu.memref_slice %arg6[%dma_start3A_30, %dma_start3A_32, %dma_start3A_33] : memref<2x200x128xf32, #tpu.memory_space<vmem>> -> memref<1x128x128xf32, #tpu.memory_space<vmem>>
    %dma_start3A_35 = tpu.memref_squeeze %dma_start3A_34 : memref<1x128x128xf32, #tpu.memory_space<vmem>> -> memref<128x128xf32, #tpu.memory_space<vmem>>
    %dma_start3A_36 = arith.constant 200 : i32
    %dma_start3A_37 = tpu.memref_slice %arg5[%dma_start3A_36] : memref<25600xi32, #tpu.memory_space<vmem>> -> memref<128xi32, #tpu.memory_space<vmem>>
    %dma_start3A_38 = arith.constant 0 : i32
    %dma_start3A_39 = arith.constant 0 : i32
    %dma_start3A_40 = tpu.memref_slice %arg3[%dma_start3A_38, %dma_start3A_39] : memref<1000000x128xf32, #tpu.memory_space<hbm>> -> memref<1000000x128xf32, #tpu.memory_space<hbm>>
    %dma_start3A_41 = tpu.memref_slice %arg8[%dma_start3A_31] : memref<2x!tpu.dma_semaphore, #tpu.memory_space<semaphore_mem>> -> memref<1x!tpu.dma_semaphore, #tpu.memory_space<semaphore_mem>>
    %dma_start3A_42 = tpu.memref_squeeze %dma_start3A_41 : memref<1x!tpu.dma_semaphore, #tpu.memory_space<semaphore_mem>> -> memref<!tpu.dma_semaphore, #tpu.memory_space<semaphore_mem>>
    tpu.enqueue_indirect_dma source(%dma_start3A_40 : memref<1000000x128xf32, #tpu.memory_space<hbm>>) target(%dma_start3A_35 : memref<128x128xf32, #tpu.memory_space<vmem>>) offsets(%dma_start3A_37 : memref<128xi32, #tpu.memory_space<vmem>>) semaphore(%dma_start3A_42 : memref<!tpu.dma_semaphore, #tpu.memory_space<semaphore_mem>>)
    %dma_start3A_43 = arith.constant 1 : i32
    %dma_start3A_44 = arith.constant 1 : i32
    %dma_start3A_45 = arith.constant 128 : i32
    %dma_start3A_46 = arith.constant 0 : i32
    %dma_start3A_47 = tpu.memref_slice %arg6[%dma_start3A_43, %dma_start3A_45, %dma_start3A_46] : memref<2x200x128xf32, #tpu.memory_space<vmem>> -> memref<1x72x128xf32, #tpu.memory_space<vmem>>
    %dma_start3A_48 = tpu.memref_squeeze %dma_start3A_47 : memref<1x72x128xf32, #tpu.memory_space<vmem>> -> memref<72x128xf32, #tpu.memory_space<vmem>>
    %dma_start3A_49 = arith.constant 328 : i32
    %dma_start3A_50 = tpu.memref_slice %arg5[%dma_start3A_49] : memref<25600xi32, #tpu.memory_space<vmem>> -> memref<72xi32, #tpu.memory_space<vmem>>
    %dma_start3A_51 = arith.constant 0 : i32
    %dma_start3A_52 = arith.constant 0 : i32
    %dma_start3A_53 = tpu.memref_slice %arg3[%dma_start3A_51, %dma_start3A_52] : memref<1000000x128xf32, #tpu.memory_space<hbm>> -> memref<1000000x128xf32, #tpu.memory_space<hbm>>
    %dma_start3A_54 = tpu.memref_slice %arg8[%dma_start3A_44] : memref<2x!tpu.dma_semaphore, #tpu.memory_space<semaphore_mem>> -> memref<1x!tpu.dma_semaphore, #tpu.memory_space<semaphore_mem>>
    %dma_start3A_55 = tpu.memref_squeeze %dma_start3A_54 : memref<1x!tpu.dma_semaphore, #tpu.memory_space<semaphore_mem>> -> memref<!tpu.dma_semaphore, #tpu.memory_space<semaphore_mem>>
    tpu.enqueue_indirect_dma source(%dma_start3A_53 : memref<1000000x128xf32, #tpu.memory_space<hbm>>) target(%dma_start3A_48 : memref<72x128xf32, #tpu.memory_space<vmem>>) offsets(%dma_start3A_50 : memref<72xi32, #tpu.memory_space<vmem>>) semaphore(%dma_start3A_55 : memref<!tpu.dma_semaphore, #tpu.memory_space<semaphore_mem>>)
    %dma_wait3A = arith.constant 0 : i32
    %dma_wait3A_56 = arith.constant 0 : i32
    %dma_wait3A_57 = arith.constant 0 : i32
    %dma_wait3A_58 = arith.constant 0 : i32
    %dma_wait3A_59 = tpu.memref_slice %arg6[%dma_wait3A, %dma_wait3A_57, %dma_wait3A_58] : memref<2x200x128xf32, #tpu.memory_space<vmem>> -> memref<1x128x128xf32, #tpu.memory_space<vmem>>
    %dma_wait3A_60 = tpu.memref_squeeze %dma_wait3A_59 : memref<1x128x128xf32, #tpu.memory_space<vmem>> -> memref<128x128xf32, #tpu.memory_space<vmem>>
    %dma_wait3A_61 = arith.constant 0 : i32
    %dma_wait3A_62 = tpu.memref_slice %arg5[%dma_wait3A_61] : memref<25600xi32, #tpu.memory_space<vmem>> -> memref<128xi32, #tpu.memory_space<vmem>>
    %dma_wait3A_63 = arith.constant 0 : i32
    %dma_wait3A_64 = arith.constant 0 : i32
    %dma_wait3A_65 = tpu.memref_slice %arg3[%dma_wait3A_63, %dma_wait3A_64] : memref<1000000x128xf32, #tpu.memory_space<hbm>> -> memref<1000000x128xf32, #tpu.memory_space<hbm>>
    %dma_wait3A_66 = tpu.memref_slice %arg8[%dma_wait3A_56] : memref<2x!tpu.dma_semaphore, #tpu.memory_space<semaphore_mem>> -> memref<1x!tpu.dma_semaphore, #tpu.memory_space<semaphore_mem>>
    %dma_wait3A_67 = tpu.memref_squeeze %dma_wait3A_66 : memref<1x!tpu.dma_semaphore, #tpu.memory_space<semaphore_mem>> -> memref<!tpu.dma_semaphore, #tpu.memory_space<semaphore_mem>>
    tpu.wait_indirect_dma semaphore(%dma_wait3A_67 : memref<!tpu.dma_semaphore, #tpu.memory_space<semaphore_mem>>) src(%dma_wait3A_65 : memref<1000000x128xf32, #tpu.memory_space<hbm>>) dst(%dma_wait3A_60 : memref<128x128xf32, #tpu.memory_space<vmem>>)
    %dma_wait3A_68 = arith.constant 0 : i32
    %dma_wait3A_69 = arith.constant 0 : i32
    %dma_wait3A_70 = arith.constant 128 : i32
    %dma_wait3A_71 = arith.constant 0 : i32
    %dma_wait3A_72 = tpu.memref_slice %arg6[%dma_wait3A_68, %dma_wait3A_70, %dma_wait3A_71] : memref<2x200x128xf32, #tpu.memory_space<vmem>> -> memref<1x72x128xf32, #tpu.memory_space<vmem>>
    %dma_wait3A_73 = tpu.memref_squeeze %dma_wait3A_72 : memref<1x72x128xf32, #tpu.memory_space<vmem>> -> memref<72x128xf32, #tpu.memory_space<vmem>>
    %dma_wait3A_74 = arith.constant 128 : i32
    %dma_wait3A_75 = tpu.memref_slice %arg5[%dma_wait3A_74] : memref<25600xi32, #tpu.memory_space<vmem>> -> memref<72xi32, #tpu.memory_space<vmem>>
    %dma_wait3A_76 = arith.constant 0 : i32
    %dma_wait3A_77 = arith.constant 0 : i32
    %dma_wait3A_78 = tpu.memref_slice %arg3[%dma_wait3A_76, %dma_wait3A_77] : memref<1000000x128xf32, #tpu.memory_space<hbm>> -> memref<1000000x128xf32, #tpu.memory_space<hbm>>
    %dma_wait3A_79 = tpu.memref_slice %arg8[%dma_wait3A_69] : memref<2x!tpu.dma_semaphore, #tpu.memory_space<semaphore_mem>> -> memref<1x!tpu.dma_semaphore, #tpu.memory_space<semaphore_mem>>
    %dma_wait3A_80 = tpu.memref_squeeze %dma_wait3A_79 : memref<1x!tpu.dma_semaphore, #tpu.memory_space<semaphore_mem>> -> memref<!tpu.dma_semaphore, #tpu.memory_space<semaphore_mem>>
    tpu.wait_indirect_dma semaphore(%dma_wait3A_80 : memref<!tpu.dma_semaphore, #tpu.memory_space<semaphore_mem>>) src(%dma_wait3A_78 : memref<1000000x128xf32, #tpu.memory_space<hbm>>) dst(%dma_wait3A_73 : memref<72x128xf32, #tpu.memory_space<vmem>>)
    %scan3A = arith.constant 0 : i32
    %scan3A_81 = arith.constant 0 : i32
    %scan3A_82 = arith.constant 25 : i32
    %scan3A_83 = arith.addi %scan3A_81, %scan3A_82 : i32
    %scan3A_84 = arith.constant 1 : i32
    scf.for %scan3A_212 = %scan3A_81 to %scan3A_83 step %scan3A_84  : i32 {
      %mul3A_213 = arith.constant 8 : i32
      %mul3A_214 = arith.muli %scan3A_212, %mul3A_213 : i32
      %add3A_215 = arith.constant 0 : i32
      %add3A_216 = arith.addi %mul3A_214, %add3A_215 : i32
      %get3A = arith.constant 0 : i32
      %get3A_217 = arith.index_cast %get3A : i32 to index
      %get3A_218 = arith.index_cast %add3A_216 : i32 to index
      %get3A_219 = arith.constant 0 : index
      %get3A_220 = tpu.vector_load %arg6[%get3A_217, %get3A_218, %get3A_219] {strides = array<i32>} : memref<2x200x128xf32, #tpu.memory_space<vmem>>, vector<1x1x16xf32>,
      %get3A_221 = vector.shape_cast %get3A_220 : vector<1x1x16xf32> to vector<16xf32>
      %mul3A_222 = arith.constant 8 : i32
      %mul3A_223 = arith.muli %scan3A_212, %mul3A_222 : i32
      %add3A_224 = arith.constant 0 : i32
      %add3A_225 = arith.addi %mul3A_223, %add3A_224 : i32
      %swap3A = arith.constant 0 : i32
      %swap3A_226 = arith.index_cast %swap3A : i32 to index
      %swap3A_227 = arith.index_cast %add3A_225 : i32 to index
      %swap3A_228 = arith.constant 0 : index
      %swap3A_229 = tpu.vector_load %arg7[%swap3A_226, %swap3A_227, %swap3A_228] {strides = array<i32>} : memref<2x200x64xf32, #tpu.memory_space<vmem>>, vector<1x1x16xf32>,
      %swap3A_230 = vector.shape_cast %swap3A_229 : vector<1x1x16xf32> to vector<16xf32>
      %swap3A_231 = vector.shape_cast %get3A_221 : vector<16xf32> to vector<1x1x16xf32>
      tpu.vector_store %arg7[%swap3A_226, %swap3A_227, %swap3A_228], %swap3A_231 {strides = array<i32>} : memref<2x200x64xf32, #tpu.memory_space<vmem>>, vector<1x1x16xf32>,
      %mul3A_232 = arith.constant 8 : i32
      %mul3A_233 = arith.muli %scan3A_212, %mul3A_232 : i32
      %add3A_234 = arith.constant 0 : i32
      %add3A_235 = arith.addi %mul3A_233, %add3A_234 : i32
      %get3A_236 = arith.constant 0 : i32
      %get3A_237 = arith.index_cast %get3A_236 : i32 to index
      %get3A_238 = arith.index_cast %add3A_235 : i32 to index
      %get3A_239 = arith.constant 16 : index
      %get3A_240 = tpu.vector_load %arg6[%get3A_237, %get3A_238, %get3A_239] {strides = array<i32>} : memref<2x200x128xf32, #tpu.memory_space<vmem>>, vector<1x1x16xf32>,
      %get3A_241 = vector.shape_cast %get3A_240 : vector<1x1x16xf32> to vector<16xf32>
      %mul3A_242 = arith.constant 8 : i32
      %mul3A_243 = arith.muli %scan3A_212, %mul3A_242 : i32
      %add3A_244 = arith.constant 0 : i32
      %add3A_245 = arith.addi %mul3A_243, %add3A_244 : i32
      %swap3A_246 = arith.constant 0 : i32
      %swap3A_247 = arith.index_cast %swap3A_246 : i32 to index
      %swap3A_248 = arith.index_cast %add3A_245 : i32 to index
      %swap3A_249 = arith.constant 16 : index
      %swap3A_250 = tpu.vector_load %arg7[%swap3A_247, %swap3A_248, %swap3A_249] {strides = array<i32>} : memref<2x200x64xf32, #tpu.memory_space<vmem>>, vector<1x1x16xf32>,
      %swap3A_251 = vector.shape_cast %swap3A_250 : vector<1x1x16xf32> to vector<16xf32>
      %swap3A_252 = vector.shape_cast %get3A_241 : vector<16xf32> to vector<1x1x16xf32>
      tpu.vector_store %arg7[%swap3A_247, %swap3A_248, %swap3A_249], %swap3A_252 {strides = array<i32>} : memref<2x200x64xf32, #tpu.memory_space<vmem>>, vector<1x1x16xf32>,
      %mul3A_253 = arith.constant 8 : i32
      %mul3A_254 = arith.muli %scan3A_212, %mul3A_253 : i32
      %add3A_255 = arith.constant 0 : i32
      %add3A_256 = arith.addi %mul3A_254, %add3A_255 : i32
      %get3A_257 = arith.constant 0 : i32
      %get3A_258 = arith.index_cast %get3A_257 : i32 to index
      %get3A_259 = arith.index_cast %add3A_256 : i32 to index
      %get3A_260 = arith.constant 32 : index
      %get3A_261 = tpu.vector_load %arg6[%get3A_258, %get3A_259, %get3A_260] {strides = array<i32>} : memref<2x200x128xf32, #tpu.memory_space<vmem>>, vector<1x1x16xf32>,
      %get3A_262 = vector.shape_cast %get3A_261 : vector<1x1x16xf32> to vector<16xf32>
      %mul3A_263 = arith.constant 8 : i32
      %mul3A_264 = arith.muli %scan3A_212, %mul3A_263 : i32
      %add3A_265 = arith.constant 0 : i32
      %add3A_266 = arith.addi %mul3A_264, %add3A_265 : i32
      %swap3A_267 = arith.constant 0 : i32
      %swap3A_268 = arith.index_cast %swap3A_267 : i32 to index
      %swap3A_269 = arith.index_cast %add3A_266 : i32 to index
      %swap3A_270 = arith.constant 32 : index
      %swap3A_271 = tpu.vector_load %arg7[%swap3A_268, %swap3A_269, %swap3A_270] {strides = array<i32>} : memref<2x200x64xf32, #tpu.memory_space<vmem>>, vector<1x1x16xf32>,
      %swap3A_272 = vector.shape_cast %swap3A_271 : vector<1x1x16xf32> to vector<16xf32>
      %swap3A_273 = vector.shape_cast %get3A_262 : vector<16xf32> to vector<1x1x16xf32>
      tpu.vector_store %arg7[%swap3A_268, %swap3A_269, %swap3A_270], %swap3A_273 {strides = array<i32>} : memref<2x200x64xf32, #tpu.memory_space<vmem>>, vector<1x1x16xf32>,
      %mul3A_274 = arith.constant 8 : i32
      %mul3A_275 = arith.muli %scan3A_212, %mul3A_274 : i32
      %add3A_276 = arith.constant 0 : i32
      %add3A_277 = arith.addi %mul3A_275, %add3A_276 : i32
      %get3A_278 = arith.constant 0 : i32
      %get3A_279 = arith.index_cast %get3A_278 : i32 to index
      %get3A_280 = arith.index_cast %add3A_277 : i32 to index
      %get3A_281 = arith.constant 48 : index
      %get3A_282 = tpu.vector_load %arg6[%get3A_279, %get3A_280, %get3A_281] {strides = array<i32>} : memref<2x200x128xf32, #tpu.memory_space<vmem>>, vector<1x1x16xf32>,
      %get3A_283 = vector.shape_cast %get3A_282 : vector<1x1x16xf32> to vector<16xf32>
      %mul3A_284 = arith.constant 8 : i32
      %mul3A_285 = arith.muli %scan3A_212, %mul3A_284 : i32
      %add3A_286 = arith.constant 0 : i32
      %add3A_287 = arith.addi %mul3A_285, %add3A_286 : i32
      %swap3A_288 = arith.constant 0 : i32
      %swap3A_289 = arith.index_cast %swap3A_288 : i32 to index
      %swap3A_290 = arith.index_cast %add3A_287 : i32 to index
      %swap3A_291 = arith.constant 48 : index
      %swap3A_292 = tpu.vector_load %arg7[%swap3A_289, %swap3A_290, %swap3A_291] {strides = array<i32>} : memref<2x200x64xf32, #tpu.memory_space<vmem>>, vector<1x1x16xf32>,
      %swap3A_293 = vector.shape_cast %swap3A_292 : vector<1x1x16xf32> to vector<16xf32>
      %swap3A_294 = vector.shape_cast %get3A_283 : vector<16xf32> to vector<1x1x16xf32>
      tpu.vector_store %arg7[%swap3A_289, %swap3A_290, %swap3A_291], %swap3A_294 {strides = array<i32>} : memref<2x200x64xf32, #tpu.memory_space<vmem>>, vector<1x1x16xf32>,
      %mul3A_295 = arith.constant 8 : i32
      %mul3A_296 = arith.muli %scan3A_212, %mul3A_295 : i32
      %add3A_297 = arith.constant 1 : i32
      %add3A_298 = arith.addi %mul3A_296, %add3A_297 : i32
      %get3A_299 = arith.constant 0 : i32
      %get3A_300 = arith.index_cast %get3A_299 : i32 to index
      %get3A_301 = arith.index_cast %add3A_298 : i32 to index
      %get3A_302 = arith.constant 0 : index
      %get3A_303 = tpu.vector_load %arg6[%get3A_300, %get3A_301, %get3A_302] {strides = array<i32>} : memref<2x200x128xf32, #tpu.memory_space<vmem>>, vector<1x1x16xf32>,
      %get3A_304 = vector.shape_cast %get3A_303 : vector<1x1x16xf32> to vector<16xf32>
      %mul3A_305 = arith.constant 8 : i32
      %mul3A_306 = arith.muli %scan3A_212, %mul3A_305 : i32
      %add3A_307 = arith.constant 1 : i32
      %add3A_308 = arith.addi %mul3A_306, %add3A_307 : i32
      %swap3A_309 = arith.constant 0 : i32
      %swap3A_310 = arith.index_cast %swap3A_309 : i32 to index
      %swap3A_311 = arith.index_cast %add3A_308 : i32 to index
      %swap3A_312 = arith.constant 0 : index
      %swap3A_313 = tpu.vector_load %arg7[%swap3A_310, %swap3A_311, %swap3A_312] {strides = array<i32>} : memref<2x200x64xf32, #tpu.memory_space<vmem>>, vector<1x1x16xf32>,
      %swap3A_314 = vector.shape_cast %swap3A_313 : vector<1x1x16xf32> to vector<16xf32>
      %swap3A_315 = vector.shape_cast %get3A_304 : vector<16xf32> to vector<1x1x16xf32>
      tpu.vector_store %arg7[%swap3A_310, %swap3A_311, %swap3A_312], %swap3A_315 {strides = array<i32>} : memref<2x200x64xf32, #tpu.memory_space<vmem>>, vector<1x1x16xf32>,
      %mul3A_316 = arith.constant 8 : i32
      %mul3A_317 = arith.muli %scan3A_212, %mul3A_316 : i32
      %add3A_318 = arith.constant 1 : i32
      %add3A_319 = arith.addi %mul3A_317, %add3A_318 : i32
      %get3A_320 = arith.constant 0 : i32
      %get3A_321 = arith.index_cast %get3A_320 : i32 to index
      %get3A_322 = arith.index_cast %add3A_319 : i32 to index
      %get3A_323 = arith.constant 16 : index
      %get3A_324 = tpu.vector_load %arg6[%get3A_321, %get3A_322, %get3A_323] {strides = array<i32>} : memref<2x200x128xf32, #tpu.memory_space<vmem>>, vector<1x1x16xf32>,
      %get3A_325 = vector.shape_cast %get3A_324 : vector<1x1x16xf32> to vector<16xf32>
      %mul3A_326 = arith.constant 8 : i32
      %mul3A_327 = arith.muli %scan3A_212, %mul3A_326 : i32
      %add3A_328 = arith.constant 1 : i32
      %add3A_329 = arith.addi %mul3A_327, %add3A_328 : i32
      %swap3A_330 = arith.constant 0 : i32
      %swap3A_331 = arith.index_cast %swap3A_330 : i32 to index
      %swap3A_332 = arith.index_cast %add3A_329 : i32 to index
      %swap3A_333 = arith.constant 16 : index
      %swap3A_334 = tpu.vector_load %arg7[%swap3A_331, %swap3A_332, %swap3A_333] {strides = array<i32>} : memref<2x200x64xf32, #tpu.memory_space<vmem>>, vector<1x1x16xf32>,
      %swap3A_335 = vector.shape_cast %swap3A_334 : vector<1x1x16xf32> to vector<16xf32>
      %swap3A_336 = vector.shape_cast %get3A_325 : vector<16xf32> to vector<1x1x16xf32>
      tpu.vector_store %arg7[%swap3A_331, %swap3A_332, %swap3A_333], %swap3A_336 {strides = array<i32>} : memref<2x200x64xf32, #tpu.memory_space<vmem>>, vector<1x1x16xf32>,
      %mul3A_337 = arith.constant 8 : i32
      %mul3A_338 = arith.muli %scan3A_212, %mul3A_337 : i32
      %add3A_339 = arith.constant 1 : i32
      %add3A_340 = arith.addi %mul3A_338, %add3A_339 : i32
      %get3A_341 = arith.constant 0 : i32
      %get3A_342 = arith.index_cast %get3A_341 : i32 to index
      %get3A_343 = arith.index_cast %add3A_340 : i32 to index
      %get3A_344 = arith.constant 32 : index
      %get3A_345 = tpu.vector_load %arg6[%get3A_342, %get3A_343, %get3A_344] {strides = array<i32>} : memref<2x200x128xf32, #tpu.memory_space<vmem>>, vector<1x1x16xf32>,
      %get3A_346 = vector.shape_cast %get3A_345 : vector<1x1x16xf32> to vector<16xf32>
      %mul3A_347 = arith.constant 8 : i32
      %mul3A_348 = arith.muli %scan3A_212, %mul3A_347 : i32
      %add3A_349 = arith.constant 1 : i32
      %add3A_350 = arith.addi %mul3A_348, %add3A_349 : i32
      %swap3A_351 = arith.constant 0 : i32
      %swap3A_352 = arith.index_cast %swap3A_351 : i32 to index
      %swap3A_353 = arith.index_cast %add3A_350 : i32 to index
      %swap3A_354 = arith.constant 32 : index
      %swap3A_355 = tpu.vector_load %arg7[%swap3A_352, %swap3A_353, %swap3A_354] {strides = array<i32>} : memref<2x200x64xf32, #tpu.memory_space<vmem>>, vector<1x1x16xf32>,
      %swap3A_356 = vector.shape_cast %swap3A_355 : vector<1x1x16xf32> to vector<16xf32>
      %swap3A_357 = vector.shape_cast %get3A_346 : vector<16xf32> to vector<1x1x16xf32>
      tpu.vector_store %arg7[%swap3A_352, %swap3A_353, %swap3A_354], %swap3A_357 {strides = array<i32>} : memref<2x200x64xf32, #tpu.memory_space<vmem>>, vector<1x1x16xf32>,
      %mul3A_358 = arith.constant 8 : i32
      %mul3A_359 = arith.muli %scan3A_212, %mul3A_358 : i32
      %add3A_360 = arith.constant 1 : i32
      %add3A_361 = arith.addi %mul3A_359, %add3A_360 : i32
      %get3A_362 = arith.constant 0 : i32
      %get3A_363 = arith.index_cast %get3A_362 : i32 to index
      %get3A_364 = arith.index_cast %add3A_361 : i32 to index
      %get3A_365 = arith.constant 48 : index
      %get3A_366 = tpu.vector_load %arg6[%get3A_363, %get3A_364, %get3A_365] {strides = array<i32>} : memref<2x200x128xf32, #tpu.memory_space<vmem>>, vector<1x1x16xf32>,
      %get3A_367 = vector.shape_cast %get3A_366 : vector<1x1x16xf32> to vector<16xf32>
      %mul3A_368 = arith.constant 8 : i32
      %mul3A_369 = arith.muli %scan3A_212, %mul3A_368 : i32
      %add3A_370 = arith.constant 1 : i32
      %add3A_371 = arith.addi %mul3A_369, %add3A_370 : i32
      %swap3A_372 = arith.constant 0 : i32
      %swap3A_373 = arith.index_cast %swap3A_372 : i32 to index
      %swap3A_374 = arith.index_cast %add3A_371 : i32 to index
      %swap3A_375 = arith.constant 48 : index
      %swap3A_376 = tpu.vector_load %arg7[%swap3A_373, %swap3A_374, %swap3A_375] {strides = array<i32>} : memref<2x200x64xf32, #tpu.memory_space<vmem>>, vector<1x1x16xf32>,
      %swap3A_377 = vector.shape_cast %swap3A_376 : vector<1x1x16xf32> to vector<16xf32>
      %swap3A_378 = vector.shape_cast %get3A_367 : vector<16xf32> to vector<1x1x16xf32>
      tpu.vector_store %arg7[%swap3A_373, %swap3A_374, %swap3A_375], %swap3A_378 {strides = array<i32>} : memref<2x200x64xf32, #tpu.memory_space<vmem>>, vector<1x1x16xf32>,
      %mul3A_379 = arith.constant 8 : i32
      %mul3A_380 = arith.muli %scan3A_212, %mul3A_379 : i32
      %add3A_381 = arith.constant 2 : i32
      %add3A_382 = arith.addi %mul3A_380, %add3A_381 : i32
      %get3A_383 = arith.constant 0 : i32
      %get3A_384 = arith.index_cast %get3A_383 : i32 to index
      %get3A_385 = arith.index_cast %add3A_382 : i32 to index
      %get3A_386 = arith.constant 0 : index
      %get3A_387 = tpu.vector_load %arg6[%get3A_384, %get3A_385, %get3A_386] {strides = array<i32>} : memref<2x200x128xf32, #tpu.memory_space<vmem>>, vector<1x1x16xf32>,
      %get3A_388 = vector.shape_cast %get3A_387 : vector<1x1x16xf32> to vector<16xf32>
      %mul3A_389 = arith.constant 8 : i32
      %mul3A_390 = arith.muli %scan3A_212, %mul3A_389 : i32
      %add3A_391 = arith.constant 2 : i32
      %add3A_392 = arith.addi %mul3A_390, %add3A_391 : i32
      %swap3A_393 = arith.constant 0 : i32
      %swap3A_394 = arith.index_cast %swap3A_393 : i32 to index
      %swap3A_395 = arith.index_cast %add3A_392 : i32 to index
      %swap3A_396 = arith.constant 0 : index
      %swap3A_397 = tpu.vector_load %arg7[%swap3A_394, %swap3A_395, %swap3A_396] {strides = array<i32>} : memref<2x200x64xf32, #tpu.memory_space<vmem>>, vector<1x1x16xf32>,
      %swap3A_398 = vector.shape_cast %swap3A_397 : vector<1x1x16xf32> to vector<16xf32>
      %swap3A_399 = vector.shape_cast %get3A_388 : vector<16xf32> to vector<1x1x16xf32>
      tpu.vector_store %arg7[%swap3A_394, %swap3A_395, %swap3A_396], %swap3A_399 {strides = array<i32>} : memref<2x200x64xf32, #tpu.memory_space<vmem>>, vector<1x1x16xf32>,
      %mul3A_400 = arith.constant 8 : i32
      %mul3A_401 = arith.muli %scan3A_212, %mul3A_400 : i32
      %add3A_402 = arith.constant 2 : i32
      %add3A_403 = arith.addi %mul3A_401, %add3A_402 : i32
      %get3A_404 = arith.constant 0 : i32
      %get3A_405 = arith.index_cast %get3A_404 : i32 to index
      %get3A_406 = arith.index_cast %add3A_403 : i32 to index
      %get3A_407 = arith.constant 16 : index
      %get3A_408 = tpu.vector_load %arg6[%get3A_405, %get3A_406, %get3A_407] {strides = array<i32>} : memref<2x200x128xf32, #tpu.memory_space<vmem>>, vector<1x1x16xf32>,
      %get3A_409 = vector.shape_cast %get3A_408 : vector<1x1x16xf32> to vector<16xf32>
      %mul3A_410 = arith.constant 8 : i32
      %mul3A_411 = arith.muli %scan3A_212, %mul3A_410 : i32
      %add3A_412 = arith.constant 2 : i32
      %add3A_413 = arith.addi %mul3A_411, %add3A_412 : i32
      %swap3A_414 = arith.constant 0 : i32
      %swap3A_415 = arith.index_cast %swap3A_414 : i32 to index
      %swap3A_416 = arith.index_cast %add3A_413 : i32 to index
      %swap3A_417 = arith.constant 16 : index
      %swap3A_418 = tpu.vector_load %arg7[%swap3A_415, %swap3A_416, %swap3A_417] {strides = array<i32>} : memref<2x200x64xf32, #tpu.memory_space<vmem>>, vector<1x1x16xf32>,
      %swap3A_419 = vector.shape_cast %swap3A_418 : vector<1x1x16xf32> to vector<16xf32>
      %swap3A_420 = vector.shape_cast %get3A_409 : vector<16xf32> to vector<1x1x16xf32>
      tpu.vector_store %arg7[%swap3A_415, %swap3A_416, %swap3A_417], %swap3A_420 {strides = array<i32>} : memref<2x200x64xf32, #tpu.memory_space<vmem>>, vector<1x1x16xf32>,
      %mul3A_421 = arith.constant 8 : i32
      %mul3A_422 = arith.muli %scan3A_212, %mul3A_421 : i32
      %add3A_423 = arith.constant 2 : i32
      %add3A_424 = arith.addi %mul3A_422, %add3A_423 : i32
      %get3A_425 = arith.constant 0 : i32
      %get3A_426 = arith.index_cast %get3A_425 : i32 to index
      %get3A_427 = arith.index_cast %add3A_424 : i32 to index
      %get3A_428 = arith.constant 32 : index
      %get3A_429 = tpu.vector_load %arg6[%get3A_426, %get3A_427, %get3A_428] {strides = array<i32>} : memref<2x200x128xf32, #tpu.memory_space<vmem>>, vector<1x1x16xf32>,
      %get3A_430 = vector.shape_cast %get3A_429 : vector<1x1x16xf32> to vector<16xf32>
      %mul3A_431 = arith.constant 8 : i32
      %mul3A_432 = arith.muli %scan3A_212, %mul3A_431 : i32
      %add3A_433 = arith.constant 2 : i32
      %add3A_434 = arith.addi %mul3A_432, %add3A_433 : i32
      %swap3A_435 = arith.constant 0 : i32
      %swap3A_436 = arith.index_cast %swap3A_435 : i32 to index
      %swap3A_437 = arith.index_cast %add3A_434 : i32 to index
      %swap3A_438 = arith.constant 32 : index
      %swap3A_439 = tpu.vector_load %arg7[%swap3A_436, %swap3A_437, %swap3A_438] {strides = array<i32>} : memref<2x200x64xf32, #tpu.memory_space<vmem>>, vector<1x1x16xf32>,
      %swap3A_440 = vector.shape_cast %swap3A_439 : vector<1x1x16xf32> to vector<16xf32>
      %swap3A_441 = vector.shape_cast %get3A_430 : vector<16xf32> to vector<1x1x16xf32>
      tpu.vector_store %arg7[%swap3A_436, %swap3A_437, %swap3A_438], %swap3A_441 {strides = array<i32>} : memref<2x200x64xf32, #tpu.memory_space<vmem>>, vector<1x1x16xf32>,
      %mul3A_442 = arith.constant 8 : i32
      %mul3A_443 = arith.muli %scan3A_212, %mul3A_442 : i32
      %add3A_444 = arith.constant 2 : i32
      %add3A_445 = arith.addi %mul3A_443, %add3A_444 : i32
      %get3A_446 = arith.constant 0 : i32
      %get3A_447 = arith.index_cast %get3A_446 : i32 to index
      %get3A_448 = arith.index_cast %add3A_445 : i32 to index
      %get3A_449 = arith.constant 48 : index
      %get3A_450 = tpu.vector_load %arg6[%get3A_447, %get3A_448, %get3A_449] {strides = array<i32>} : memref<2x200x128xf32, #tpu.memory_space<vmem>>, vector<1x1x16xf32>,
      %get3A_451 = vector.shape_cast %get3A_450 : vector<1x1x16xf32> to vector<16xf32>
      %mul3A_452 = arith.constant 8 : i32
      %mul3A_453 = arith.muli %scan3A_212, %mul3A_452 : i32
      %add3A_454 = arith.constant 2 : i32
      %add3A_455 = arith.addi %mul3A_453, %add3A_454 : i32
      %swap3A_456 = arith.constant 0 : i32
      %swap3A_457 = arith.index_cast %swap3A_456 : i32 to index
      %swap3A_458 = arith.index_cast %add3A_455 : i32 to index
      %swap3A_459 = arith.constant 48 : index
      %swap3A_460 = tpu.vector_load %arg7[%swap3A_457, %swap3A_458, %swap3A_459] {strides = array<i32>} : memref<2x200x64xf32, #tpu.memory_space<vmem>>, vector<1x1x16xf32>,
      %swap3A_461 = vector.shape_cast %swap3A_460 : vector<1x1x16xf32> to vector<16xf32>
      %swap3A_462 = vector.shape_cast %get3A_451 : vector<16xf32> to vector<1x1x16xf32>
      tpu.vector_store %arg7[%swap3A_457, %swap3A_458, %swap3A_459], %swap3A_462 {strides = array<i32>} : memref<2x200x64xf32, #tpu.memory_space<vmem>>, vector<1x1x16xf32>,
      %mul3A_463 = arith.constant 8 : i32
      %mul3A_464 = arith.muli %scan3A_212, %mul3A_463 : i32
      %add3A_465 = arith.constant 3 : i32
      %add3A_466 = arith.addi %mul3A_464, %add3A_465 : i32
      %get3A_467 = arith.constant 0 : i32
      %get3A_468 = arith.index_cast %get3A_467 : i32 to index
      %get3A_469 = arith.index_cast %add3A_466 : i32 to index
      %get3A_470 = arith.constant 0 : index
      %get3A_471 = tpu.vector_load %arg6[%get3A_468, %get3A_469, %get3A_470] {strides = array<i32>} : memref<2x200x128xf32, #tpu.memory_space<vmem>>, vector<1x1x16xf32>,
      %get3A_472 = vector.shape_cast %get3A_471 : vector<1x1x16xf32> to vector<16xf32>
      %mul3A_473 = arith.constant 8 : i32
      %mul3A_474 = arith.muli %scan3A_212, %mul3A_473 : i32
      %add3A_475 = arith.constant 3 : i32
      %add3A_476 = arith.addi %mul3A_474, %add3A_475 : i32
      %swap3A_477 = arith.constant 0 : i32
      %swap3A_478 = arith.index_cast %swap3A_477 : i32 to index
      %swap3A_479 = arith.index_cast %add3A_476 : i32 to index
      %swap3A_480 = arith.constant 0 : index
      %swap3A_481 = tpu.vector_load %arg7[%swap3A_478, %swap3A_479, %swap3A_480] {strides = array<i32>} : memref<2x200x64xf32, #tpu.memory_space<vmem>>, vector<1x1x16xf32>,
      %swap3A_482 = vector.shape_cast %swap3A_481 : vector<1x1x16xf32> to vector<16xf32>
      %swap3A_483 = vector.shape_cast %get3A_472 : vector<16xf32> to vector<1x1x16xf32>
      tpu.vector_store %arg7[%swap3A_478, %swap3A_479, %swap3A_480], %swap3A_483 {strides = array<i32>} : memref<2x200x64xf32, #tpu.memory_space<vmem>>, vector<1x1x16xf32>,
      %mul3A_484 = arith.constant 8 : i32
      %mul3A_485 = arith.muli %scan3A_212, %mul3A_484 : i32
      %add3A_486 = arith.constant 3 : i32
      %add3A_487 = arith.addi %mul3A_485, %add3A_486 : i32
      %get3A_488 = arith.constant 0 : i32
      %get3A_489 = arith.index_cast %get3A_488 : i32 to index
      %get3A_490 = arith.index_cast %add3A_487 : i32 to index
      %get3A_491 = arith.constant 16 : index
      %get3A_492 = tpu.vector_load %arg6[%get3A_489, %get3A_490, %get3A_491] {strides = array<i32>} : memref<2x200x128xf32, #tpu.memory_space<vmem>>, vector<1x1x16xf32>,
      %get3A_493 = vector.shape_cast %get3A_492 : vector<1x1x16xf32> to vector<16xf32>
      %mul3A_494 = arith.constant 8 : i32
      %mul3A_495 = arith.muli %scan3A_212, %mul3A_494 : i32
      %add3A_496 = arith.constant 3 : i32
      %add3A_497 = arith.addi %mul3A_495, %add3A_496 : i32
      %swap3A_498 = arith.constant 0 : i32
      %swap3A_499 = arith.index_cast %swap3A_498 : i32 to index
      %swap3A_500 = arith.index_cast %add3A_497 : i32 to index
      %swap3A_501 = arith.constant 16 : index
      %swap3A_502 = tpu.vector_load %arg7[%swap3A_499, %swap3A_500, %swap3A_501] {strides = array<i32>} : memref<2x200x64xf32, #tpu.memory_space<vmem>>, vector<1x1x16xf32>,
      %swap3A_503 = vector.shape_cast %swap3A_502 : vector<1x1x16xf32> to vector<16xf32>
      %swap3A_504 = vector.shape_cast %get3A_493 : vector<16xf32> to vector<1x1x16xf32>
      tpu.vector_store %arg7[%swap3A_499, %swap3A_500, %swap3A_501], %swap3A_504 {strides = array<i32>} : memref<2x200x64xf32, #tpu.memory_space<vmem>>, vector<1x1x16xf32>,
      %mul3A_505 = arith.constant 8 : i32
      %mul3A_506 = arith.muli %scan3A_212, %mul3A_505 : i32
      %add3A_507 = arith.constant 3 : i32
      %add3A_508 = arith.addi %mul3A_506, %add3A_507 : i32
      %get3A_509 = arith.constant 0 : i32
      %get3A_510 = arith.index_cast %get3A_509 : i32 to index
      %get3A_511 = arith.index_cast %add3A_508 : i32 to index
      %get3A_512 = arith.constant 32 : index
      %get3A_513 = tpu.vector_load %arg6[%get3A_510, %get3A_511, %get3A_512] {strides = array<i32>} : memref<2x200x128xf32, #tpu.memory_space<vmem>>, vector<1x1x16xf32>,
      %get3A_514 = vector.shape_cast %get3A_513 : vector<1x1x16xf32> to vector<16xf32>
      %mul3A_515 = arith.constant 8 : i32
      %mul3A_516 = arith.muli %scan3A_212, %mul3A_515 : i32
      %add3A_517 = arith.constant 3 : i32
      %add3A_518 = arith.addi %mul3A_516, %add3A_517 : i32
      %swap3A_519 = arith.constant 0 : i32
      %swap3A_520 = arith.index_cast %swap3A_519 : i32 to index
      %swap3A_521 = arith.index_cast %add3A_518 : i32 to index
      %swap3A_522 = arith.constant 32 : index
      %swap3A_523 = tpu.vector_load %arg7[%swap3A_520, %swap3A_521, %swap3A_522] {strides = array<i32>} : memref<2x200x64xf32, #tpu.memory_space<vmem>>, vector<1x1x16xf32>,
      %swap3A_524 = vector.shape_cast %swap3A_523 : vector<1x1x16xf32> to vector<16xf32>
      %swap3A_525 = vector.shape_cast %get3A_514 : vector<16xf32> to vector<1x1x16xf32>
      tpu.vector_store %arg7[%swap3A_520, %swap3A_521, %swap3A_522], %swap3A_525 {strides = array<i32>} : memref<2x200x64xf32, #tpu.memory_space<vmem>>, vector<1x1x16xf32>,
      %mul3A_526 = arith.constant 8 : i32
      %mul3A_527 = arith.muli %scan3A_212, %mul3A_526 : i32
      %add3A_528 = arith.constant 3 : i32
      %add3A_529 = arith.addi %mul3A_527, %add3A_528 : i32
      %get3A_530 = arith.constant 0 : i32
      %get3A_531 = arith.index_cast %get3A_530 : i32 to index
      %get3A_532 = arith.index_cast %add3A_529 : i32 to index
      %get3A_533 = arith.constant 48 : index
      %get3A_534 = tpu.vector_load %arg6[%get3A_531, %get3A_532, %get3A_533] {strides = array<i32>} : memref<2x200x128xf32, #tpu.memory_space<vmem>>, vector<1x1x16xf32>,
      %get3A_535 = vector.shape_cast %get3A_534 : vector<1x1x16xf32> to vector<16xf32>
      %mul3A_536 = arith.constant 8 : i32
      %mul3A_537 = arith.muli %scan3A_212, %mul3A_536 : i32
      %add3A_538 = arith.constant 3 : i32
      %add3A_539 = arith.addi %mul3A_537, %add3A_538 : i32
      %swap3A_540 = arith.constant 0 : i32
      %swap3A_541 = arith.index_cast %swap3A_540 : i32 to index
      %swap3A_542 = arith.index_cast %add3A_539 : i32 to index
      %swap3A_543 = arith.constant 48 : index
      %swap3A_544 = tpu.vector_load %arg7[%swap3A_541, %swap3A_542, %swap3A_543] {strides = array<i32>} : memref<2x200x64xf32, #tpu.memory_space<vmem>>, vector<1x1x16xf32>,
      %swap3A_545 = vector.shape_cast %swap3A_544 : vector<1x1x16xf32> to vector<16xf32>
      %swap3A_546 = vector.shape_cast %get3A_535 : vector<16xf32> to vector<1x1x16xf32>
      tpu.vector_store %arg7[%swap3A_541, %swap3A_542, %swap3A_543], %swap3A_546 {strides = array<i32>} : memref<2x200x64xf32, #tpu.memory_space<vmem>>, vector<1x1x16xf32>,
      %mul3A_547 = arith.constant 8 : i32
      %mul3A_548 = arith.muli %scan3A_212, %mul3A_547 : i32
      %add3A_549 = arith.constant 4 : i32
      %add3A_550 = arith.addi %mul3A_548, %add3A_549 : i32
      %get3A_551 = arith.constant 0 : i32
      %get3A_552 = arith.index_cast %get3A_551 : i32 to index
      %get3A_553 = arith.index_cast %add3A_550 : i32 to index
      %get3A_554 = arith.constant 0 : index
      %get3A_555 = tpu.vector_load %arg6[%get3A_552, %get3A_553, %get3A_554] {strides = array<i32>} : memref<2x200x128xf32, #tpu.memory_space<vmem>>, vector<1x1x16xf32>,
      %get3A_556 = vector.shape_cast %get3A_555 : vector<1x1x16xf32> to vector<16xf32>
      %mul3A_557 = arith.constant 8 : i32
      %mul3A_558 = arith.muli %scan3A_212, %mul3A_557 : i32
      %add3A_559 = arith.constant 4 : i32
      %add3A_560 = arith.addi %mul3A_558, %add3A_559 : i32
      %swap3A_561 = arith.constant 0 : i32
      %swap3A_562 = arith.index_cast %swap3A_561 : i32 to index
      %swap3A_563 = arith.index_cast %add3A_560 : i32 to index
      %swap3A_564 = arith.constant 0 : index
      %swap3A_565 = tpu.vector_load %arg7[%swap3A_562, %swap3A_563, %swap3A_564] {strides = array<i32>} : memref<2x200x64xf32, #tpu.memory_space<vmem>>, vector<1x1x16xf32>,
      %swap3A_566 = vector.shape_cast %swap3A_565 : vector<1x1x16xf32> to vector<16xf32>
      %swap3A_567 = vector.shape_cast %get3A_556 : vector<16xf32> to vector<1x1x16xf32>
      tpu.vector_store %arg7[%swap3A_562, %swap3A_563, %swap3A_564], %swap3A_567 {strides = array<i32>} : memref<2x200x64xf32, #tpu.memory_space<vmem>>, vector<1x1x16xf32>,
      %mul3A_568 = arith.constant 8 : i32
      %mul3A_569 = arith.muli %scan3A_212, %mul3A_568 : i32
      %add3A_570 = arith.constant 4 : i32
      %add3A_571 = arith.addi %mul3A_569, %add3A_570 : i32
      %get3A_572 = arith.constant 0 : i32
      %get3A_573 = arith.index_cast %get3A_572 : i32 to index
      %get3A_574 = arith.index_cast %add3A_571 : i32 to index
      %get3A_575 = arith.constant 16 : index
      %get3A_576 = tpu.vector_load %arg6[%get3A_573, %get3A_574, %get3A_575] {strides = array<i32>} : memref<2x200x128xf32, #tpu.memory_space<vmem>>, vector<1x1x16xf32>,
      %get3A_577 = vector.shape_cast %get3A_576 : vector<1x1x16xf32> to vector<16xf32>
      %mul3A_578 = arith.constant 8 : i32
      %mul3A_579 = arith.muli %scan3A_212, %mul3A_578 : i32
      %add3A_580 = arith.constant 4 : i32
      %add3A_581 = arith.addi %mul3A_579, %add3A_580 : i32
      %swap3A_582 = arith.constant 0 : i32
      %swap3A_583 = arith.index_cast %swap3A_582 : i32 to index
      %swap3A_584 = arith.index_cast %add3A_581 : i32 to index
      %swap3A_585 = arith.constant 16 : index
      %swap3A_586 = tpu.vector_load %arg7[%swap3A_583, %swap3A_584, %swap3A_585] {strides = array<i32>} : memref<2x200x64xf32, #tpu.memory_space<vmem>>, vector<1x1x16xf32>,
      %swap3A_587 = vector.shape_cast %swap3A_586 : vector<1x1x16xf32> to vector<16xf32>
      %swap3A_588 = vector.shape_cast %get3A_577 : vector<16xf32> to vector<1x1x16xf32>
      tpu.vector_store %arg7[%swap3A_583, %swap3A_584, %swap3A_585], %swap3A_588 {strides = array<i32>} : memref<2x200x64xf32, #tpu.memory_space<vmem>>, vector<1x1x16xf32>,
      %mul3A_589 = arith.constant 8 : i32
      %mul3A_590 = arith.muli %scan3A_212, %mul3A_589 : i32
      %add3A_591 = arith.constant 4 : i32
      %add3A_592 = arith.addi %mul3A_590, %add3A_591 : i32
      %get3A_593 = arith.constant 0 : i32
      %get3A_594 = arith.index_cast %get3A_593 : i32 to index
      %get3A_595 = arith.index_cast %add3A_592 : i32 to index
      %get3A_596 = arith.constant 32 : index
      %get3A_597 = tpu.vector_load %arg6[%get3A_594, %get3A_595, %get3A_596] {strides = array<i32>} : memref<2x200x128xf32, #tpu.memory_space<vmem>>, vector<1x1x16xf32>,
      %get3A_598 = vector.shape_cast %get3A_597 : vector<1x1x16xf32> to vector<16xf32>
      %mul3A_599 = arith.constant 8 : i32
      %mul3A_600 = arith.muli %scan3A_212, %mul3A_599 : i32
      %add3A_601 = arith.constant 4 : i32
      %add3A_602 = arith.addi %mul3A_600, %add3A_601 : i32
      %swap3A_603 = arith.constant 0 : i32
      %swap3A_604 = arith.index_cast %swap3A_603 : i32 to index
      %swap3A_605 = arith.index_cast %add3A_602 : i32 to index
      %swap3A_606 = arith.constant 32 : index
      %swap3A_607 = tpu.vector_load %arg7[%swap3A_604, %swap3A_605, %swap3A_606] {strides = array<i32>} : memref<2x200x64xf32, #tpu.memory_space<vmem>>, vector<1x1x16xf32>,
      %swap3A_608 = vector.shape_cast %swap3A_607 : vector<1x1x16xf32> to vector<16xf32>
      %swap3A_609 = vector.shape_cast %get3A_598 : vector<16xf32> to vector<1x1x16xf32>
      tpu.vector_store %arg7[%swap3A_604, %swap3A_605, %swap3A_606], %swap3A_609 {strides = array<i32>} : memref<2x200x64xf32, #tpu.memory_space<vmem>>, vector<1x1x16xf32>,
      %mul3A_610 = arith.constant 8 : i32
      %mul3A_611 = arith.muli %scan3A_212, %mul3A_610 : i32
      %add3A_612 = arith.constant 4 : i32
      %add3A_613 = arith.addi %mul3A_611, %add3A_612 : i32
      %get3A_614 = arith.constant 0 : i32
      %get3A_615 = arith.index_cast %get3A_614 : i32 to index
      %get3A_616 = arith.index_cast %add3A_613 : i32 to index
      %get3A_617 = arith.constant 48 : index
      %get3A_618 = tpu.vector_load %arg6[%get3A_615, %get3A_616, %get3A_617] {strides = array<i32>} : memref<2x200x128xf32, #tpu.memory_space<vmem>>, vector<1x1x16xf32>,
      %get3A_619 = vector.shape_cast %get3A_618 : vector<1x1x16xf32> to vector<16xf32>
      %mul3A_620 = arith.constant 8 : i32
      %mul3A_621 = arith.muli %scan3A_212, %mul3A_620 : i32
      %add3A_622 = arith.constant 4 : i32
      %add3A_623 = arith.addi %mul3A_621, %add3A_622 : i32
      %swap3A_624 = arith.constant 0 : i32
      %swap3A_625 = arith.index_cast %swap3A_624 : i32 to index
      %swap3A_626 = arith.index_cast %add3A_623 : i32 to index
      %swap3A_627 = arith.constant 48 : index
      %swap3A_628 = tpu.vector_load %arg7[%swap3A_625, %swap3A_626, %swap3A_627] {strides = array<i32>} : memref<2x200x64xf32, #tpu.memory_space<vmem>>, vector<1x1x16xf32>,
      %swap3A_629 = vector.shape_cast %swap3A_628 : vector<1x1x16xf32> to vector<16xf32>
      %swap3A_630 = vector.shape_cast %get3A_619 : vector<16xf32> to vector<1x1x16xf32>
      tpu.vector_store %arg7[%swap3A_625, %swap3A_626, %swap3A_627], %swap3A_630 {strides = array<i32>} : memref<2x200x64xf32, #tpu.memory_space<vmem>>, vector<1x1x16xf32>,
      %mul3A_631 = arith.constant 8 : i32
      %mul3A_632 = arith.muli %scan3A_212, %mul3A_631 : i32
      %add3A_633 = arith.constant 5 : i32
      %add3A_634 = arith.addi %mul3A_632, %add3A_633 : i32
      %get3A_635 = arith.constant 0 : i32
      %get3A_636 = arith.index_cast %get3A_635 : i32 to index
      %get3A_637 = arith.index_cast %add3A_634 : i32 to index
      %get3A_638 = arith.constant 0 : index
      %get3A_639 = tpu.vector_load %arg6[%get3A_636, %get3A_637, %get3A_638] {strides = array<i32>} : memref<2x200x128xf32, #tpu.memory_space<vmem>>, vector<1x1x16xf32>,
      %get3A_640 = vector.shape_cast %get3A_639 : vector<1x1x16xf32> to vector<16xf32>
      %mul3A_641 = arith.constant 8 : i32
      %mul3A_642 = arith.muli %scan3A_212, %mul3A_641 : i32
      %add3A_643 = arith.constant 5 : i32
      %add3A_644 = arith.addi %mul3A_642, %add3A_643 : i32
      %swap3A_645 = arith.constant 0 : i32
      %swap3A_646 = arith.index_cast %swap3A_645 : i32 to index
      %swap3A_647 = arith.index_cast %add3A_644 : i32 to index
      %swap3A_648 = arith.constant 0 : index
      %swap3A_649 = tpu.vector_load %arg7[%swap3A_646, %swap3A_647, %swap3A_648] {strides = array<i32>} : memref<2x200x64xf32, #tpu.memory_space<vmem>>, vector<1x1x16xf32>,
      %swap3A_650 = vector.shape_cast %swap3A_649 : vector<1x1x16xf32> to vector<16xf32>
      %swap3A_651 = vector.shape_cast %get3A_640 : vector<16xf32> to vector<1x1x16xf32>
      tpu.vector_store %arg7[%swap3A_646, %swap3A_647, %swap3A_648], %swap3A_651 {strides = array<i32>} : memref<2x200x64xf32, #tpu.memory_space<vmem>>, vector<1x1x16xf32>,
      %mul3A_652 = arith.constant 8 : i32
      %mul3A_653 = arith.muli %scan3A_212, %mul3A_652 : i32
      %add3A_654 = arith.constant 5 : i32
      %add3A_655 = arith.addi %mul3A_653, %add3A_654 : i32
      %get3A_656 = arith.constant 0 : i32
      %get3A_657 = arith.index_cast %get3A_656 : i32 to index
      %get3A_658 = arith.index_cast %add3A_655 : i32 to index
      %get3A_659 = arith.constant 16 : index
      %get3A_660 = tpu.vector_load %arg6[%get3A_657, %get3A_658, %get3A_659] {strides = array<i32>} : memref<2x200x128xf32, #tpu.memory_space<vmem>>, vector<1x1x16xf32>,
      %get3A_661 = vector.shape_cast %get3A_660 : vector<1x1x16xf32> to vector<16xf32>
      %mul3A_662 = arith.constant 8 : i32
      %mul3A_663 = arith.muli %scan3A_212, %mul3A_662 : i32
      %add3A_664 = arith.constant 5 : i32
      %add3A_665 = arith.addi %mul3A_663, %add3A_664 : i32
      %swap3A_666 = arith.constant 0 : i32
      %swap3A_667 = arith.index_cast %swap3A_666 : i32 to index
      %swap3A_668 = arith.index_cast %add3A_665 : i32 to index
      %swap3A_669 = arith.constant 16 : index
      %swap3A_670 = tpu.vector_load %arg7[%swap3A_667, %swap3A_668, %swap3A_669] {strides = array<i32>} : memref<2x200x64xf32, #tpu.memory_space<vmem>>, vector<1x1x16xf32>,
      %swap3A_671 = vector.shape_cast %swap3A_670 : vector<1x1x16xf32> to vector<16xf32>
      %swap3A_672 = vector.shape_cast %get3A_661 : vector<16xf32> to vector<1x1x16xf32>
      tpu.vector_store %arg7[%swap3A_667, %swap3A_668, %swap3A_669], %swap3A_672 {strides = array<i32>} : memref<2x200x64xf32, #tpu.memory_space<vmem>>, vector<1x1x16xf32>,
      %mul3A_673 = arith.constant 8 : i32
      %mul3A_674 = arith.muli %scan3A_212, %mul3A_673 : i32
      %add3A_675 = arith.constant 5 : i32
      %add3A_676 = arith.addi %mul3A_674, %add3A_675 : i32
      %get3A_677 = arith.constant 0 : i32
      %get3A_678 = arith.index_cast %get3A_677 : i32 to index
      %get3A_679 = arith.index_cast %add3A_676 : i32 to index
      %get3A_680 = arith.constant 32 : index
      %get3A_681 = tpu.vector_load %arg6[%get3A_678, %get3A_679, %get3A_680] {strides = array<i32>} : memref<2x200x128xf32, #tpu.memory_space<vmem>>, vector<1x1x16xf32>,
      %get3A_682 = vector.shape_cast %get3A_681 : vector<1x1x16xf32> to vector<16xf32>
      %mul3A_683 = arith.constant 8 : i32
      %mul3A_684 = arith.muli %scan3A_212, %mul3A_683 : i32
      %add3A_685 = arith.constant 5 : i32
      %add3A_686 = arith.addi %mul3A_684, %add3A_685 : i32
      %swap3A_687 = arith.constant 0 : i32
      %swap3A_688 = arith.index_cast %swap3A_687 : i32 to index
      %swap3A_689 = arith.index_cast %add3A_686 : i32 to index
      %swap3A_690 = arith.constant 32 : index
      %swap3A_691 = tpu.vector_load %arg7[%swap3A_688, %swap3A_689, %swap3A_690] {strides = array<i32>} : memref<2x200x64xf32, #tpu.memory_space<vmem>>, vector<1x1x16xf32>,
      %swap3A_692 = vector.shape_cast %swap3A_691 : vector<1x1x16xf32> to vector<16xf32>
      %swap3A_693 = vector.shape_cast %get3A_682 : vector<16xf32> to vector<1x1x16xf32>
      tpu.vector_store %arg7[%swap3A_688, %swap3A_689, %swap3A_690], %swap3A_693 {strides = array<i32>} : memref<2x200x64xf32, #tpu.memory_space<vmem>>, vector<1x1x16xf32>,
      %mul3A_694 = arith.constant 8 : i32
      %mul3A_695 = arith.muli %scan3A_212, %mul3A_694 : i32
      %add3A_696 = arith.constant 5 : i32
      %add3A_697 = arith.addi %mul3A_695, %add3A_696 : i32
      %get3A_698 = arith.constant 0 : i32
      %get3A_699 = arith.index_cast %get3A_698 : i32 to index
      %get3A_700 = arith.index_cast %add3A_697 : i32 to index
      %get3A_701 = arith.constant 48 : index
      %get3A_702 = tpu.vector_load %arg6[%get3A_699, %get3A_700, %get3A_701] {strides = array<i32>} : memref<2x200x128xf32, #tpu.memory_space<vmem>>, vector<1x1x16xf32>,
      %get3A_703 = vector.shape_cast %get3A_702 : vector<1x1x16xf32> to vector<16xf32>
      %mul3A_704 = arith.constant 8 : i32
      %mul3A_705 = arith.muli %scan3A_212, %mul3A_704 : i32
      %add3A_706 = arith.constant 5 : i32
      %add3A_707 = arith.addi %mul3A_705, %add3A_706 : i32
      %swap3A_708 = arith.constant 0 : i32
      %swap3A_709 = arith.index_cast %swap3A_708 : i32 to index
      %swap3A_710 = arith.index_cast %add3A_707 : i32 to index
      %swap3A_711 = arith.constant 48 : index
      %swap3A_712 = tpu.vector_load %arg7[%swap3A_709, %swap3A_710, %swap3A_711] {strides = array<i32>} : memref<2x200x64xf32, #tpu.memory_space<vmem>>, vector<1x1x16xf32>,
      %swap3A_713 = vector.shape_cast %swap3A_712 : vector<1x1x16xf32> to vector<16xf32>
      %swap3A_714 = vector.shape_cast %get3A_703 : vector<16xf32> to vector<1x1x16xf32>
      tpu.vector_store %arg7[%swap3A_709, %swap3A_710, %swap3A_711], %swap3A_714 {strides = array<i32>} : memref<2x200x64xf32, #tpu.memory_space<vmem>>, vector<1x1x16xf32>,
      %mul3A_715 = arith.constant 8 : i32
      %mul3A_716 = arith.muli %scan3A_212, %mul3A_715 : i32
      %add3A_717 = arith.constant 6 : i32
      %add3A_718 = arith.addi %mul3A_716, %add3A_717 : i32
      %get3A_719 = arith.constant 0 : i32
      %get3A_720 = arith.index_cast %get3A_719 : i32 to index
      %get3A_721 = arith.index_cast %add3A_718 : i32 to index
      %get3A_722 = arith.constant 0 : index
      %get3A_723 = tpu.vector_load %arg6[%get3A_720, %get3A_721, %get3A_722] {strides = array<i32>} : memref<2x200x128xf32, #tpu.memory_space<vmem>>, vector<1x1x16xf32>,
      %get3A_724 = vector.shape_cast %get3A_723 : vector<1x1x16xf32> to vector<16xf32>
      %mul3A_725 = arith.constant 8 : i32
      %mul3A_726 = arith.muli %scan3A_212, %mul3A_725 : i32
      %add3A_727 = arith.constant 6 : i32
      %add3A_728 = arith.addi %mul3A_726, %add3A_727 : i32
      %swap3A_729 = arith.constant 0 : i32
      %swap3A_730 = arith.index_cast %swap3A_729 : i32 to index
      %swap3A_731 = arith.index_cast %add3A_728 : i32 to index
      %swap3A_732 = arith.constant 0 : index
      %swap3A_733 = tpu.vector_load %arg7[%swap3A_730, %swap3A_731, %swap3A_732] {strides = array<i32>} : memref<2x200x64xf32, #tpu.memory_space<vmem>>, vector<1x1x16xf32>,
      %swap3A_734 = vector.shape_cast %swap3A_733 : vector<1x1x16xf32> to vector<16xf32>
      %swap3A_735 = vector.shape_cast %get3A_724 : vector<16xf32> to vector<1x1x16xf32>
      tpu.vector_store %arg7[%swap3A_730, %swap3A_731, %swap3A_732], %swap3A_735 {strides = array<i32>} : memref<2x200x64xf32, #tpu.memory_space<vmem>>, vector<1x1x16xf32>,
      %mul3A_736 = arith.constant 8 : i32
      %mul3A_737 = arith.muli %scan3A_212, %mul3A_736 : i32
      %add3A_738 = arith.constant 6 : i32
      %add3A_739 = arith.addi %mul3A_737, %add3A_738 : i32
      %get3A_740 = arith.constant 0 : i32
      %get3A_741 = arith.index_cast %get3A_740 : i32 to index
      %get3A_742 = arith.index_cast %add3A_739 : i32 to index
      %get3A_743 = arith.constant 16 : index
      %get3A_744 = tpu.vector_load %arg6[%get3A_741, %get3A_742, %get3A_743] {strides = array<i32>} : memref<2x200x128xf32, #tpu.memory_space<vmem>>, vector<1x1x16xf32>,
      %get3A_745 = vector.shape_cast %get3A_744 : vector<1x1x16xf32> to vector<16xf32>
      %mul3A_746 = arith.constant 8 : i32
      %mul3A_747 = arith.muli %scan3A_212, %mul3A_746 : i32
      %add3A_748 = arith.constant 6 : i32
      %add3A_749 = arith.addi %mul3A_747, %add3A_748 : i32
      %swap3A_750 = arith.constant 0 : i32
      %swap3A_751 = arith.index_cast %swap3A_750 : i32 to index
      %swap3A_752 = arith.index_cast %add3A_749 : i32 to index
      %swap3A_753 = arith.constant 16 : index
      %swap3A_754 = tpu.vector_load %arg7[%swap3A_751, %swap3A_752, %swap3A_753] {strides = array<i32>} : memref<2x200x64xf32, #tpu.memory_space<vmem>>, vector<1x1x16xf32>,
      %swap3A_755 = vector.shape_cast %swap3A_754 : vector<1x1x16xf32> to vector<16xf32>
      %swap3A_756 = vector.shape_cast %get3A_745 : vector<16xf32> to vector<1x1x16xf32>
      tpu.vector_store %arg7[%swap3A_751, %swap3A_752, %swap3A_753], %swap3A_756 {strides = array<i32>} : memref<2x200x64xf32, #tpu.memory_space<vmem>>, vector<1x1x16xf32>,
      %mul3A_757 = arith.constant 8 : i32
      %mul3A_758 = arith.muli %scan3A_212, %mul3A_757 : i32
      %add3A_759 = arith.constant 6 : i32
      %add3A_760 = arith.addi %mul3A_758, %add3A_759 : i32
      %get3A_761 = arith.constant 0 : i32
      %get3A_762 = arith.index_cast %get3A_761 : i32 to index
      %get3A_763 = arith.index_cast %add3A_760 : i32 to index
      %get3A_764 = arith.constant 32 : index
      %get3A_765 = tpu.vector_load %arg6[%get3A_762, %get3A_763, %get3A_764] {strides = array<i32>} : memref<2x200x128xf32, #tpu.memory_space<vmem>>, vector<1x1x16xf32>,
      %get3A_766 = vector.shape_cast %get3A_765 : vector<1x1x16xf32> to vector<16xf32>
      %mul3A_767 = arith.constant 8 : i32
      %mul3A_768 = arith.muli %scan3A_212, %mul3A_767 : i32
      %add3A_769 = arith.constant 6 : i32
      %add3A_770 = arith.addi %mul3A_768, %add3A_769 : i32
      %swap3A_771 = arith.constant 0 : i32
      %swap3A_772 = arith.index_cast %swap3A_771 : i32 to index
      %swap3A_773 = arith.index_cast %add3A_770 : i32 to index
      %swap3A_774 = arith.constant 32 : index
      %swap3A_775 = tpu.vector_load %arg7[%swap3A_772, %swap3A_773, %swap3A_774] {strides = array<i32>} : memref<2x200x64xf32, #tpu.memory_space<vmem>>, vector<1x1x16xf32>,
      %swap3A_776 = vector.shape_cast %swap3A_775 : vector<1x1x16xf32> to vector<16xf32>
      %swap3A_777 = vector.shape_cast %get3A_766 : vector<16xf32> to vector<1x1x16xf32>
      tpu.vector_store %arg7[%swap3A_772, %swap3A_773, %swap3A_774], %swap3A_777 {strides = array<i32>} : memref<2x200x64xf32, #tpu.memory_space<vmem>>, vector<1x1x16xf32>,
      %mul3A_778 = arith.constant 8 : i32
      %mul3A_779 = arith.muli %scan3A_212, %mul3A_778 : i32
      %add3A_780 = arith.constant 6 : i32
      %add3A_781 = arith.addi %mul3A_779, %add3A_780 : i32
      %get3A_782 = arith.constant 0 : i32
      %get3A_783 = arith.index_cast %get3A_782 : i32 to index
      %get3A_784 = arith.index_cast %add3A_781 : i32 to index
      %get3A_785 = arith.constant 48 : index
      %get3A_786 = tpu.vector_load %arg6[%get3A_783, %get3A_784, %get3A_785] {strides = array<i32>} : memref<2x200x128xf32, #tpu.memory_space<vmem>>, vector<1x1x16xf32>,
      %get3A_787 = vector.shape_cast %get3A_786 : vector<1x1x16xf32> to vector<16xf32>
      %mul3A_788 = arith.constant 8 : i32
      %mul3A_789 = arith.muli %scan3A_212, %mul3A_788 : i32
      %add3A_790 = arith.constant 6 : i32
      %add3A_791 = arith.addi %mul3A_789, %add3A_790 : i32
      %swap3A_792 = arith.constant 0 : i32
      %swap3A_793 = arith.index_cast %swap3A_792 : i32 to index
      %swap3A_794 = arith.index_cast %add3A_791 : i32 to index
      %swap3A_795 = arith.constant 48 : index
      %swap3A_796 = tpu.vector_load %arg7[%swap3A_793, %swap3A_794, %swap3A_795] {strides = array<i32>} : memref<2x200x64xf32, #tpu.memory_space<vmem>>, vector<1x1x16xf32>,
      %swap3A_797 = vector.shape_cast %swap3A_796 : vector<1x1x16xf32> to vector<16xf32>
      %swap3A_798 = vector.shape_cast %get3A_787 : vector<16xf32> to vector<1x1x16xf32>
      tpu.vector_store %arg7[%swap3A_793, %swap3A_794, %swap3A_795], %swap3A_798 {strides = array<i32>} : memref<2x200x64xf32, #tpu.memory_space<vmem>>, vector<1x1x16xf32>,
      %mul3A_799 = arith.constant 8 : i32
      %mul3A_800 = arith.muli %scan3A_212, %mul3A_799 : i32
      %add3A_801 = arith.constant 7 : i32
      %add3A_802 = arith.addi %mul3A_800, %add3A_801 : i32
      %get3A_803 = arith.constant 0 : i32
      %get3A_804 = arith.index_cast %get3A_803 : i32 to index
      %get3A_805 = arith.index_cast %add3A_802 : i32 to index
      %get3A_806 = arith.constant 0 : index
      %get3A_807 = tpu.vector_load %arg6[%get3A_804, %get3A_805, %get3A_806] {strides = array<i32>} : memref<2x200x128xf32, #tpu.memory_space<vmem>>, vector<1x1x16xf32>,
      %get3A_808 = vector.shape_cast %get3A_807 : vector<1x1x16xf32> to vector<16xf32>
      %mul3A_809 = arith.constant 8 : i32
      %mul3A_810 = arith.muli %scan3A_212, %mul3A_809 : i32
      %add3A_811 = arith.constant 7 : i32
      %add3A_812 = arith.addi %mul3A_810, %add3A_811 : i32
      %swap3A_813 = arith.constant 0 : i32
      %swap3A_814 = arith.index_cast %swap3A_813 : i32 to index
      %swap3A_815 = arith.index_cast %add3A_812 : i32 to index
      %swap3A_816 = arith.constant 0 : index
      %swap3A_817 = tpu.vector_load %arg7[%swap3A_814, %swap3A_815, %swap3A_816] {strides = array<i32>} : memref<2x200x64xf32, #tpu.memory_space<vmem>>, vector<1x1x16xf32>,
      %swap3A_818 = vector.shape_cast %swap3A_817 : vector<1x1x16xf32> to vector<16xf32>
      %swap3A_819 = vector.shape_cast %get3A_808 : vector<16xf32> to vector<1x1x16xf32>
      tpu.vector_store %arg7[%swap3A_814, %swap3A_815, %swap3A_816], %swap3A_819 {strides = array<i32>} : memref<2x200x64xf32, #tpu.memory_space<vmem>>, vector<1x1x16xf32>,
      %mul3A_820 = arith.constant 8 : i32
      %mul3A_821 = arith.muli %scan3A_212, %mul3A_820 : i32
      %add3A_822 = arith.constant 7 : i32
      %add3A_823 = arith.addi %mul3A_821, %add3A_822 : i32
      %get3A_824 = arith.constant 0 : i32
      %get3A_825 = arith.index_cast %get3A_824 : i32 to index
      %get3A_826 = arith.index_cast %add3A_823 : i32 to index
      %get3A_827 = arith.constant 16 : index
      %get3A_828 = tpu.vector_load %arg6[%get3A_825, %get3A_826, %get3A_827] {strides = array<i32>} : memref<2x200x128xf32, #tpu.memory_space<vmem>>, vector<1x1x16xf32>,
      %get3A_829 = vector.shape_cast %get3A_828 : vector<1x1x16xf32> to vector<16xf32>
      %mul3A_830 = arith.constant 8 : i32
      %mul3A_831 = arith.muli %scan3A_212, %mul3A_830 : i32
      %add3A_832 = arith.constant 7 : i32
      %add3A_833 = arith.addi %mul3A_831, %add3A_832 : i32
      %swap3A_834 = arith.constant 0 : i32
      %swap3A_835 = arith.index_cast %swap3A_834 : i32 to index
      %swap3A_836 = arith.index_cast %add3A_833 : i32 to index
      %swap3A_837 = arith.constant 16 : index
      %swap3A_838 = tpu.vector_load %arg7[%swap3A_835, %swap3A_836, %swap3A_837] {strides = array<i32>} : memref<2x200x64xf32, #tpu.memory_space<vmem>>, vector<1x1x16xf32>,
      %swap3A_839 = vector.shape_cast %swap3A_838 : vector<1x1x16xf32> to vector<16xf32>
      %swap3A_840 = vector.shape_cast %get3A_829 : vector<16xf32> to vector<1x1x16xf32>
      tpu.vector_store %arg7[%swap3A_835, %swap3A_836, %swap3A_837], %swap3A_840 {strides = array<i32>} : memref<2x200x64xf32, #tpu.memory_space<vmem>>, vector<1x1x16xf32>,
      %mul3A_841 = arith.constant 8 : i32
      %mul3A_842 = arith.muli %scan3A_212, %mul3A_841 : i32
      %add3A_843 = arith.constant 7 : i32
      %add3A_844 = arith.addi %mul3A_842, %add3A_843 : i32
      %get3A_845 = arith.constant 0 : i32
      %get3A_846 = arith.index_cast %get3A_845 : i32 to index
      %get3A_847 = arith.index_cast %add3A_844 : i32 to index
      %get3A_848 = arith.constant 32 : index
      %get3A_849 = tpu.vector_load %arg6[%get3A_846, %get3A_847, %get3A_848] {strides = array<i32>} : memref<2x200x128xf32, #tpu.memory_space<vmem>>, vector<1x1x16xf32>,
      %get3A_850 = vector.shape_cast %get3A_849 : vector<1x1x16xf32> to vector<16xf32>
      %mul3A_851 = arith.constant 8 : i32
      %mul3A_852 = arith.muli %scan3A_212, %mul3A_851 : i32
      %add3A_853 = arith.constant 7 : i32
      %add3A_854 = arith.addi %mul3A_852, %add3A_853 : i32
      %swap3A_855 = arith.constant 0 : i32
      %swap3A_856 = arith.index_cast %swap3A_855 : i32 to index
      %swap3A_857 = arith.index_cast %add3A_854 : i32 to index
      %swap3A_858 = arith.constant 32 : index
      %swap3A_859 = tpu.vector_load %arg7[%swap3A_856, %swap3A_857, %swap3A_858] {strides = array<i32>} : memref<2x200x64xf32, #tpu.memory_space<vmem>>, vector<1x1x16xf32>,
      %swap3A_860 = vector.shape_cast %swap3A_859 : vector<1x1x16xf32> to vector<16xf32>
      %swap3A_861 = vector.shape_cast %get3A_850 : vector<16xf32> to vector<1x1x16xf32>
      tpu.vector_store %arg7[%swap3A_856, %swap3A_857, %swap3A_858], %swap3A_861 {strides = array<i32>} : memref<2x200x64xf32, #tpu.memory_space<vmem>>, vector<1x1x16xf32>,
      %mul3A_862 = arith.constant 8 : i32
      %mul3A_863 = arith.muli %scan3A_212, %mul3A_862 : i32
      %add3A_864 = arith.constant 7 : i32
      %add3A_865 = arith.addi %mul3A_863, %add3A_864 : i32
      %get3A_866 = arith.constant 0 : i32
      %get3A_867 = arith.index_cast %get3A_866 : i32 to index
      %get3A_868 = arith.index_cast %add3A_865 : i32 to index
      %get3A_869 = arith.constant 48 : index
      %get3A_870 = tpu.vector_load %arg6[%get3A_867, %get3A_868, %get3A_869] {strides = array<i32>} : memref<2x200x128xf32, #tpu.memory_space<vmem>>, vector<1x1x16xf32>,
      %get3A_871 = vector.shape_cast %get3A_870 : vector<1x1x16xf32> to vector<16xf32>
      %mul3A_872 = arith.constant 8 : i32
      %mul3A_873 = arith.muli %scan3A_212, %mul3A_872 : i32
      %add3A_874 = arith.constant 7 : i32
      %add3A_875 = arith.addi %mul3A_873, %add3A_874 : i32
      %swap3A_876 = arith.constant 0 : i32
      %swap3A_877 = arith.index_cast %swap3A_876 : i32 to index
      %swap3A_878 = arith.index_cast %add3A_875 : i32 to index
      %swap3A_879 = arith.constant 48 : index
      %swap3A_880 = tpu.vector_load %arg7[%swap3A_877, %swap3A_878, %swap3A_879] {strides = array<i32>} : memref<2x200x64xf32, #tpu.memory_space<vmem>>, vector<1x1x16xf32>,
      %swap3A_881 = vector.shape_cast %swap3A_880 : vector<1x1x16xf32> to vector<16xf32>
      %swap3A_882 = vector.shape_cast %get3A_871 : vector<16xf32> to vector<1x1x16xf32>
      tpu.vector_store %arg7[%swap3A_877, %swap3A_878, %swap3A_879], %swap3A_882 {strides = array<i32>} : memref<2x200x64xf32, #tpu.memory_space<vmem>>, vector<1x1x16xf32>,
    }
    %scan3A_85 = arith.constant 25 : i32
    %add3A_86 = arith.constant 0 : i32
    %add3A_87 = arith.addi %mul3A_2, %add3A_86 : i32
    %dma_start3A_88 = arith.constant 0 : i32
    %dma_start3A_89 = arith.constant 0 : i32
    %dma_start3A_90 = arith.constant 0 : i32
    %dma_start3A_91 = arith.constant 0 : i32
    %dma_start3A_92 = tpu.memref_slice %arg7[%dma_start3A_88, %dma_start3A_90, %dma_start3A_91] : memref<2x200x64xf32, #tpu.memory_space<vmem>> -> memref<1x200x64xf32, #tpu.memory_space<vmem>>
    %dma_start3A_93 = tpu.memref_squeeze %dma_start3A_92 : memref<1x200x64xf32, #tpu.memory_space<vmem>> -> memref<200x64xf32, #tpu.memory_space<vmem>>
    %dma_start3A_94 = arith.constant 0 : i32
    %dma_start3A_95 = arith.constant 0 : i32
    %dma_start3A_96 = tpu.memref_slice %arg4[%add3A_87, %dma_start3A_94, %dma_start3A_95] : memref<4096x200x64xf32, #tpu.memory_space<hbm>> -> memref<1x200x64xf32, #tpu.memory_space<hbm>>
    %dma_start3A_97 = tpu.memref_squeeze %dma_start3A_96 : memref<1x200x64xf32, #tpu.memory_space<hbm>> -> memref<200x64xf32, #tpu.memory_space<hbm>>
    %dma_start3A_98 = tpu.memref_slice %arg9[%dma_start3A_89] : memref<2x!tpu.dma_semaphore, #tpu.memory_space<semaphore_mem>> -> memref<1x!tpu.dma_semaphore, #tpu.memory_space<semaphore_mem>>
    %dma_start3A_99 = tpu.memref_squeeze %dma_start3A_98 : memref<1x!tpu.dma_semaphore, #tpu.memory_space<semaphore_mem>> -> memref<!tpu.dma_semaphore, #tpu.memory_space<semaphore_mem>>
    %dma_start3A_100 = arith.constant 0 : i32
    %dma_start3A_101 = arith.constant 0 : i32
    %dma_start3A_102 = tpu.memref_slice %arg4[%add3A_87, %dma_start3A_100, %dma_start3A_101] : memref<4096x200x64xf32, #tpu.memory_space<hbm>> -> memref<1x200x64xf32, #tpu.memory_space<hbm>>
    %dma_start3A_103 = tpu.memref_squeeze %dma_start3A_102 : memref<1x200x64xf32, #tpu.memory_space<hbm>> -> memref<200x64xf32, #tpu.memory_space<hbm>>
    %dma_start3A_104 = arith.constant 0 : i32
    %dma_start3A_105 = arith.constant 0 : i32
    %dma_start3A_106 = tpu.memref_slice %arg7[%dma_start3A_88, %dma_start3A_104, %dma_start3A_105] : memref<2x200x64xf32, #tpu.memory_space<vmem>> -> memref<1x200x64xf32, #tpu.memory_space<vmem>>
    %dma_start3A_107 = tpu.memref_squeeze %dma_start3A_106 : memref<1x200x64xf32, #tpu.memory_space<vmem>> -> memref<200x64xf32, #tpu.memory_space<vmem>>
    tpu.enqueue_dma source(%dma_start3A_107 : memref<200x64xf32, #tpu.memory_space<vmem>>) target(%dma_start3A_103 : memref<200x64xf32, #tpu.memory_space<hbm>>) target_semaphore(%dma_start3A_99 : memref<!tpu.dma_semaphore, #tpu.memory_space<semaphore_mem>>)
    %scan3A_108 = arith.constant 0 : i32
    %scan3A_109 = arith.constant 0 : i32
    %scan3A_110 = arith.constant 63 : i32
    %scan3A_111 = arith.addi %scan3A_109, %scan3A_110 : i32
    %scan3A_112 = arith.constant 1 : i32
    scf.for %scan3A_212 = %scan3A_109 to %scan3A_111 step %scan3A_112  : i32 {
      %mul3A_213 = arith.constant 2 : i32
      %mul3A_214 = arith.muli %mul3A_213, %scan3A_212 : i32
      %add3A_215 = arith.constant 1 : i32
      %add3A_216 = arith.addi %mul3A_214, %add3A_215 : i32
      %sub3A = arith.constant 1 : i32
      %sub3A_217 = arith.subi %add3A_216, %sub3A : i32
      %add3A_218 = arith.addi %mul3A_2, %sub3A_217 : i32
      %dma_wait3A_219 = arith.constant 0 : i32
      %dma_wait3A_220 = arith.constant 0 : i32
      %dma_wait3A_221 = arith.constant 0 : i32
      %dma_wait3A_222 = arith.constant 0 : i32
      %dma_wait3A_223 = tpu.memref_slice %arg7[%dma_wait3A_219, %dma_wait3A_221, %dma_wait3A_222] : memref<2x200x64xf32, #tpu.memory_space<vmem>> -> memref<1x200x64xf32, #tpu.memory_space<vmem>>
      %dma_wait3A_224 = tpu.memref_squeeze %dma_wait3A_223 : memref<1x200x64xf32, #tpu.memory_space<vmem>> -> memref<200x64xf32, #tpu.memory_space<vmem>>
      %dma_wait3A_225 = arith.constant 0 : i32
      %dma_wait3A_226 = arith.constant 0 : i32
      %dma_wait3A_227 = tpu.memref_slice %arg4[%add3A_218, %dma_wait3A_225, %dma_wait3A_226] : memref<4096x200x64xf32, #tpu.memory_space<hbm>> -> memref<1x200x64xf32, #tpu.memory_space<hbm>>
      %dma_wait3A_228 = tpu.memref_squeeze %dma_wait3A_227 : memref<1x200x64xf32, #tpu.memory_space<hbm>> -> memref<200x64xf32, #tpu.memory_space<hbm>>
      %dma_wait3A_229 = tpu.memref_slice %arg9[%dma_wait3A_220] : memref<2x!tpu.dma_semaphore, #tpu.memory_space<semaphore_mem>> -> memref<1x!tpu.dma_semaphore, #tpu.memory_space<semaphore_mem>>
      %dma_wait3A_230 = tpu.memref_squeeze %dma_wait3A_229 : memref<1x!tpu.dma_semaphore, #tpu.memory_space<semaphore_mem>> -> memref<!tpu.dma_semaphore, #tpu.memory_space<semaphore_mem>>
      %dma_wait3A_231 = arith.constant 0 : i32
      %dma_wait3A_232 = arith.constant 0 : i32
      %dma_wait3A_233 = tpu.memref_slice %arg4[%add3A_218, %dma_wait3A_231, %dma_wait3A_232] : memref<4096x200x64xf32, #tpu.memory_space<hbm>> -> memref<1x200x64xf32, #tpu.memory_space<hbm>>
      %dma_wait3A_234 = tpu.memref_squeeze %dma_wait3A_233 : memref<1x200x64xf32, #tpu.memory_space<hbm>> -> memref<200x64xf32, #tpu.memory_space<hbm>>
      %dma_wait3A_235 = arith.constant 0 : i32
      %dma_wait3A_236 = arith.constant 0 : i32
      %dma_wait3A_237 = tpu.memref_slice %arg7[%dma_wait3A_219, %dma_wait3A_235, %dma_wait3A_236] : memref<2x200x64xf32, #tpu.memory_space<vmem>> -> memref<1x200x64xf32, #tpu.memory_space<vmem>>
      %dma_wait3A_238 = tpu.memref_squeeze %dma_wait3A_237 : memref<1x200x64xf32, #tpu.memory_space<vmem>> -> memref<200x64xf32, #tpu.memory_space<vmem>>
      tpu.wait_dma2 semaphore(%dma_wait3A_230 : memref<!tpu.dma_semaphore, #tpu.memory_space<semaphore_mem>>) src(%dma_wait3A_238 : memref<200x64xf32, #tpu.memory_space<vmem>>) dst(%dma_wait3A_234 : memref<200x64xf32, #tpu.memory_space<hbm>>)
      %add3A_239 = arith.constant 1 : i32
      %add3A_240 = arith.addi %add3A_216, %add3A_239 : i32
      %mul3A_241 = arith.constant 200 : i32
      %mul3A_242 = arith.muli %add3A_240, %mul3A_241 : i32
      %dma_start3A_243 = arith.constant 0 : i32
      %dma_start3A_244 = arith.constant 0 : i32
      %dma_start3A_245 = arith.constant 0 : i32
      %dma_start3A_246 = arith.constant 0 : i32
      %dma_start3A_247 = tpu.memref_slice %arg6[%dma_start3A_243, %dma_start3A_245, %dma_start3A_246] : memref<2x200x128xf32, #tpu.memory_space<vmem>> -> memref<1x128x128xf32, #tpu.memory_space<vmem>>
      %dma_start3A_248 = tpu.memref_squeeze %dma_start3A_247 : memref<1x128x128xf32, #tpu.memory_space<vmem>> -> memref<128x128xf32, #tpu.memory_space<vmem>>
      %dma_start3A_249 = tpu.memref_slice %arg5[%mul3A_242] : memref<25600xi32, #tpu.memory_space<vmem>> -> memref<128xi32, #tpu.memory_space<vmem>>
      %dma_start3A_250 = arith.constant 0 : i32
      %dma_start3A_251 = arith.constant 0 : i32
      %dma_start3A_252 = tpu.memref_slice %arg3[%dma_start3A_250, %dma_start3A_251] : memref<1000000x128xf32, #tpu.memory_space<hbm>> -> memref<1000000x128xf32, #tpu.memory_space<hbm>>
      %dma_start3A_253 = tpu.memref_slice %arg8[%dma_start3A_244] : memref<2x!tpu.dma_semaphore, #tpu.memory_space<semaphore_mem>> -> memref<1x!tpu.dma_semaphore, #tpu.memory_space<semaphore_mem>>
      %dma_start3A_254 = tpu.memref_squeeze %dma_start3A_253 : memref<1x!tpu.dma_semaphore, #tpu.memory_space<semaphore_mem>> -> memref<!tpu.dma_semaphore, #tpu.memory_space<semaphore_mem>>
      tpu.enqueue_indirect_dma source(%dma_start3A_252 : memref<1000000x128xf32, #tpu.memory_space<hbm>>) target(%dma_start3A_248 : memref<128x128xf32, #tpu.memory_space<vmem>>) offsets(%dma_start3A_249 : memref<128xi32, #tpu.memory_space<vmem>>) semaphore(%dma_start3A_254 : memref<!tpu.dma_semaphore, #tpu.memory_space<semaphore_mem>>)
      %add3A_255 = arith.constant 128 : i32
      %add3A_256 = arith.addi %mul3A_242, %add3A_255 : i32
      %dma_start3A_257 = arith.constant 0 : i32
      %dma_start3A_258 = arith.constant 0 : i32
      %dma_start3A_259 = arith.constant 128 : i32
      %dma_start3A_260 = arith.constant 0 : i32
      %dma_start3A_261 = tpu.memref_slice %arg6[%dma_start3A_257, %dma_start3A_259, %dma_start3A_260] : memref<2x200x128xf32, #tpu.memory_space<vmem>> -> memref<1x72x128xf32, #tpu.memory_space<vmem>>
      %dma_start3A_262 = tpu.memref_squeeze %dma_start3A_261 : memref<1x72x128xf32, #tpu.memory_space<vmem>> -> memref<72x128xf32, #tpu.memory_space<vmem>>
      %dma_start3A_263 = tpu.memref_slice %arg5[%add3A_256] : memref<25600xi32, #tpu.memory_space<vmem>> -> memref<72xi32, #tpu.memory_space<vmem>>
      %dma_start3A_264 = arith.constant 0 : i32
      %dma_start3A_265 = arith.constant 0 : i32
      %dma_start3A_266 = tpu.memref_slice %arg3[%dma_start3A_264, %dma_start3A_265] : memref<1000000x128xf32, #tpu.memory_space<hbm>> -> memref<1000000x128xf32, #tpu.memory_space<hbm>>
      %dma_start3A_267 = tpu.memref_slice %arg8[%dma_start3A_258] : memref<2x!tpu.dma_semaphore, #tpu.memory_space<semaphore_mem>> -> memref<1x!tpu.dma_semaphore, #tpu.memory_space<semaphore_mem>>
      %dma_start3A_268 = tpu.memref_squeeze %dma_start3A_267 : memref<1x!tpu.dma_semaphore, #tpu.memory_space<semaphore_mem>> -> memref<!tpu.dma_semaphore, #tpu.memory_space<semaphore_mem>>
      tpu.enqueue_indirect_dma source(%dma_start3A_266 : memref<1000000x128xf32, #tpu.memory_space<hbm>>) target(%dma_start3A_262 : memref<72x128xf32, #tpu.memory_space<vmem>>) offsets(%dma_start3A_263 : memref<72xi32, #tpu.memory_space<vmem>>) semaphore(%dma_start3A_268 : memref<!tpu.dma_semaphore, #tpu.memory_space<semaphore_mem>>)
      %mul3A_269 = arith.constant 200 : i32
      %mul3A_270 = arith.muli %add3A_216, %mul3A_269 : i32
      %dma_wait3A_271 = arith.constant 1 : i32
      %dma_wait3A_272 = arith.constant 1 : i32
      %dma_wait3A_273 = arith.constant 0 : i32
      %dma_wait3A_274 = arith.constant 0 : i32
      %dma_wait3A_275 = tpu.memref_slice %arg6[%dma_wait3A_271, %dma_wait3A_273, %dma_wait3A_274] : memref<2x200x128xf32, #tpu.memory_space<vmem>> -> memref<1x128x128xf32, #tpu.memory_space<vmem>>
      %dma_wait3A_276 = tpu.memref_squeeze %dma_wait3A_275 : memref<1x128x128xf32, #tpu.memory_space<vmem>> -> memref<128x128xf32, #tpu.memory_space<vmem>>
      %dma_wait3A_277 = tpu.memref_slice %arg5[%mul3A_270] : memref<25600xi32, #tpu.memory_space<vmem>> -> memref<128xi32, #tpu.memory_space<vmem>>
      %dma_wait3A_278 = arith.constant 0 : i32
      %dma_wait3A_279 = arith.constant 0 : i32
      %dma_wait3A_280 = tpu.memref_slice %arg3[%dma_wait3A_278, %dma_wait3A_279] : memref<1000000x128xf32, #tpu.memory_space<hbm>> -> memref<1000000x128xf32, #tpu.memory_space<hbm>>
      %dma_wait3A_281 = tpu.memref_slice %arg8[%dma_wait3A_272] : memref<2x!tpu.dma_semaphore, #tpu.memory_space<semaphore_mem>> -> memref<1x!tpu.dma_semaphore, #tpu.memory_space<semaphore_mem>>
      %dma_wait3A_282 = tpu.memref_squeeze %dma_wait3A_281 : memref<1x!tpu.dma_semaphore, #tpu.memory_space<semaphore_mem>> -> memref<!tpu.dma_semaphore, #tpu.memory_space<semaphore_mem>>
      tpu.wait_indirect_dma semaphore(%dma_wait3A_282 : memref<!tpu.dma_semaphore, #tpu.memory_space<semaphore_mem>>) src(%dma_wait3A_280 : memref<1000000x128xf32, #tpu.memory_space<hbm>>) dst(%dma_wait3A_276 : memref<128x128xf32, #tpu.memory_space<vmem>>)
      %add3A_283 = arith.constant 128 : i32
      %add3A_284 = arith.addi %mul3A_270, %add3A_283 : i32
      %dma_wait3A_285 = arith.constant 1 : i32
      %dma_wait3A_286 = arith.constant 1 : i32
      %dma_wait3A_287 = arith.constant 128 : i32
      %dma_wait3A_288 = arith.constant 0 : i32
      %dma_wait3A_289 = tpu.memref_slice %arg6[%dma_wait3A_285, %dma_wait3A_287, %dma_wait3A_288] : memref<2x200x128xf32, #tpu.memory_space<vmem>> -> memref<1x72x128xf32, #tpu.memory_space<vmem>>
      %dma_wait3A_290 = tpu.memref_squeeze %dma_wait3A_289 : memref<1x72x128xf32, #tpu.memory_space<vmem>> -> memref<72x128xf32, #tpu.memory_space<vmem>>
      %dma_wait3A_291 = tpu.memref_slice %arg5[%add3A_284] : memref<25600xi32, #tpu.memory_space<vmem>> -> memref<72xi32, #tpu.memory_space<vmem>>
      %dma_wait3A_292 = arith.constant 0 : i32
      %dma_wait3A_293 = arith.constant 0 : i32
      %dma_wait3A_294 = tpu.memref_slice %arg3[%dma_wait3A_292, %dma_wait3A_293] : memref<1000000x128xf32, #tpu.memory_space<hbm>> -> memref<1000000x128xf32, #tpu.memory_space<hbm>>
      %dma_wait3A_295 = tpu.memref_slice %arg8[%dma_wait3A_286] : memref<2x!tpu.dma_semaphore, #tpu.memory_space<semaphore_mem>> -> memref<1x!tpu.dma_semaphore, #tpu.memory_space<semaphore_mem>>
      %dma_wait3A_296 = tpu.memref_squeeze %dma_wait3A_295 : memref<1x!tpu.dma_semaphore, #tpu.memory_space<semaphore_mem>> -> memref<!tpu.dma_semaphore, #tpu.memory_space<semaphore_mem>>
      tpu.wait_indirect_dma semaphore(%dma_wait3A_296 : memref<!tpu.dma_semaphore, #tpu.memory_space<semaphore_mem>>) src(%dma_wait3A_294 : memref<1000000x128xf32, #tpu.memory_space<hbm>>) dst(%dma_wait3A_290 : memref<72x128xf32, #tpu.memory_space<vmem>>)
      %scan3A_297 = arith.constant 0 : i32
      %scan3A_298 = arith.constant 0 : i32
      %scan3A_299 = arith.constant 25 : i32
      %scan3A_300 = arith.addi %scan3A_298, %scan3A_299 : i32
      %scan3A_301 = arith.constant 1 : i32
      scf.for %scan3A_436 = %scan3A_298 to %scan3A_300 step %scan3A_301  : i32 {
        %mul3A_437 = arith.constant 8 : i32
        %mul3A_438 = arith.muli %scan3A_436, %mul3A_437 : i32
        %add3A_439 = arith.constant 0 : i32
        %add3A_440 = arith.addi %mul3A_438, %add3A_439 : i32
        %get3A = arith.constant 1 : i32
        %get3A_441 = arith.index_cast %get3A : i32 to index
        %get3A_442 = arith.index_cast %add3A_440 : i32 to index
        %get3A_443 = arith.constant 0 : index
        %get3A_444 = tpu.vector_load %arg6[%get3A_441, %get3A_442, %get3A_443] {strides = array<i32>} : memref<2x200x128xf32, #tpu.memory_space<vmem>>, vector<1x1x16xf32>,
        %get3A_445 = vector.shape_cast %get3A_444 : vector<1x1x16xf32> to vector<16xf32>
        %mul3A_446 = arith.constant 8 : i32
        %mul3A_447 = arith.muli %scan3A_436, %mul3A_446 : i32
        %add3A_448 = arith.constant 0 : i32
        %add3A_449 = arith.addi %mul3A_447, %add3A_448 : i32
        %swap3A = arith.constant 1 : i32
        %swap3A_450 = arith.index_cast %swap3A : i32 to index
        %swap3A_451 = arith.index_cast %add3A_449 : i32 to index
        %swap3A_452 = arith.constant 0 : index
        %swap3A_453 = tpu.vector_load %arg7[%swap3A_450, %swap3A_451, %swap3A_452] {strides = array<i32>} : memref<2x200x64xf32, #tpu.memory_space<vmem>>, vector<1x1x16xf32>,
        %swap3A_454 = vector.shape_cast %swap3A_453 : vector<1x1x16xf32> to vector<16xf32>
        %swap3A_455 = vector.shape_cast %get3A_445 : vector<16xf32> to vector<1x1x16xf32>
        tpu.vector_store %arg7[%swap3A_450, %swap3A_451, %swap3A_452], %swap3A_455 {strides = array<i32>} : memref<2x200x64xf32, #tpu.memory_space<vmem>>, vector<1x1x16xf32>,
        %mul3A_456 = arith.constant 8 : i32
        %mul3A_457 = arith.muli %scan3A_436, %mul3A_456 : i32
        %add3A_458 = arith.constant 0 : i32
        %add3A_459 = arith.addi %mul3A_457, %add3A_458 : i32
        %get3A_460 = arith.constant 1 : i32
        %get3A_461 = arith.index_cast %get3A_460 : i32 to index
        %get3A_462 = arith.index_cast %add3A_459 : i32 to index
        %get3A_463 = arith.constant 16 : index
        %get3A_464 = tpu.vector_load %arg6[%get3A_461, %get3A_462, %get3A_463] {strides = array<i32>} : memref<2x200x128xf32, #tpu.memory_space<vmem>>, vector<1x1x16xf32>,
        %get3A_465 = vector.shape_cast %get3A_464 : vector<1x1x16xf32> to vector<16xf32>
        %mul3A_466 = arith.constant 8 : i32
        %mul3A_467 = arith.muli %scan3A_436, %mul3A_466 : i32
        %add3A_468 = arith.constant 0 : i32
        %add3A_469 = arith.addi %mul3A_467, %add3A_468 : i32
        %swap3A_470 = arith.constant 1 : i32
        %swap3A_471 = arith.index_cast %swap3A_470 : i32 to index
        %swap3A_472 = arith.index_cast %add3A_469 : i32 to index
        %swap3A_473 = arith.constant 16 : index
        %swap3A_474 = tpu.vector_load %arg7[%swap3A_471, %swap3A_472, %swap3A_473] {strides = array<i32>} : memref<2x200x64xf32, #tpu.memory_space<vmem>>, vector<1x1x16xf32>,
        %swap3A_475 = vector.shape_cast %swap3A_474 : vector<1x1x16xf32> to vector<16xf32>
        %swap3A_476 = vector.shape_cast %get3A_465 : vector<16xf32> to vector<1x1x16xf32>
        tpu.vector_store %arg7[%swap3A_471, %swap3A_472, %swap3A_473], %swap3A_476 {strides = array<i32>} : memref<2x200x64xf32, #tpu.memory_space<vmem>>, vector<1x1x16xf32>,
        %mul3A_477 = arith.constant 8 : i32
        %mul3A_478 = arith.muli %scan3A_436, %mul3A_477 : i32
        %add3A_479 = arith.constant 0 : i32
        %add3A_480 = arith.addi %mul3A_478, %add3A_479 : i32
        %get3A_481 = arith.constant 1 : i32
        %get3A_482 = arith.index_cast %get3A_481 : i32 to index
        %get3A_483 = arith.index_cast %add3A_480 : i32 to index
        %get3A_484 = arith.constant 32 : index
        %get3A_485 = tpu.vector_load %arg6[%get3A_482, %get3A_483, %get3A_484] {strides = array<i32>} : memref<2x200x128xf32, #tpu.memory_space<vmem>>, vector<1x1x16xf32>,
        %get3A_486 = vector.shape_cast %get3A_485 : vector<1x1x16xf32> to vector<16xf32>
        %mul3A_487 = arith.constant 8 : i32
        %mul3A_488 = arith.muli %scan3A_436, %mul3A_487 : i32
        %add3A_489 = arith.constant 0 : i32
        %add3A_490 = arith.addi %mul3A_488, %add3A_489 : i32
        %swap3A_491 = arith.constant 1 : i32
        %swap3A_492 = arith.index_cast %swap3A_491 : i32 to index
        %swap3A_493 = arith.index_cast %add3A_490 : i32 to index
        %swap3A_494 = arith.constant 32 : index
        %swap3A_495 = tpu.vector_load %arg7[%swap3A_492, %swap3A_493, %swap3A_494] {strides = array<i32>} : memref<2x200x64xf32, #tpu.memory_space<vmem>>, vector<1x1x16xf32>,
        %swap3A_496 = vector.shape_cast %swap3A_495 : vector<1x1x16xf32> to vector<16xf32>
        %swap3A_497 = vector.shape_cast %get3A_486 : vector<16xf32> to vector<1x1x16xf32>
        tpu.vector_store %arg7[%swap3A_492, %swap3A_493, %swap3A_494], %swap3A_497 {strides = array<i32>} : memref<2x200x64xf32, #tpu.memory_space<vmem>>, vector<1x1x16xf32>,
        %mul3A_498 = arith.constant 8 : i32
        %mul3A_499 = arith.muli %scan3A_436, %mul3A_498 : i32
        %add3A_500 = arith.constant 0 : i32
        %add3A_501 = arith.addi %mul3A_499, %add3A_500 : i32
        %get3A_502 = arith.constant 1 : i32
        %get3A_503 = arith.index_cast %get3A_502 : i32 to index
        %get3A_504 = arith.index_cast %add3A_501 : i32 to index
        %get3A_505 = arith.constant 48 : index
        %get3A_506 = tpu.vector_load %arg6[%get3A_503, %get3A_504, %get3A_505] {strides = array<i32>} : memref<2x200x128xf32, #tpu.memory_space<vmem>>, vector<1x1x16xf32>,
        %get3A_507 = vector.shape_cast %get3A_506 : vector<1x1x16xf32> to vector<16xf32>
        %mul3A_508 = arith.constant 8 : i32
        %mul3A_509 = arith.muli %scan3A_436, %mul3A_508 : i32
        %add3A_510 = arith.constant 0 : i32
        %add3A_511 = arith.addi %mul3A_509, %add3A_510 : i32
        %swap3A_512 = arith.constant 1 : i32
        %swap3A_513 = arith.index_cast %swap3A_512 : i32 to index
        %swap3A_514 = arith.index_cast %add3A_511 : i32 to index
        %swap3A_515 = arith.constant 48 : index
        %swap3A_516 = tpu.vector_load %arg7[%swap3A_513, %swap3A_514, %swap3A_515] {strides = array<i32>} : memref<2x200x64xf32, #tpu.memory_space<vmem>>, vector<1x1x16xf32>,
        %swap3A_517 = vector.shape_cast %swap3A_516 : vector<1x1x16xf32> to vector<16xf32>
        %swap3A_518 = vector.shape_cast %get3A_507 : vector<16xf32> to vector<1x1x16xf32>
        tpu.vector_store %arg7[%swap3A_513, %swap3A_514, %swap3A_515], %swap3A_518 {strides = array<i32>} : memref<2x200x64xf32, #tpu.memory_space<vmem>>, vector<1x1x16xf32>,
        %mul3A_519 = arith.constant 8 : i32
        %mul3A_520 = arith.muli %scan3A_436, %mul3A_519 : i32
        %add3A_521 = arith.constant 1 : i32
        %add3A_522 = arith.addi %mul3A_520, %add3A_521 : i32
        %get3A_523 = arith.constant 1 : i32
        %get3A_524 = arith.index_cast %get3A_523 : i32 to index
        %get3A_525 = arith.index_cast %add3A_522 : i32 to index
        %get3A_526 = arith.constant 0 : index
        %get3A_527 = tpu.vector_load %arg6[%get3A_524, %get3A_525, %get3A_526] {strides = array<i32>} : memref<2x200x128xf32, #tpu.memory_space<vmem>>, vector<1x1x16xf32>,
        %get3A_528 = vector.shape_cast %get3A_527 : vector<1x1x16xf32> to vector<16xf32>
        %mul3A_529 = arith.constant 8 : i32
        %mul3A_530 = arith.muli %scan3A_436, %mul3A_529 : i32
        %add3A_531 = arith.constant 1 : i32
        %add3A_532 = arith.addi %mul3A_530, %add3A_531 : i32
        %swap3A_533 = arith.constant 1 : i32
        %swap3A_534 = arith.index_cast %swap3A_533 : i32 to index
        %swap3A_535 = arith.index_cast %add3A_532 : i32 to index
        %swap3A_536 = arith.constant 0 : index
        %swap3A_537 = tpu.vector_load %arg7[%swap3A_534, %swap3A_535, %swap3A_536] {strides = array<i32>} : memref<2x200x64xf32, #tpu.memory_space<vmem>>, vector<1x1x16xf32>,
        %swap3A_538 = vector.shape_cast %swap3A_537 : vector<1x1x16xf32> to vector<16xf32>
        %swap3A_539 = vector.shape_cast %get3A_528 : vector<16xf32> to vector<1x1x16xf32>
        tpu.vector_store %arg7[%swap3A_534, %swap3A_535, %swap3A_536], %swap3A_539 {strides = array<i32>} : memref<2x200x64xf32, #tpu.memory_space<vmem>>, vector<1x1x16xf32>,
        %mul3A_540 = arith.constant 8 : i32
        %mul3A_541 = arith.muli %scan3A_436, %mul3A_540 : i32
        %add3A_542 = arith.constant 1 : i32
        %add3A_543 = arith.addi %mul3A_541, %add3A_542 : i32
        %get3A_544 = arith.constant 1 : i32
        %get3A_545 = arith.index_cast %get3A_544 : i32 to index
        %get3A_546 = arith.index_cast %add3A_543 : i32 to index
        %get3A_547 = arith.constant 16 : index
        %get3A_548 = tpu.vector_load %arg6[%get3A_545, %get3A_546, %get3A_547] {strides = array<i32>} : memref<2x200x128xf32, #tpu.memory_space<vmem>>, vector<1x1x16xf32>,
        %get3A_549 = vector.shape_cast %get3A_548 : vector<1x1x16xf32> to vector<16xf32>
        %mul3A_550 = arith.constant 8 : i32
        %mul3A_551 = arith.muli %scan3A_436, %mul3A_550 : i32
        %add3A_552 = arith.constant 1 : i32
        %add3A_553 = arith.addi %mul3A_551, %add3A_552 : i32
        %swap3A_554 = arith.constant 1 : i32
        %swap3A_555 = arith.index_cast %swap3A_554 : i32 to index
        %swap3A_556 = arith.index_cast %add3A_553 : i32 to index
        %swap3A_557 = arith.constant 16 : index
        %swap3A_558 = tpu.vector_load %arg7[%swap3A_555, %swap3A_556, %swap3A_557] {strides = array<i32>} : memref<2x200x64xf32, #tpu.memory_space<vmem>>, vector<1x1x16xf32>,
        %swap3A_559 = vector.shape_cast %swap3A_558 : vector<1x1x16xf32> to vector<16xf32>
        %swap3A_560 = vector.shape_cast %get3A_549 : vector<16xf32> to vector<1x1x16xf32>
        tpu.vector_store %arg7[%swap3A_555, %swap3A_556, %swap3A_557], %swap3A_560 {strides = array<i32>} : memref<2x200x64xf32, #tpu.memory_space<vmem>>, vector<1x1x16xf32>,
        %mul3A_561 = arith.constant 8 : i32
        %mul3A_562 = arith.muli %scan3A_436, %mul3A_561 : i32
        %add3A_563 = arith.constant 1 : i32
        %add3A_564 = arith.addi %mul3A_562, %add3A_563 : i32
        %get3A_565 = arith.constant 1 : i32
        %get3A_566 = arith.index_cast %get3A_565 : i32 to index
        %get3A_567 = arith.index_cast %add3A_564 : i32 to index
        %get3A_568 = arith.constant 32 : index
        %get3A_569 = tpu.vector_load %arg6[%get3A_566, %get3A_567, %get3A_568] {strides = array<i32>} : memref<2x200x128xf32, #tpu.memory_space<vmem>>, vector<1x1x16xf32>,
        %get3A_570 = vector.shape_cast %get3A_569 : vector<1x1x16xf32> to vector<16xf32>
        %mul3A_571 = arith.constant 8 : i32
        %mul3A_572 = arith.muli %scan3A_436, %mul3A_571 : i32
        %add3A_573 = arith.constant 1 : i32
        %add3A_574 = arith.addi %mul3A_572, %add3A_573 : i32
        %swap3A_575 = arith.constant 1 : i32
        %swap3A_576 = arith.index_cast %swap3A_575 : i32 to index
        %swap3A_577 = arith.index_cast %add3A_574 : i32 to index
        %swap3A_578 = arith.constant 32 : index
        %swap3A_579 = tpu.vector_load %arg7[%swap3A_576, %swap3A_577, %swap3A_578] {strides = array<i32>} : memref<2x200x64xf32, #tpu.memory_space<vmem>>, vector<1x1x16xf32>,
        %swap3A_580 = vector.shape_cast %swap3A_579 : vector<1x1x16xf32> to vector<16xf32>
        %swap3A_581 = vector.shape_cast %get3A_570 : vector<16xf32> to vector<1x1x16xf32>
        tpu.vector_store %arg7[%swap3A_576, %swap3A_577, %swap3A_578], %swap3A_581 {strides = array<i32>} : memref<2x200x64xf32, #tpu.memory_space<vmem>>, vector<1x1x16xf32>,
        %mul3A_582 = arith.constant 8 : i32
        %mul3A_583 = arith.muli %scan3A_436, %mul3A_582 : i32
        %add3A_584 = arith.constant 1 : i32
        %add3A_585 = arith.addi %mul3A_583, %add3A_584 : i32
        %get3A_586 = arith.constant 1 : i32
        %get3A_587 = arith.index_cast %get3A_586 : i32 to index
        %get3A_588 = arith.index_cast %add3A_585 : i32 to index
        %get3A_589 = arith.constant 48 : index
        %get3A_590 = tpu.vector_load %arg6[%get3A_587, %get3A_588, %get3A_589] {strides = array<i32>} : memref<2x200x128xf32, #tpu.memory_space<vmem>>, vector<1x1x16xf32>,
        %get3A_591 = vector.shape_cast %get3A_590 : vector<1x1x16xf32> to vector<16xf32>
        %mul3A_592 = arith.constant 8 : i32
        %mul3A_593 = arith.muli %scan3A_436, %mul3A_592 : i32
        %add3A_594 = arith.constant 1 : i32
        %add3A_595 = arith.addi %mul3A_593, %add3A_594 : i32
        %swap3A_596 = arith.constant 1 : i32
        %swap3A_597 = arith.index_cast %swap3A_596 : i32 to index
        %swap3A_598 = arith.index_cast %add3A_595 : i32 to index
        %swap3A_599 = arith.constant 48 : index
        %swap3A_600 = tpu.vector_load %arg7[%swap3A_597, %swap3A_598, %swap3A_599] {strides = array<i32>} : memref<2x200x64xf32, #tpu.memory_space<vmem>>, vector<1x1x16xf32>,
        %swap3A_601 = vector.shape_cast %swap3A_600 : vector<1x1x16xf32> to vector<16xf32>
        %swap3A_602 = vector.shape_cast %get3A_591 : vector<16xf32> to vector<1x1x16xf32>
        tpu.vector_store %arg7[%swap3A_597, %swap3A_598, %swap3A_599], %swap3A_602 {strides = array<i32>} : memref<2x200x64xf32, #tpu.memory_space<vmem>>, vector<1x1x16xf32>,
        %mul3A_603 = arith.constant 8 : i32
        %mul3A_604 = arith.muli %scan3A_436, %mul3A_603 : i32
        %add3A_605 = arith.constant 2 : i32
        %add3A_606 = arith.addi %mul3A_604, %add3A_605 : i32
        %get3A_607 = arith.constant 1 : i32
        %get3A_608 = arith.index_cast %get3A_607 : i32 to index
        %get3A_609 = arith.index_cast %add3A_606 : i32 to index
        %get3A_610 = arith.constant 0 : index
        %get3A_611 = tpu.vector_load %arg6[%get3A_608, %get3A_609, %get3A_610] {strides = array<i32>} : memref<2x200x128xf32, #tpu.memory_space<vmem>>, vector<1x1x16xf32>,
        %get3A_612 = vector.shape_cast %get3A_611 : vector<1x1x16xf32> to vector<16xf32>
        %mul3A_613 = arith.constant 8 : i32
        %mul3A_614 = arith.muli %scan3A_436, %mul3A_613 : i32
        %add3A_615 = arith.constant 2 : i32
        %add3A_616 = arith.addi %mul3A_614, %add3A_615 : i32
        %swap3A_617 = arith.constant 1 : i32
        %swap3A_618 = arith.index_cast %swap3A_617 : i32 to index
        %swap3A_619 = arith.index_cast %add3A_616 : i32 to index
        %swap3A_620 = arith.constant 0 : index
        %swap3A_621 = tpu.vector_load %arg7[%swap3A_618, %swap3A_619, %swap3A_620] {strides = array<i32>} : memref<2x200x64xf32, #tpu.memory_space<vmem>>, vector<1x1x16xf32>,
        %swap3A_622 = vector.shape_cast %swap3A_621 : vector<1x1x16xf32> to vector<16xf32>
        %swap3A_623 = vector.shape_cast %get3A_612 : vector<16xf32> to vector<1x1x16xf32>
        tpu.vector_store %arg7[%swap3A_618, %swap3A_619, %swap3A_620], %swap3A_623 {strides = array<i32>} : memref<2x200x64xf32, #tpu.memory_space<vmem>>, vector<1x1x16xf32>,
        %mul3A_624 = arith.constant 8 : i32
        %mul3A_625 = arith.muli %scan3A_436, %mul3A_624 : i32
        %add3A_626 = arith.constant 2 : i32
        %add3A_627 = arith.addi %mul3A_625, %add3A_626 : i32
        %get3A_628 = arith.constant 1 : i32
        %get3A_629 = arith.index_cast %get3A_628 : i32 to index
        %get3A_630 = arith.index_cast %add3A_627 : i32 to index
        %get3A_631 = arith.constant 16 : index
        %get3A_632 = tpu.vector_load %arg6[%get3A_629, %get3A_630, %get3A_631] {strides = array<i32>} : memref<2x200x128xf32, #tpu.memory_space<vmem>>, vector<1x1x16xf32>,
        %get3A_633 = vector.shape_cast %get3A_632 : vector<1x1x16xf32> to vector<16xf32>
        %mul3A_634 = arith.constant 8 : i32
        %mul3A_635 = arith.muli %scan3A_436, %mul3A_634 : i32
        %add3A_636 = arith.constant 2 : i32
        %add3A_637 = arith.addi %mul3A_635, %add3A_636 : i32
        %swap3A_638 = arith.constant 1 : i32
        %swap3A_639 = arith.index_cast %swap3A_638 : i32 to index
        %swap3A_640 = arith.index_cast %add3A_637 : i32 to index
        %swap3A_641 = arith.constant 16 : index
        %swap3A_642 = tpu.vector_load %arg7[%swap3A_639, %swap3A_640, %swap3A_641] {strides = array<i32>} : memref<2x200x64xf32, #tpu.memory_space<vmem>>, vector<1x1x16xf32>,
        %swap3A_643 = vector.shape_cast %swap3A_642 : vector<1x1x16xf32> to vector<16xf32>
        %swap3A_644 = vector.shape_cast %get3A_633 : vector<16xf32> to vector<1x1x16xf32>
        tpu.vector_store %arg7[%swap3A_639, %swap3A_640, %swap3A_641], %swap3A_644 {strides = array<i32>} : memref<2x200x64xf32, #tpu.memory_space<vmem>>, vector<1x1x16xf32>,
        %mul3A_645 = arith.constant 8 : i32
        %mul3A_646 = arith.muli %scan3A_436, %mul3A_645 : i32
        %add3A_647 = arith.constant 2 : i32
        %add3A_648 = arith.addi %mul3A_646, %add3A_647 : i32
        %get3A_649 = arith.constant 1 : i32
        %get3A_650 = arith.index_cast %get3A_649 : i32 to index
        %get3A_651 = arith.index_cast %add3A_648 : i32 to index
        %get3A_652 = arith.constant 32 : index
        %get3A_653 = tpu.vector_load %arg6[%get3A_650, %get3A_651, %get3A_652] {strides = array<i32>} : memref<2x200x128xf32, #tpu.memory_space<vmem>>, vector<1x1x16xf32>,
        %get3A_654 = vector.shape_cast %get3A_653 : vector<1x1x16xf32> to vector<16xf32>
        %mul3A_655 = arith.constant 8 : i32
        %mul3A_656 = arith.muli %scan3A_436, %mul3A_655 : i32
        %add3A_657 = arith.constant 2 : i32
        %add3A_658 = arith.addi %mul3A_656, %add3A_657 : i32
        %swap3A_659 = arith.constant 1 : i32
        %swap3A_660 = arith.index_cast %swap3A_659 : i32 to index
        %swap3A_661 = arith.index_cast %add3A_658 : i32 to index
        %swap3A_662 = arith.constant 32 : index
        %swap3A_663 = tpu.vector_load %arg7[%swap3A_660, %swap3A_661, %swap3A_662] {strides = array<i32>} : memref<2x200x64xf32, #tpu.memory_space<vmem>>, vector<1x1x16xf32>,
        %swap3A_664 = vector.shape_cast %swap3A_663 : vector<1x1x16xf32> to vector<16xf32>
        %swap3A_665 = vector.shape_cast %get3A_654 : vector<16xf32> to vector<1x1x16xf32>
        tpu.vector_store %arg7[%swap3A_660, %swap3A_661, %swap3A_662], %swap3A_665 {strides = array<i32>} : memref<2x200x64xf32, #tpu.memory_space<vmem>>, vector<1x1x16xf32>,
        %mul3A_666 = arith.constant 8 : i32
        %mul3A_667 = arith.muli %scan3A_436, %mul3A_666 : i32
        %add3A_668 = arith.constant 2 : i32
        %add3A_669 = arith.addi %mul3A_667, %add3A_668 : i32
        %get3A_670 = arith.constant 1 : i32
        %get3A_671 = arith.index_cast %get3A_670 : i32 to index
        %get3A_672 = arith.index_cast %add3A_669 : i32 to index
        %get3A_673 = arith.constant 48 : index
        %get3A_674 = tpu.vector_load %arg6[%get3A_671, %get3A_672, %get3A_673] {strides = array<i32>} : memref<2x200x128xf32, #tpu.memory_space<vmem>>, vector<1x1x16xf32>,
        %get3A_675 = vector.shape_cast %get3A_674 : vector<1x1x16xf32> to vector<16xf32>
        %mul3A_676 = arith.constant 8 : i32
        %mul3A_677 = arith.muli %scan3A_436, %mul3A_676 : i32
        %add3A_678 = arith.constant 2 : i32
        %add3A_679 = arith.addi %mul3A_677, %add3A_678 : i32
        %swap3A_680 = arith.constant 1 : i32
        %swap3A_681 = arith.index_cast %swap3A_680 : i32 to index
        %swap3A_682 = arith.index_cast %add3A_679 : i32 to index
        %swap3A_683 = arith.constant 48 : index
        %swap3A_684 = tpu.vector_load %arg7[%swap3A_681, %swap3A_682, %swap3A_683] {strides = array<i32>} : memref<2x200x64xf32, #tpu.memory_space<vmem>>, vector<1x1x16xf32>,
        %swap3A_685 = vector.shape_cast %swap3A_684 : vector<1x1x16xf32> to vector<16xf32>
        %swap3A_686 = vector.shape_cast %get3A_675 : vector<16xf32> to vector<1x1x16xf32>
        tpu.vector_store %arg7[%swap3A_681, %swap3A_682, %swap3A_683], %swap3A_686 {strides = array<i32>} : memref<2x200x64xf32, #tpu.memory_space<vmem>>, vector<1x1x16xf32>,
        %mul3A_687 = arith.constant 8 : i32
        %mul3A_688 = arith.muli %scan3A_436, %mul3A_687 : i32
        %add3A_689 = arith.constant 3 : i32
        %add3A_690 = arith.addi %mul3A_688, %add3A_689 : i32
        %get3A_691 = arith.constant 1 : i32
        %get3A_692 = arith.index_cast %get3A_691 : i32 to index
        %get3A_693 = arith.index_cast %add3A_690 : i32 to index
        %get3A_694 = arith.constant 0 : index
        %get3A_695 = tpu.vector_load %arg6[%get3A_692, %get3A_693, %get3A_694] {strides = array<i32>} : memref<2x200x128xf32, #tpu.memory_space<vmem>>, vector<1x1x16xf32>,
        %get3A_696 = vector.shape_cast %get3A_695 : vector<1x1x16xf32> to vector<16xf32>
        %mul3A_697 = arith.constant 8 : i32
        %mul3A_698 = arith.muli %scan3A_436, %mul3A_697 : i32
        %add3A_699 = arith.constant 3 : i32
        %add3A_700 = arith.addi %mul3A_698, %add3A_699 : i32
        %swap3A_701 = arith.constant 1 : i32
        %swap3A_702 = arith.index_cast %swap3A_701 : i32 to index
        %swap3A_703 = arith.index_cast %add3A_700 : i32 to index
        %swap3A_704 = arith.constant 0 : index
        %swap3A_705 = tpu.vector_load %arg7[%swap3A_702, %swap3A_703, %swap3A_704] {strides = array<i32>} : memref<2x200x64xf32, #tpu.memory_space<vmem>>, vector<1x1x16xf32>,
        %swap3A_706 = vector.shape_cast %swap3A_705 : vector<1x1x16xf32> to vector<16xf32>
        %swap3A_707 = vector.shape_cast %get3A_696 : vector<16xf32> to vector<1x1x16xf32>
        tpu.vector_store %arg7[%swap3A_702, %swap3A_703, %swap3A_704], %swap3A_707 {strides = array<i32>} : memref<2x200x64xf32, #tpu.memory_space<vmem>>, vector<1x1x16xf32>,
        %mul3A_708 = arith.constant 8 : i32
        %mul3A_709 = arith.muli %scan3A_436, %mul3A_708 : i32
        %add3A_710 = arith.constant 3 : i32
        %add3A_711 = arith.addi %mul3A_709, %add3A_710 : i32
        %get3A_712 = arith.constant 1 : i32
        %get3A_713 = arith.index_cast %get3A_712 : i32 to index
        %get3A_714 = arith.index_cast %add3A_711 : i32 to index
        %get3A_715 = arith.constant 16 : index
        %get3A_716 = tpu.vector_load %arg6[%get3A_713, %get3A_714, %get3A_715] {strides = array<i32>} : memref<2x200x128xf32, #tpu.memory_space<vmem>>, vector<1x1x16xf32>,
        %get3A_717 = vector.shape_cast %get3A_716 : vector<1x1x16xf32> to vector<16xf32>
        %mul3A_718 = arith.constant 8 : i32
        %mul3A_719 = arith.muli %scan3A_436, %mul3A_718 : i32
        %add3A_720 = arith.constant 3 : i32
        %add3A_721 = arith.addi %mul3A_719, %add3A_720 : i32
        %swap3A_722 = arith.constant 1 : i32
        %swap3A_723 = arith.index_cast %swap3A_722 : i32 to index
        %swap3A_724 = arith.index_cast %add3A_721 : i32 to index
        %swap3A_725 = arith.constant 16 : index
        %swap3A_726 = tpu.vector_load %arg7[%swap3A_723, %swap3A_724, %swap3A_725] {strides = array<i32>} : memref<2x200x64xf32, #tpu.memory_space<vmem>>, vector<1x1x16xf32>,
        %swap3A_727 = vector.shape_cast %swap3A_726 : vector<1x1x16xf32> to vector<16xf32>
        %swap3A_728 = vector.shape_cast %get3A_717 : vector<16xf32> to vector<1x1x16xf32>
        tpu.vector_store %arg7[%swap3A_723, %swap3A_724, %swap3A_725], %swap3A_728 {strides = array<i32>} : memref<2x200x64xf32, #tpu.memory_space<vmem>>, vector<1x1x16xf32>,
        %mul3A_729 = arith.constant 8 : i32
        %mul3A_730 = arith.muli %scan3A_436, %mul3A_729 : i32
        %add3A_731 = arith.constant 3 : i32
        %add3A_732 = arith.addi %mul3A_730, %add3A_731 : i32
        %get3A_733 = arith.constant 1 : i32
        %get3A_734 = arith.index_cast %get3A_733 : i32 to index
        %get3A_735 = arith.index_cast %add3A_732 : i32 to index
        %get3A_736 = arith.constant 32 : index
        %get3A_737 = tpu.vector_load %arg6[%get3A_734, %get3A_735, %get3A_736] {strides = array<i32>} : memref<2x200x128xf32, #tpu.memory_space<vmem>>, vector<1x1x16xf32>,
        %get3A_738 = vector.shape_cast %get3A_737 : vector<1x1x16xf32> to vector<16xf32>
        %mul3A_739 = arith.constant 8 : i32
        %mul3A_740 = arith.muli %scan3A_436, %mul3A_739 : i32
        %add3A_741 = arith.constant 3 : i32
        %add3A_742 = arith.addi %mul3A_740, %add3A_741 : i32
        %swap3A_743 = arith.constant 1 : i32
        %swap3A_744 = arith.index_cast %swap3A_743 : i32 to index
        %swap3A_745 = arith.index_cast %add3A_742 : i32 to index
        %swap3A_746 = arith.constant 32 : index
        %swap3A_747 = tpu.vector_load %arg7[%swap3A_744, %swap3A_745, %swap3A_746] {strides = array<i32>} : memref<2x200x64xf32, #tpu.memory_space<vmem>>, vector<1x1x16xf32>,
        %swap3A_748 = vector.shape_cast %swap3A_747 : vector<1x1x16xf32> to vector<16xf32>
        %swap3A_749 = vector.shape_cast %get3A_738 : vector<16xf32> to vector<1x1x16xf32>
        tpu.vector_store %arg7[%swap3A_744, %swap3A_745, %swap3A_746], %swap3A_749 {strides = array<i32>} : memref<2x200x64xf32, #tpu.memory_space<vmem>>, vector<1x1x16xf32>,
        %mul3A_750 = arith.constant 8 : i32
        %mul3A_751 = arith.muli %scan3A_436, %mul3A_750 : i32
        %add3A_752 = arith.constant 3 : i32
        %add3A_753 = arith.addi %mul3A_751, %add3A_752 : i32
        %get3A_754 = arith.constant 1 : i32
        %get3A_755 = arith.index_cast %get3A_754 : i32 to index
        %get3A_756 = arith.index_cast %add3A_753 : i32 to index
        %get3A_757 = arith.constant 48 : index
        %get3A_758 = tpu.vector_load %arg6[%get3A_755, %get3A_756, %get3A_757] {strides = array<i32>} : memref<2x200x128xf32, #tpu.memory_space<vmem>>, vector<1x1x16xf32>,
        %get3A_759 = vector.shape_cast %get3A_758 : vector<1x1x16xf32> to vector<16xf32>
        %mul3A_760 = arith.constant 8 : i32
        %mul3A_761 = arith.muli %scan3A_436, %mul3A_760 : i32
        %add3A_762 = arith.constant 3 : i32
        %add3A_763 = arith.addi %mul3A_761, %add3A_762 : i32
        %swap3A_764 = arith.constant 1 : i32
        %swap3A_765 = arith.index_cast %swap3A_764 : i32 to index
        %swap3A_766 = arith.index_cast %add3A_763 : i32 to index
        %swap3A_767 = arith.constant 48 : index
        %swap3A_768 = tpu.vector_load %arg7[%swap3A_765, %swap3A_766, %swap3A_767] {strides = array<i32>} : memref<2x200x64xf32, #tpu.memory_space<vmem>>, vector<1x1x16xf32>,
        %swap3A_769 = vector.shape_cast %swap3A_768 : vector<1x1x16xf32> to vector<16xf32>
        %swap3A_770 = vector.shape_cast %get3A_759 : vector<16xf32> to vector<1x1x16xf32>
        tpu.vector_store %arg7[%swap3A_765, %swap3A_766, %swap3A_767], %swap3A_770 {strides = array<i32>} : memref<2x200x64xf32, #tpu.memory_space<vmem>>, vector<1x1x16xf32>,
        %mul3A_771 = arith.constant 8 : i32
        %mul3A_772 = arith.muli %scan3A_436, %mul3A_771 : i32
        %add3A_773 = arith.constant 4 : i32
        %add3A_774 = arith.addi %mul3A_772, %add3A_773 : i32
        %get3A_775 = arith.constant 1 : i32
        %get3A_776 = arith.index_cast %get3A_775 : i32 to index
        %get3A_777 = arith.index_cast %add3A_774 : i32 to index
        %get3A_778 = arith.constant 0 : index
        %get3A_779 = tpu.vector_load %arg6[%get3A_776, %get3A_777, %get3A_778] {strides = array<i32>} : memref<2x200x128xf32, #tpu.memory_space<vmem>>, vector<1x1x16xf32>,
        %get3A_780 = vector.shape_cast %get3A_779 : vector<1x1x16xf32> to vector<16xf32>
        %mul3A_781 = arith.constant 8 : i32
        %mul3A_782 = arith.muli %scan3A_436, %mul3A_781 : i32
        %add3A_783 = arith.constant 4 : i32
        %add3A_784 = arith.addi %mul3A_782, %add3A_783 : i32
        %swap3A_785 = arith.constant 1 : i32
        %swap3A_786 = arith.index_cast %swap3A_785 : i32 to index
        %swap3A_787 = arith.index_cast %add3A_784 : i32 to index
        %swap3A_788 = arith.constant 0 : index
        %swap3A_789 = tpu.vector_load %arg7[%swap3A_786, %swap3A_787, %swap3A_788] {strides = array<i32>} : memref<2x200x64xf32, #tpu.memory_space<vmem>>, vector<1x1x16xf32>,
        %swap3A_790 = vector.shape_cast %swap3A_789 : vector<1x1x16xf32> to vector<16xf32>
        %swap3A_791 = vector.shape_cast %get3A_780 : vector<16xf32> to vector<1x1x16xf32>
        tpu.vector_store %arg7[%swap3A_786, %swap3A_787, %swap3A_788], %swap3A_791 {strides = array<i32>} : memref<2x200x64xf32, #tpu.memory_space<vmem>>, vector<1x1x16xf32>,
        %mul3A_792 = arith.constant 8 : i32
        %mul3A_793 = arith.muli %scan3A_436, %mul3A_792 : i32
        %add3A_794 = arith.constant 4 : i32
        %add3A_795 = arith.addi %mul3A_793, %add3A_794 : i32
        %get3A_796 = arith.constant 1 : i32
        %get3A_797 = arith.index_cast %get3A_796 : i32 to index
        %get3A_798 = arith.index_cast %add3A_795 : i32 to index
        %get3A_799 = arith.constant 16 : index
        %get3A_800 = tpu.vector_load %arg6[%get3A_797, %get3A_798, %get3A_799] {strides = array<i32>} : memref<2x200x128xf32, #tpu.memory_space<vmem>>, vector<1x1x16xf32>,
        %get3A_801 = vector.shape_cast %get3A_800 : vector<1x1x16xf32> to vector<16xf32>
        %mul3A_802 = arith.constant 8 : i32
        %mul3A_803 = arith.muli %scan3A_436, %mul3A_802 : i32
        %add3A_804 = arith.constant 4 : i32
        %add3A_805 = arith.addi %mul3A_803, %add3A_804 : i32
        %swap3A_806 = arith.constant 1 : i32
        %swap3A_807 = arith.index_cast %swap3A_806 : i32 to index
        %swap3A_808 = arith.index_cast %add3A_805 : i32 to index
        %swap3A_809 = arith.constant 16 : index
        %swap3A_810 = tpu.vector_load %arg7[%swap3A_807, %swap3A_808, %swap3A_809] {strides = array<i32>} : memref<2x200x64xf32, #tpu.memory_space<vmem>>, vector<1x1x16xf32>,
        %swap3A_811 = vector.shape_cast %swap3A_810 : vector<1x1x16xf32> to vector<16xf32>
        %swap3A_812 = vector.shape_cast %get3A_801 : vector<16xf32> to vector<1x1x16xf32>
        tpu.vector_store %arg7[%swap3A_807, %swap3A_808, %swap3A_809], %swap3A_812 {strides = array<i32>} : memref<2x200x64xf32, #tpu.memory_space<vmem>>, vector<1x1x16xf32>,
        %mul3A_813 = arith.constant 8 : i32
        %mul3A_814 = arith.muli %scan3A_436, %mul3A_813 : i32
        %add3A_815 = arith.constant 4 : i32
        %add3A_816 = arith.addi %mul3A_814, %add3A_815 : i32
        %get3A_817 = arith.constant 1 : i32
        %get3A_818 = arith.index_cast %get3A_817 : i32 to index
        %get3A_819 = arith.index_cast %add3A_816 : i32 to index
        %get3A_820 = arith.constant 32 : index
        %get3A_821 = tpu.vector_load %arg6[%get3A_818, %get3A_819, %get3A_820] {strides = array<i32>} : memref<2x200x128xf32, #tpu.memory_space<vmem>>, vector<1x1x16xf32>,
        %get3A_822 = vector.shape_cast %get3A_821 : vector<1x1x16xf32> to vector<16xf32>
        %mul3A_823 = arith.constant 8 : i32
        %mul3A_824 = arith.muli %scan3A_436, %mul3A_823 : i32
        %add3A_825 = arith.constant 4 : i32
        %add3A_826 = arith.addi %mul3A_824, %add3A_825 : i32
        %swap3A_827 = arith.constant 1 : i32
        %swap3A_828 = arith.index_cast %swap3A_827 : i32 to index
        %swap3A_829 = arith.index_cast %add3A_826 : i32 to index
        %swap3A_830 = arith.constant 32 : index
        %swap3A_831 = tpu.vector_load %arg7[%swap3A_828, %swap3A_829, %swap3A_830] {strides = array<i32>} : memref<2x200x64xf32, #tpu.memory_space<vmem>>, vector<1x1x16xf32>,
        %swap3A_832 = vector.shape_cast %swap3A_831 : vector<1x1x16xf32> to vector<16xf32>
        %swap3A_833 = vector.shape_cast %get3A_822 : vector<16xf32> to vector<1x1x16xf32>
        tpu.vector_store %arg7[%swap3A_828, %swap3A_829, %swap3A_830], %swap3A_833 {strides = array<i32>} : memref<2x200x64xf32, #tpu.memory_space<vmem>>, vector<1x1x16xf32>,
        %mul3A_834 = arith.constant 8 : i32
        %mul3A_835 = arith.muli %scan3A_436, %mul3A_834 : i32
        %add3A_836 = arith.constant 4 : i32
        %add3A_837 = arith.addi %mul3A_835, %add3A_836 : i32
        %get3A_838 = arith.constant 1 : i32
        %get3A_839 = arith.index_cast %get3A_838 : i32 to index
        %get3A_840 = arith.index_cast %add3A_837 : i32 to index
        %get3A_841 = arith.constant 48 : index
        %get3A_842 = tpu.vector_load %arg6[%get3A_839, %get3A_840, %get3A_841] {strides = array<i32>} : memref<2x200x128xf32, #tpu.memory_space<vmem>>, vector<1x1x16xf32>,
        %get3A_843 = vector.shape_cast %get3A_842 : vector<1x1x16xf32> to vector<16xf32>
        %mul3A_844 = arith.constant 8 : i32
        %mul3A_845 = arith.muli %scan3A_436, %mul3A_844 : i32
        %add3A_846 = arith.constant 4 : i32
        %add3A_847 = arith.addi %mul3A_845, %add3A_846 : i32
        %swap3A_848 = arith.constant 1 : i32
        %swap3A_849 = arith.index_cast %swap3A_848 : i32 to index
        %swap3A_850 = arith.index_cast %add3A_847 : i32 to index
        %swap3A_851 = arith.constant 48 : index
        %swap3A_852 = tpu.vector_load %arg7[%swap3A_849, %swap3A_850, %swap3A_851] {strides = array<i32>} : memref<2x200x64xf32, #tpu.memory_space<vmem>>, vector<1x1x16xf32>,
        %swap3A_853 = vector.shape_cast %swap3A_852 : vector<1x1x16xf32> to vector<16xf32>
        %swap3A_854 = vector.shape_cast %get3A_843 : vector<16xf32> to vector<1x1x16xf32>
        tpu.vector_store %arg7[%swap3A_849, %swap3A_850, %swap3A_851], %swap3A_854 {strides = array<i32>} : memref<2x200x64xf32, #tpu.memory_space<vmem>>, vector<1x1x16xf32>,
        %mul3A_855 = arith.constant 8 : i32
        %mul3A_856 = arith.muli %scan3A_436, %mul3A_855 : i32
        %add3A_857 = arith.constant 5 : i32
        %add3A_858 = arith.addi %mul3A_856, %add3A_857 : i32
        %get3A_859 = arith.constant 1 : i32
        %get3A_860 = arith.index_cast %get3A_859 : i32 to index
        %get3A_861 = arith.index_cast %add3A_858 : i32 to index
        %get3A_862 = arith.constant 0 : index
        %get3A_863 = tpu.vector_load %arg6[%get3A_860, %get3A_861, %get3A_862] {strides = array<i32>} : memref<2x200x128xf32, #tpu.memory_space<vmem>>, vector<1x1x16xf32>,
        %get3A_864 = vector.shape_cast %get3A_863 : vector<1x1x16xf32> to vector<16xf32>
        %mul3A_865 = arith.constant 8 : i32
        %mul3A_866 = arith.muli %scan3A_436, %mul3A_865 : i32
        %add3A_867 = arith.constant 5 : i32
        %add3A_868 = arith.addi %mul3A_866, %add3A_867 : i32
        %swap3A_869 = arith.constant 1 : i32
        %swap3A_870 = arith.index_cast %swap3A_869 : i32 to index
        %swap3A_871 = arith.index_cast %add3A_868 : i32 to index
        %swap3A_872 = arith.constant 0 : index
        %swap3A_873 = tpu.vector_load %arg7[%swap3A_870, %swap3A_871, %swap3A_872] {strides = array<i32>} : memref<2x200x64xf32, #tpu.memory_space<vmem>>, vector<1x1x16xf32>,
        %swap3A_874 = vector.shape_cast %swap3A_873 : vector<1x1x16xf32> to vector<16xf32>
        %swap3A_875 = vector.shape_cast %get3A_864 : vector<16xf32> to vector<1x1x16xf32>
        tpu.vector_store %arg7[%swap3A_870, %swap3A_871, %swap3A_872], %swap3A_875 {strides = array<i32>} : memref<2x200x64xf32, #tpu.memory_space<vmem>>, vector<1x1x16xf32>,
        %mul3A_876 = arith.constant 8 : i32
        %mul3A_877 = arith.muli %scan3A_436, %mul3A_876 : i32
        %add3A_878 = arith.constant 5 : i32
        %add3A_879 = arith.addi %mul3A_877, %add3A_878 : i32
        %get3A_880 = arith.constant 1 : i32
        %get3A_881 = arith.index_cast %get3A_880 : i32 to index
        %get3A_882 = arith.index_cast %add3A_879 : i32 to index
        %get3A_883 = arith.constant 16 : index
        %get3A_884 = tpu.vector_load %arg6[%get3A_881, %get3A_882, %get3A_883] {strides = array<i32>} : memref<2x200x128xf32, #tpu.memory_space<vmem>>, vector<1x1x16xf32>,
        %get3A_885 = vector.shape_cast %get3A_884 : vector<1x1x16xf32> to vector<16xf32>
        %mul3A_886 = arith.constant 8 : i32
        %mul3A_887 = arith.muli %scan3A_436, %mul3A_886 : i32
        %add3A_888 = arith.constant 5 : i32
        %add3A_889 = arith.addi %mul3A_887, %add3A_888 : i32
        %swap3A_890 = arith.constant 1 : i32
        %swap3A_891 = arith.index_cast %swap3A_890 : i32 to index
        %swap3A_892 = arith.index_cast %add3A_889 : i32 to index
        %swap3A_893 = arith.constant 16 : index
        %swap3A_894 = tpu.vector_load %arg7[%swap3A_891, %swap3A_892, %swap3A_893] {strides = array<i32>} : memref<2x200x64xf32, #tpu.memory_space<vmem>>, vector<1x1x16xf32>,
        %swap3A_895 = vector.shape_cast %swap3A_894 : vector<1x1x16xf32> to vector<16xf32>
        %swap3A_896 = vector.shape_cast %get3A_885 : vector<16xf32> to vector<1x1x16xf32>
        tpu.vector_store %arg7[%swap3A_891, %swap3A_892, %swap3A_893], %swap3A_896 {strides = array<i32>} : memref<2x200x64xf32, #tpu.memory_space<vmem>>, vector<1x1x16xf32>,
        %mul3A_897 = arith.constant 8 : i32
        %mul3A_898 = arith.muli %scan3A_436, %mul3A_897 : i32
        %add3A_899 = arith.constant 5 : i32
        %add3A_900 = arith.addi %mul3A_898, %add3A_899 : i32
        %get3A_901 = arith.constant 1 : i32
        %get3A_902 = arith.index_cast %get3A_901 : i32 to index
        %get3A_903 = arith.index_cast %add3A_900 : i32 to index
        %get3A_904 = arith.constant 32 : index
        %get3A_905 = tpu.vector_load %arg6[%get3A_902, %get3A_903, %get3A_904] {strides = array<i32>} : memref<2x200x128xf32, #tpu.memory_space<vmem>>, vector<1x1x16xf32>,
        %get3A_906 = vector.shape_cast %get3A_905 : vector<1x1x16xf32> to vector<16xf32>
        %mul3A_907 = arith.constant 8 : i32
        %mul3A_908 = arith.muli %scan3A_436, %mul3A_907 : i32
        %add3A_909 = arith.constant 5 : i32
        %add3A_910 = arith.addi %mul3A_908, %add3A_909 : i32
        %swap3A_911 = arith.constant 1 : i32
        %swap3A_912 = arith.index_cast %swap3A_911 : i32 to index
        %swap3A_913 = arith.index_cast %add3A_910 : i32 to index
        %swap3A_914 = arith.constant 32 : index
        %swap3A_915 = tpu.vector_load %arg7[%swap3A_912, %swap3A_913, %swap3A_914] {strides = array<i32>} : memref<2x200x64xf32, #tpu.memory_space<vmem>>, vector<1x1x16xf32>,
        %swap3A_916 = vector.shape_cast %swap3A_915 : vector<1x1x16xf32> to vector<16xf32>
        %swap3A_917 = vector.shape_cast %get3A_906 : vector<16xf32> to vector<1x1x16xf32>
        tpu.vector_store %arg7[%swap3A_912, %swap3A_913, %swap3A_914], %swap3A_917 {strides = array<i32>} : memref<2x200x64xf32, #tpu.memory_space<vmem>>, vector<1x1x16xf32>,
        %mul3A_918 = arith.constant 8 : i32
        %mul3A_919 = arith.muli %scan3A_436, %mul3A_918 : i32
        %add3A_920 = arith.constant 5 : i32
        %add3A_921 = arith.addi %mul3A_919, %add3A_920 : i32
        %get3A_922 = arith.constant 1 : i32
        %get3A_923 = arith.index_cast %get3A_922 : i32 to index
        %get3A_924 = arith.index_cast %add3A_921 : i32 to index
        %get3A_925 = arith.constant 48 : index
        %get3A_926 = tpu.vector_load %arg6[%get3A_923, %get3A_924, %get3A_925] {strides = array<i32>} : memref<2x200x128xf32, #tpu.memory_space<vmem>>, vector<1x1x16xf32>,
        %get3A_927 = vector.shape_cast %get3A_926 : vector<1x1x16xf32> to vector<16xf32>
        %mul3A_928 = arith.constant 8 : i32
        %mul3A_929 = arith.muli %scan3A_436, %mul3A_928 : i32
        %add3A_930 = arith.constant 5 : i32
        %add3A_931 = arith.addi %mul3A_929, %add3A_930 : i32
        %swap3A_932 = arith.constant 1 : i32
        %swap3A_933 = arith.index_cast %swap3A_932 : i32 to index
        %swap3A_934 = arith.index_cast %add3A_931 : i32 to index
        %swap3A_935 = arith.constant 48 : index
        %swap3A_936 = tpu.vector_load %arg7[%swap3A_933, %swap3A_934, %swap3A_935] {strides = array<i32>} : memref<2x200x64xf32, #tpu.memory_space<vmem>>, vector<1x1x16xf32>,
        %swap3A_937 = vector.shape_cast %swap3A_936 : vector<1x1x16xf32> to vector<16xf32>
        %swap3A_938 = vector.shape_cast %get3A_927 : vector<16xf32> to vector<1x1x16xf32>
        tpu.vector_store %arg7[%swap3A_933, %swap3A_934, %swap3A_935], %swap3A_938 {strides = array<i32>} : memref<2x200x64xf32, #tpu.memory_space<vmem>>, vector<1x1x16xf32>,
        %mul3A_939 = arith.constant 8 : i32
        %mul3A_940 = arith.muli %scan3A_436, %mul3A_939 : i32
        %add3A_941 = arith.constant 6 : i32
        %add3A_942 = arith.addi %mul3A_940, %add3A_941 : i32
        %get3A_943 = arith.constant 1 : i32
        %get3A_944 = arith.index_cast %get3A_943 : i32 to index
        %get3A_945 = arith.index_cast %add3A_942 : i32 to index
        %get3A_946 = arith.constant 0 : index
        %get3A_947 = tpu.vector_load %arg6[%get3A_944, %get3A_945, %get3A_946] {strides = array<i32>} : memref<2x200x128xf32, #tpu.memory_space<vmem>>, vector<1x1x16xf32>,
        %get3A_948 = vector.shape_cast %get3A_947 : vector<1x1x16xf32> to vector<16xf32>
        %mul3A_949 = arith.constant 8 : i32
        %mul3A_950 = arith.muli %scan3A_436, %mul3A_949 : i32
        %add3A_951 = arith.constant 6 : i32
        %add3A_952 = arith.addi %mul3A_950, %add3A_951 : i32
        %swap3A_953 = arith.constant 1 : i32
        %swap3A_954 = arith.index_cast %swap3A_953 : i32 to index
        %swap3A_955 = arith.index_cast %add3A_952 : i32 to index
        %swap3A_956 = arith.constant 0 : index
        %swap3A_957 = tpu.vector_load %arg7[%swap3A_954, %swap3A_955, %swap3A_956] {strides = array<i32>} : memref<2x200x64xf32, #tpu.memory_space<vmem>>, vector<1x1x16xf32>,
        %swap3A_958 = vector.shape_cast %swap3A_957 : vector<1x1x16xf32> to vector<16xf32>
        %swap3A_959 = vector.shape_cast %get3A_948 : vector<16xf32> to vector<1x1x16xf32>
        tpu.vector_store %arg7[%swap3A_954, %swap3A_955, %swap3A_956], %swap3A_959 {strides = array<i32>} : memref<2x200x64xf32, #tpu.memory_space<vmem>>, vector<1x1x16xf32>,
        %mul3A_960 = arith.constant 8 : i32
        %mul3A_961 = arith.muli %scan3A_436, %mul3A_960 : i32
        %add3A_962 = arith.constant 6 : i32
        %add3A_963 = arith.addi %mul3A_961, %add3A_962 : i32
        %get3A_964 = arith.constant 1 : i32
        %get3A_965 = arith.index_cast %get3A_964 : i32 to index
        %get3A_966 = arith.index_cast %add3A_963 : i32 to index
        %get3A_967 = arith.constant 16 : index
        %get3A_968 = tpu.vector_load %arg6[%get3A_965, %get3A_966, %get3A_967] {strides = array<i32>} : memref<2x200x128xf32, #tpu.memory_space<vmem>>, vector<1x1x16xf32>,
        %get3A_969 = vector.shape_cast %get3A_968 : vector<1x1x16xf32> to vector<16xf32>
        %mul3A_970 = arith.constant 8 : i32
        %mul3A_971 = arith.muli %scan3A_436, %mul3A_970 : i32
        %add3A_972 = arith.constant 6 : i32
        %add3A_973 = arith.addi %mul3A_971, %add3A_972 : i32
        %swap3A_974 = arith.constant 1 : i32
        %swap3A_975 = arith.index_cast %swap3A_974 : i32 to index
        %swap3A_976 = arith.index_cast %add3A_973 : i32 to index
        %swap3A_977 = arith.constant 16 : index
        %swap3A_978 = tpu.vector_load %arg7[%swap3A_975, %swap3A_976, %swap3A_977] {strides = array<i32>} : memref<2x200x64xf32, #tpu.memory_space<vmem>>, vector<1x1x16xf32>,
        %swap3A_979 = vector.shape_cast %swap3A_978 : vector<1x1x16xf32> to vector<16xf32>
        %swap3A_980 = vector.shape_cast %get3A_969 : vector<16xf32> to vector<1x1x16xf32>
        tpu.vector_store %arg7[%swap3A_975, %swap3A_976, %swap3A_977], %swap3A_980 {strides = array<i32>} : memref<2x200x64xf32, #tpu.memory_space<vmem>>, vector<1x1x16xf32>,
        %mul3A_981 = arith.constant 8 : i32
        %mul3A_982 = arith.muli %scan3A_436, %mul3A_981 : i32
        %add3A_983 = arith.constant 6 : i32
        %add3A_984 = arith.addi %mul3A_982, %add3A_983 : i32
        %get3A_985 = arith.constant 1 : i32
        %get3A_986 = arith.index_cast %get3A_985 : i32 to index
        %get3A_987 = arith.index_cast %add3A_984 : i32 to index
        %get3A_988 = arith.constant 32 : index
        %get3A_989 = tpu.vector_load %arg6[%get3A_986, %get3A_987, %get3A_988] {strides = array<i32>} : memref<2x200x128xf32, #tpu.memory_space<vmem>>, vector<1x1x16xf32>,
        %get3A_990 = vector.shape_cast %get3A_989 : vector<1x1x16xf32> to vector<16xf32>
        %mul3A_991 = arith.constant 8 : i32
        %mul3A_992 = arith.muli %scan3A_436, %mul3A_991 : i32
        %add3A_993 = arith.constant 6 : i32
        %add3A_994 = arith.addi %mul3A_992, %add3A_993 : i32
        %swap3A_995 = arith.constant 1 : i32
        %swap3A_996 = arith.index_cast %swap3A_995 : i32 to index
        %swap3A_997 = arith.index_cast %add3A_994 : i32 to index
        %swap3A_998 = arith.constant 32 : index
        %swap3A_999 = tpu.vector_load %arg7[%swap3A_996, %swap3A_997, %swap3A_998] {strides = array<i32>} : memref<2x200x64xf32, #tpu.memory_space<vmem>>, vector<1x1x16xf32>,
        %swap3A_1000 = vector.shape_cast %swap3A_999 : vector<1x1x16xf32> to vector<16xf32>
        %swap3A_1001 = vector.shape_cast %get3A_990 : vector<16xf32> to vector<1x1x16xf32>
        tpu.vector_store %arg7[%swap3A_996, %swap3A_997, %swap3A_998], %swap3A_1001 {strides = array<i32>} : memref<2x200x64xf32, #tpu.memory_space<vmem>>, vector<1x1x16xf32>,
        %mul3A_1002 = arith.constant 8 : i32
        %mul3A_1003 = arith.muli %scan3A_436, %mul3A_1002 : i32
        %add3A_1004 = arith.constant 6 : i32
        %add3A_1005 = arith.addi %mul3A_1003, %add3A_1004 : i32
        %get3A_1006 = arith.constant 1 : i32
        %get3A_1007 = arith.index_cast %get3A_1006 : i32 to index
        %get3A_1008 = arith.index_cast %add3A_1005 : i32 to index
        %get3A_1009 = arith.constant 48 : index
        %get3A_1010 = tpu.vector_load %arg6[%get3A_1007, %get3A_1008, %get3A_1009] {strides = array<i32>} : memref<2x200x128xf32, #tpu.memory_space<vmem>>, vector<1x1x16xf32>,
        %get3A_1011 = vector.shape_cast %get3A_1010 : vector<1x1x16xf32> to vector<16xf32>
        %mul3A_1012 = arith.constant 8 : i32
        %mul3A_1013 = arith.muli %scan3A_436, %mul3A_1012 : i32
        %add3A_1014 = arith.constant 6 : i32
        %add3A_1015 = arith.addi %mul3A_1013, %add3A_1014 : i32
        %swap3A_1016 = arith.constant 1 : i32
        %swap3A_1017 = arith.index_cast %swap3A_1016 : i32 to index
        %swap3A_1018 = arith.index_cast %add3A_1015 : i32 to index
        %swap3A_1019 = arith.constant 48 : index
        %swap3A_1020 = tpu.vector_load %arg7[%swap3A_1017, %swap3A_1018, %swap3A_1019] {strides = array<i32>} : memref<2x200x64xf32, #tpu.memory_space<vmem>>, vector<1x1x16xf32>,
        %swap3A_1021 = vector.shape_cast %swap3A_1020 : vector<1x1x16xf32> to vector<16xf32>
        %swap3A_1022 = vector.shape_cast %get3A_1011 : vector<16xf32> to vector<1x1x16xf32>
        tpu.vector_store %arg7[%swap3A_1017, %swap3A_1018, %swap3A_1019], %swap3A_1022 {strides = array<i32>} : memref<2x200x64xf32, #tpu.memory_space<vmem>>, vector<1x1x16xf32>,
        %mul3A_1023 = arith.constant 8 : i32
        %mul3A_1024 = arith.muli %scan3A_436, %mul3A_1023 : i32
        %add3A_1025 = arith.constant 7 : i32
        %add3A_1026 = arith.addi %mul3A_1024, %add3A_1025 : i32
        %get3A_1027 = arith.constant 1 : i32
        %get3A_1028 = arith.index_cast %get3A_1027 : i32 to index
        %get3A_1029 = arith.index_cast %add3A_1026 : i32 to index
        %get3A_1030 = arith.constant 0 : index
        %get3A_1031 = tpu.vector_load %arg6[%get3A_1028, %get3A_1029, %get3A_1030] {strides = array<i32>} : memref<2x200x128xf32, #tpu.memory_space<vmem>>, vector<1x1x16xf32>,
        %get3A_1032 = vector.shape_cast %get3A_1031 : vector<1x1x16xf32> to vector<16xf32>
        %mul3A_1033 = arith.constant 8 : i32
        %mul3A_1034 = arith.muli %scan3A_436, %mul3A_1033 : i32
        %add3A_1035 = arith.constant 7 : i32
        %add3A_1036 = arith.addi %mul3A_1034, %add3A_1035 : i32
        %swap3A_1037 = arith.constant 1 : i32
        %swap3A_1038 = arith.index_cast %swap3A_1037 : i32 to index
        %swap3A_1039 = arith.index_cast %add3A_1036 : i32 to index
        %swap3A_1040 = arith.constant 0 : index
        %swap3A_1041 = tpu.vector_load %arg7[%swap3A_1038, %swap3A_1039, %swap3A_1040] {strides = array<i32>} : memref<2x200x64xf32, #tpu.memory_space<vmem>>, vector<1x1x16xf32>,
        %swap3A_1042 = vector.shape_cast %swap3A_1041 : vector<1x1x16xf32> to vector<16xf32>
        %swap3A_1043 = vector.shape_cast %get3A_1032 : vector<16xf32> to vector<1x1x16xf32>
        tpu.vector_store %arg7[%swap3A_1038, %swap3A_1039, %swap3A_1040], %swap3A_1043 {strides = array<i32>} : memref<2x200x64xf32, #tpu.memory_space<vmem>>, vector<1x1x16xf32>,
        %mul3A_1044 = arith.constant 8 : i32
        %mul3A_1045 = arith.muli %scan3A_436, %mul3A_1044 : i32
        %add3A_1046 = arith.constant 7 : i32
        %add3A_1047 = arith.addi %mul3A_1045, %add3A_1046 : i32
        %get3A_1048 = arith.constant 1 : i32
        %get3A_1049 = arith.index_cast %get3A_1048 : i32 to index
        %get3A_1050 = arith.index_cast %add3A_1047 : i32 to index
        %get3A_1051 = arith.constant 16 : index
        %get3A_1052 = tpu.vector_load %arg6[%get3A_1049, %get3A_1050, %get3A_1051] {strides = array<i32>} : memref<2x200x128xf32, #tpu.memory_space<vmem>>, vector<1x1x16xf32>,
        %get3A_1053 = vector.shape_cast %get3A_1052 : vector<1x1x16xf32> to vector<16xf32>
        %mul3A_1054 = arith.constant 8 : i32
        %mul3A_1055 = arith.muli %scan3A_436, %mul3A_1054 : i32
        %add3A_1056 = arith.constant 7 : i32
        %add3A_1057 = arith.addi %mul3A_1055, %add3A_1056 : i32
        %swap3A_1058 = arith.constant 1 : i32
        %swap3A_1059 = arith.index_cast %swap3A_1058 : i32 to index
        %swap3A_1060 = arith.index_cast %add3A_1057 : i32 to index
        %swap3A_1061 = arith.constant 16 : index
        %swap3A_1062 = tpu.vector_load %arg7[%swap3A_1059, %swap3A_1060, %swap3A_1061] {strides = array<i32>} : memref<2x200x64xf32, #tpu.memory_space<vmem>>, vector<1x1x16xf32>,
        %swap3A_1063 = vector.shape_cast %swap3A_1062 : vector<1x1x16xf32> to vector<16xf32>
        %swap3A_1064 = vector.shape_cast %get3A_1053 : vector<16xf32> to vector<1x1x16xf32>
        tpu.vector_store %arg7[%swap3A_1059, %swap3A_1060, %swap3A_1061], %swap3A_1064 {strides = array<i32>} : memref<2x200x64xf32, #tpu.memory_space<vmem>>, vector<1x1x16xf32>,
        %mul3A_1065 = arith.constant 8 : i32
        %mul3A_1066 = arith.muli %scan3A_436, %mul3A_1065 : i32
        %add3A_1067 = arith.constant 7 : i32
        %add3A_1068 = arith.addi %mul3A_1066, %add3A_1067 : i32
        %get3A_1069 = arith.constant 1 : i32
        %get3A_1070 = arith.index_cast %get3A_1069 : i32 to index
        %get3A_1071 = arith.index_cast %add3A_1068 : i32 to index
        %get3A_1072 = arith.constant 32 : index
        %get3A_1073 = tpu.vector_load %arg6[%get3A_1070, %get3A_1071, %get3A_1072] {strides = array<i32>} : memref<2x200x128xf32, #tpu.memory_space<vmem>>, vector<1x1x16xf32>,
        %get3A_1074 = vector.shape_cast %get3A_1073 : vector<1x1x16xf32> to vector<16xf32>
        %mul3A_1075 = arith.constant 8 : i32
        %mul3A_1076 = arith.muli %scan3A_436, %mul3A_1075 : i32
        %add3A_1077 = arith.constant 7 : i32
        %add3A_1078 = arith.addi %mul3A_1076, %add3A_1077 : i32
        %swap3A_1079 = arith.constant 1 : i32
        %swap3A_1080 = arith.index_cast %swap3A_1079 : i32 to index
        %swap3A_1081 = arith.index_cast %add3A_1078 : i32 to index
        %swap3A_1082 = arith.constant 32 : index
        %swap3A_1083 = tpu.vector_load %arg7[%swap3A_1080, %swap3A_1081, %swap3A_1082] {strides = array<i32>} : memref<2x200x64xf32, #tpu.memory_space<vmem>>, vector<1x1x16xf32>,
        %swap3A_1084 = vector.shape_cast %swap3A_1083 : vector<1x1x16xf32> to vector<16xf32>
        %swap3A_1085 = vector.shape_cast %get3A_1074 : vector<16xf32> to vector<1x1x16xf32>
        tpu.vector_store %arg7[%swap3A_1080, %swap3A_1081, %swap3A_1082], %swap3A_1085 {strides = array<i32>} : memref<2x200x64xf32, #tpu.memory_space<vmem>>, vector<1x1x16xf32>,
        %mul3A_1086 = arith.constant 8 : i32
        %mul3A_1087 = arith.muli %scan3A_436, %mul3A_1086 : i32
        %add3A_1088 = arith.constant 7 : i32
        %add3A_1089 = arith.addi %mul3A_1087, %add3A_1088 : i32
        %get3A_1090 = arith.constant 1 : i32
        %get3A_1091 = arith.index_cast %get3A_1090 : i32 to index
        %get3A_1092 = arith.index_cast %add3A_1089 : i32 to index
        %get3A_1093 = arith.constant 48 : index
        %get3A_1094 = tpu.vector_load %arg6[%get3A_1091, %get3A_1092, %get3A_1093] {strides = array<i32>} : memref<2x200x128xf32, #tpu.memory_space<vmem>>, vector<1x1x16xf32>,
        %get3A_1095 = vector.shape_cast %get3A_1094 : vector<1x1x16xf32> to vector<16xf32>
        %mul3A_1096 = arith.constant 8 : i32
        %mul3A_1097 = arith.muli %scan3A_436, %mul3A_1096 : i32
        %add3A_1098 = arith.constant 7 : i32
        %add3A_1099 = arith.addi %mul3A_1097, %add3A_1098 : i32
        %swap3A_1100 = arith.constant 1 : i32
        %swap3A_1101 = arith.index_cast %swap3A_1100 : i32 to index
        %swap3A_1102 = arith.index_cast %add3A_1099 : i32 to index
        %swap3A_1103 = arith.constant 48 : index
        %swap3A_1104 = tpu.vector_load %arg7[%swap3A_1101, %swap3A_1102, %swap3A_1103] {strides = array<i32>} : memref<2x200x64xf32, #tpu.memory_space<vmem>>, vector<1x1x16xf32>,
        %swap3A_1105 = vector.shape_cast %swap3A_1104 : vector<1x1x16xf32> to vector<16xf32>
        %swap3A_1106 = vector.shape_cast %get3A_1095 : vector<16xf32> to vector<1x1x16xf32>
        tpu.vector_store %arg7[%swap3A_1101, %swap3A_1102, %swap3A_1103], %swap3A_1106 {strides = array<i32>} : memref<2x200x64xf32, #tpu.memory_space<vmem>>, vector<1x1x16xf32>,
      }
      %scan3A_302 = arith.constant 25 : i32
      %add3A_303 = arith.addi %mul3A_2, %add3A_216 : i32
      %dma_start3A_304 = arith.constant 1 : i32
      %dma_start3A_305 = arith.constant 1 : i32
      %dma_start3A_306 = arith.constant 0 : i32
      %dma_start3A_307 = arith.constant 0 : i32
      %dma_start3A_308 = tpu.memref_slice %arg7[%dma_start3A_304, %dma_start3A_306, %dma_start3A_307] : memref<2x200x64xf32, #tpu.memory_space<vmem>> -> memref<1x200x64xf32, #tpu.memory_space<vmem>>
      %dma_start3A_309 = tpu.memref_squeeze %dma_start3A_308 : memref<1x200x64xf32, #tpu.memory_space<vmem>> -> memref<200x64xf32, #tpu.memory_space<vmem>>
      %dma_start3A_310 = arith.constant 0 : i32
      %dma_start3A_311 = arith.constant 0 : i32
      %dma_start3A_312 = tpu.memref_slice %arg4[%add3A_303, %dma_start3A_310, %dma_start3A_311] : memref<4096x200x64xf32, #tpu.memory_space<hbm>> -> memref<1x200x64xf32, #tpu.memory_space<hbm>>
      %dma_start3A_313 = tpu.memref_squeeze %dma_start3A_312 : memref<1x200x64xf32, #tpu.memory_space<hbm>> -> memref<200x64xf32, #tpu.memory_space<hbm>>
      %dma_start3A_314 = tpu.memref_slice %arg9[%dma_start3A_305] : memref<2x!tpu.dma_semaphore, #tpu.memory_space<semaphore_mem>> -> memref<1x!tpu.dma_semaphore, #tpu.memory_space<semaphore_mem>>
      %dma_start3A_315 = tpu.memref_squeeze %dma_start3A_314 : memref<1x!tpu.dma_semaphore, #tpu.memory_space<semaphore_mem>> -> memref<!tpu.dma_semaphore, #tpu.memory_space<semaphore_mem>>
      %dma_start3A_316 = arith.constant 0 : i32
      %dma_start3A_317 = arith.constant 0 : i32
      %dma_start3A_318 = tpu.memref_slice %arg4[%add3A_303, %dma_start3A_316, %dma_start3A_317] : memref<4096x200x64xf32, #tpu.memory_space<hbm>> -> memref<1x200x64xf32, #tpu.memory_space<hbm>>
      %dma_start3A_319 = tpu.memref_squeeze %dma_start3A_318 : memref<1x200x64xf32, #tpu.memory_space<hbm>> -> memref<200x64xf32, #tpu.memory_space<hbm>>
      %dma_start3A_320 = arith.constant 0 : i32
      %dma_start3A_321 = arith.constant 0 : i32
      %dma_start3A_322 = tpu.memref_slice %arg7[%dma_start3A_304, %dma_start3A_320, %dma_start3A_321] : memref<2x200x64xf32, #tpu.memory_space<vmem>> -> memref<1x200x64xf32, #tpu.memory_space<vmem>>
      %dma_start3A_323 = tpu.memref_squeeze %dma_start3A_322 : memref<1x200x64xf32, #tpu.memory_space<vmem>> -> memref<200x64xf32, #tpu.memory_space<vmem>>
      tpu.enqueue_dma source(%dma_start3A_323 : memref<200x64xf32, #tpu.memory_space<vmem>>) target(%dma_start3A_319 : memref<200x64xf32, #tpu.memory_space<hbm>>) target_semaphore(%dma_start3A_315 : memref<!tpu.dma_semaphore, #tpu.memory_space<semaphore_mem>>)
      %mul3A_324 = arith.constant 2 : i32
      %mul3A_325 = arith.muli %mul3A_324, %scan3A_212 : i32
      %add3A_326 = arith.constant 2 : i32
      %add3A_327 = arith.addi %mul3A_325, %add3A_326 : i32
      %sub3A_328 = arith.constant 1 : i32
      %sub3A_329 = arith.subi %add3A_327, %sub3A_328 : i32
      %add3A_330 = arith.addi %mul3A_2, %sub3A_329 : i32
      %dma_wait3A_331 = arith.constant 1 : i32
      %dma_wait3A_332 = arith.constant 1 : i32
      %dma_wait3A_333 = arith.constant 0 : i32
      %dma_wait3A_334 = arith.constant 0 : i32
      %dma_wait3A_335 = tpu.memref_slice %arg7[%dma_wait3A_331, %dma_wait3A_333, %dma_wait3A_334] : memref<2x200x64xf32, #tpu.memory_space<vmem>> -> memref<1x200x64xf32, #tpu.memory_space<vmem>>
      %dma_wait3A_336 = tpu.memref_squeeze %dma_wait3A_335 : memref<1x200x64xf32, #tpu.memory_space<vmem>> -> memref<200x64xf32, #tpu.memory_space<vmem>>
      %dma_wait3A_337 = arith.constant 0 : i32
      %dma_wait3A_338 = arith.constant 0 : i32
      %dma_wait3A_339 = tpu.memref_slice %arg4[%add3A_330, %dma_wait3A_337, %dma_wait3A_338] : memref<4096x200x64xf32, #tpu.memory_space<hbm>> -> memref<1x200x64xf32, #tpu.memory_space<hbm>>
      %dma_wait3A_340 = tpu.memref_squeeze %dma_wait3A_339 : memref<1x200x64xf32, #tpu.memory_space<hbm>> -> memref<200x64xf32, #tpu.memory_space<hbm>>
      %dma_wait3A_341 = tpu.memref_slice %arg9[%dma_wait3A_332] : memref<2x!tpu.dma_semaphore, #tpu.memory_space<semaphore_mem>> -> memref<1x!tpu.dma_semaphore, #tpu.memory_space<semaphore_mem>>
      %dma_wait3A_342 = tpu.memref_squeeze %dma_wait3A_341 : memref<1x!tpu.dma_semaphore, #tpu.memory_space<semaphore_mem>> -> memref<!tpu.dma_semaphore, #tpu.memory_space<semaphore_mem>>
      %dma_wait3A_343 = arith.constant 0 : i32
      %dma_wait3A_344 = arith.constant 0 : i32
      %dma_wait3A_345 = tpu.memref_slice %arg4[%add3A_330, %dma_wait3A_343, %dma_wait3A_344] : memref<4096x200x64xf32, #tpu.memory_space<hbm>> -> memref<1x200x64xf32, #tpu.memory_space<hbm>>
      %dma_wait3A_346 = tpu.memref_squeeze %dma_wait3A_345 : memref<1x200x64xf32, #tpu.memory_space<hbm>> -> memref<200x64xf32, #tpu.memory_space<hbm>>
      %dma_wait3A_347 = arith.constant 0 : i32
      %dma_wait3A_348 = arith.constant 0 : i32
      %dma_wait3A_349 = tpu.memref_slice %arg7[%dma_wait3A_331, %dma_wait3A_347, %dma_wait3A_348] : memref<2x200x64xf32, #tpu.memory_space<vmem>> -> memref<1x200x64xf32, #tpu.memory_space<vmem>>
      %dma_wait3A_350 = tpu.memref_squeeze %dma_wait3A_349 : memref<1x200x64xf32, #tpu.memory_space<vmem>> -> memref<200x64xf32, #tpu.memory_space<vmem>>
      tpu.wait_dma2 semaphore(%dma_wait3A_342 : memref<!tpu.dma_semaphore, #tpu.memory_space<semaphore_mem>>) src(%dma_wait3A_350 : memref<200x64xf32, #tpu.memory_space<vmem>>) dst(%dma_wait3A_346 : memref<200x64xf32, #tpu.memory_space<hbm>>)
      %add3A_351 = arith.constant 1 : i32
      %add3A_352 = arith.addi %add3A_327, %add3A_351 : i32
      %mul3A_353 = arith.constant 200 : i32
      %mul3A_354 = arith.muli %add3A_352, %mul3A_353 : i32
      %dma_start3A_355 = arith.constant 1 : i32
      %dma_start3A_356 = arith.constant 1 : i32
      %dma_start3A_357 = arith.constant 0 : i32
      %dma_start3A_358 = arith.constant 0 : i32
      %dma_start3A_359 = tpu.memref_slice %arg6[%dma_start3A_355, %dma_start3A_357, %dma_start3A_358] : memref<2x200x128xf32, #tpu.memory_space<vmem>> -> memref<1x128x128xf32, #tpu.memory_space<vmem>>
      %dma_start3A_360 = tpu.memref_squeeze %dma_start3A_359 : memref<1x128x128xf32, #tpu.memory_space<vmem>> -> memref<128x128xf32, #tpu.memory_space<vmem>>
      %dma_start3A_361 = tpu.memref_slice %arg5[%mul3A_354] : memref<25600xi32, #tpu.memory_space<vmem>> -> memref<128xi32, #tpu.memory_space<vmem>>
      %dma_start3A_362 = arith.constant 0 : i32
      %dma_start3A_363 = arith.constant 0 : i32
      %dma_start3A_364 = tpu.memref_slice %arg3[%dma_start3A_362, %dma_start3A_363] : memref<1000000x128xf32, #tpu.memory_space<hbm>> -> memref<1000000x128xf32, #tpu.memory_space<hbm>>
      %dma_start3A_365 = tpu.memref_slice %arg8[%dma_start3A_356] : memref<2x!tpu.dma_semaphore, #tpu.memory_space<semaphore_mem>> -> memref<1x!tpu.dma_semaphore, #tpu.memory_space<semaphore_mem>>
      %dma_start3A_366 = tpu.memref_squeeze %dma_start3A_365 : memref<1x!tpu.dma_semaphore, #tpu.memory_space<semaphore_mem>> -> memref<!tpu.dma_semaphore, #tpu.memory_space<semaphore_mem>>
      tpu.enqueue_indirect_dma source(%dma_start3A_364 : memref<1000000x128xf32, #tpu.memory_space<hbm>>) target(%dma_start3A_360 : memref<128x128xf32, #tpu.memory_space<vmem>>) offsets(%dma_start3A_361 : memref<128xi32, #tpu.memory_space<vmem>>) semaphore(%dma_start3A_366 : memref<!tpu.dma_semaphore, #tpu.memory_space<semaphore_mem>>)
      %add3A_367 = arith.constant 128 : i32
      %add3A_368 = arith.addi %mul3A_354, %add3A_367 : i32
      %dma_start3A_369 = arith.constant 1 : i32
      %dma_start3A_370 = arith.constant 1 : i32
      %dma_start3A_371 = arith.constant 128 : i32
      %dma_start3A_372 = arith.constant 0 : i32
      %dma_start3A_373 = tpu.memref_slice %arg6[%dma_start3A_369, %dma_start3A_371, %dma_start3A_372] : memref<2x200x128xf32, #tpu.memory_space<vmem>> -> memref<1x72x128xf32, #tpu.memory_space<vmem>>
      %dma_start3A_374 = tpu.memref_squeeze %dma_start3A_373 : memref<1x72x128xf32, #tpu.memory_space<vmem>> -> memref<72x128xf32, #tpu.memory_space<vmem>>
      %dma_start3A_375 = tpu.memref_slice %arg5[%add3A_368] : memref<25600xi32, #tpu.memory_space<vmem>> -> memref<72xi32, #tpu.memory_space<vmem>>
      %dma_start3A_376 = arith.constant 0 : i32
      %dma_start3A_377 = arith.constant 0 : i32
      %dma_start3A_378 = tpu.memref_slice %arg3[%dma_start3A_376, %dma_start3A_377] : memref<1000000x128xf32, #tpu.memory_space<hbm>> -> memref<1000000x128xf32, #tpu.memory_space<hbm>>
      %dma_start3A_379 = tpu.memref_slice %arg8[%dma_start3A_370] : memref<2x!tpu.dma_semaphore, #tpu.memory_space<semaphore_mem>> -> memref<1x!tpu.dma_semaphore, #tpu.memory_space<semaphore_mem>>
      %dma_start3A_380 = tpu.memref_squeeze %dma_start3A_379 : memref<1x!tpu.dma_semaphore, #tpu.memory_space<semaphore_mem>> -> memref<!tpu.dma_semaphore, #tpu.memory_space<semaphore_mem>>
      tpu.enqueue_indirect_dma source(%dma_start3A_378 : memref<1000000x128xf32, #tpu.memory_space<hbm>>) target(%dma_start3A_374 : memref<72x128xf32, #tpu.memory_space<vmem>>) offsets(%dma_start3A_375 : memref<72xi32, #tpu.memory_space<vmem>>) semaphore(%dma_start3A_380 : memref<!tpu.dma_semaphore, #tpu.memory_space<semaphore_mem>>)
      %mul3A_381 = arith.constant 200 : i32
      %mul3A_382 = arith.muli %add3A_327, %mul3A_381 : i32
      %dma_wait3A_383 = arith.constant 0 : i32
      %dma_wait3A_384 = arith.constant 0 : i32
      %dma_wait3A_385 = arith.constant 0 : i32
      %dma_wait3A_386 = arith.constant 0 : i32
      %dma_wait3A_387 = tpu.memref_slice %arg6[%dma_wait3A_383, %dma_wait3A_385, %dma_wait3A_386] : memref<2x200x128xf32, #tpu.memory_space<vmem>> -> memref<1x128x128xf32, #tpu.memory_space<vmem>>
      %dma_wait3A_388 = tpu.memref_squeeze %dma_wait3A_387 : memref<1x128x128xf32, #tpu.memory_space<vmem>> -> memref<128x128xf32, #tpu.memory_space<vmem>>
      %dma_wait3A_389 = tpu.memref_slice %arg5[%mul3A_382] : memref<25600xi32, #tpu.memory_space<vmem>> -> memref<128xi32, #tpu.memory_space<vmem>>
      %dma_wait3A_390 = arith.constant 0 : i32
      %dma_wait3A_391 = arith.constant 0 : i32
      %dma_wait3A_392 = tpu.memref_slice %arg3[%dma_wait3A_390, %dma_wait3A_391] : memref<1000000x128xf32, #tpu.memory_space<hbm>> -> memref<1000000x128xf32, #tpu.memory_space<hbm>>
      %dma_wait3A_393 = tpu.memref_slice %arg8[%dma_wait3A_384] : memref<2x!tpu.dma_semaphore, #tpu.memory_space<semaphore_mem>> -> memref<1x!tpu.dma_semaphore, #tpu.memory_space<semaphore_mem>>
      %dma_wait3A_394 = tpu.memref_squeeze %dma_wait3A_393 : memref<1x!tpu.dma_semaphore, #tpu.memory_space<semaphore_mem>> -> memref<!tpu.dma_semaphore, #tpu.memory_space<semaphore_mem>>
      tpu.wait_indirect_dma semaphore(%dma_wait3A_394 : memref<!tpu.dma_semaphore, #tpu.memory_space<semaphore_mem>>) src(%dma_wait3A_392 : memref<1000000x128xf32, #tpu.memory_space<hbm>>) dst(%dma_wait3A_388 : memref<128x128xf32, #tpu.memory_space<vmem>>)
      %add3A_395 = arith.constant 128 : i32
      %add3A_396 = arith.addi %mul3A_382, %add3A_395 : i32
      %dma_wait3A_397 = arith.constant 0 : i32
      %dma_wait3A_398 = arith.constant 0 : i32
      %dma_wait3A_399 = arith.constant 128 : i32
      %dma_wait3A_400 = arith.constant 0 : i32
      %dma_wait3A_401 = tpu.memref_slice %arg6[%dma_wait3A_397, %dma_wait3A_399, %dma_wait3A_400] : memref<2x200x128xf32, #tpu.memory_space<vmem>> -> memref<1x72x128xf32, #tpu.memory_space<vmem>>
      %dma_wait3A_402 = tpu.memref_squeeze %dma_wait3A_401 : memref<1x72x128xf32, #tpu.memory_space<vmem>> -> memref<72x128xf32, #tpu.memory_space<vmem>>
      %dma_wait3A_403 = tpu.memref_slice %arg5[%add3A_396] : memref<25600xi32, #tpu.memory_space<vmem>> -> memref<72xi32, #tpu.memory_space<vmem>>
      %dma_wait3A_404 = arith.constant 0 : i32
      %dma_wait3A_405 = arith.constant 0 : i32
      %dma_wait3A_406 = tpu.memref_slice %arg3[%dma_wait3A_404, %dma_wait3A_405] : memref<1000000x128xf32, #tpu.memory_space<hbm>> -> memref<1000000x128xf32, #tpu.memory_space<hbm>>
      %dma_wait3A_407 = tpu.memref_slice %arg8[%dma_wait3A_398] : memref<2x!tpu.dma_semaphore, #tpu.memory_space<semaphore_mem>> -> memref<1x!tpu.dma_semaphore, #tpu.memory_space<semaphore_mem>>
      %dma_wait3A_408 = tpu.memref_squeeze %dma_wait3A_407 : memref<1x!tpu.dma_semaphore, #tpu.memory_space<semaphore_mem>> -> memref<!tpu.dma_semaphore, #tpu.memory_space<semaphore_mem>>
      tpu.wait_indirect_dma semaphore(%dma_wait3A_408 : memref<!tpu.dma_semaphore, #tpu.memory_space<semaphore_mem>>) src(%dma_wait3A_406 : memref<1000000x128xf32, #tpu.memory_space<hbm>>) dst(%dma_wait3A_402 : memref<72x128xf32, #tpu.memory_space<vmem>>)
      %scan3A_409 = arith.constant 0 : i32
      %scan3A_410 = arith.constant 0 : i32
      %scan3A_411 = arith.constant 25 : i32
      %scan3A_412 = arith.addi %scan3A_410, %scan3A_411 : i32
      %scan3A_413 = arith.constant 1 : i32
      scf.for %scan3A_436 = %scan3A_410 to %scan3A_412 step %scan3A_413  : i32 {
        %mul3A_437 = arith.constant 8 : i32
        %mul3A_438 = arith.muli %scan3A_436, %mul3A_437 : i32
        %add3A_439 = arith.constant 0 : i32
        %add3A_440 = arith.addi %mul3A_438, %add3A_439 : i32
        %get3A = arith.constant 0 : i32
        %get3A_441 = arith.index_cast %get3A : i32 to index
        %get3A_442 = arith.index_cast %add3A_440 : i32 to index
        %get3A_443 = arith.constant 0 : index
        %get3A_444 = tpu.vector_load %arg6[%get3A_441, %get3A_442, %get3A_443] {strides = array<i32>} : memref<2x200x128xf32, #tpu.memory_space<vmem>>, vector<1x1x16xf32>,
        %get3A_445 = vector.shape_cast %get3A_444 : vector<1x1x16xf32> to vector<16xf32>
        %mul3A_446 = arith.constant 8 : i32
        %mul3A_447 = arith.muli %scan3A_436, %mul3A_446 : i32
        %add3A_448 = arith.constant 0 : i32
        %add3A_449 = arith.addi %mul3A_447, %add3A_448 : i32
        %swap3A = arith.constant 0 : i32
        %swap3A_450 = arith.index_cast %swap3A : i32 to index
        %swap3A_451 = arith.index_cast %add3A_449 : i32 to index
        %swap3A_452 = arith.constant 0 : index
        %swap3A_453 = tpu.vector_load %arg7[%swap3A_450, %swap3A_451, %swap3A_452] {strides = array<i32>} : memref<2x200x64xf32, #tpu.memory_space<vmem>>, vector<1x1x16xf32>,
        %swap3A_454 = vector.shape_cast %swap3A_453 : vector<1x1x16xf32> to vector<16xf32>
        %swap3A_455 = vector.shape_cast %get3A_445 : vector<16xf32> to vector<1x1x16xf32>
        tpu.vector_store %arg7[%swap3A_450, %swap3A_451, %swap3A_452], %swap3A_455 {strides = array<i32>} : memref<2x200x64xf32, #tpu.memory_space<vmem>>, vector<1x1x16xf32>,
        %mul3A_456 = arith.constant 8 : i32
        %mul3A_457 = arith.muli %scan3A_436, %mul3A_456 : i32
        %add3A_458 = arith.constant 0 : i32
        %add3A_459 = arith.addi %mul3A_457, %add3A_458 : i32
        %get3A_460 = arith.constant 0 : i32
        %get3A_461 = arith.index_cast %get3A_460 : i32 to index
        %get3A_462 = arith.index_cast %add3A_459 : i32 to index
        %get3A_463 = arith.constant 16 : index
        %get3A_464 = tpu.vector_load %arg6[%get3A_461, %get3A_462, %get3A_463] {strides = array<i32>} : memref<2x200x128xf32, #tpu.memory_space<vmem>>, vector<1x1x16xf32>,
        %get3A_465 = vector.shape_cast %get3A_464 : vector<1x1x16xf32> to vector<16xf32>
        %mul3A_466 = arith.constant 8 : i32
        %mul3A_467 = arith.muli %scan3A_436, %mul3A_466 : i32
        %add3A_468 = arith.constant 0 : i32
        %add3A_469 = arith.addi %mul3A_467, %add3A_468 : i32
        %swap3A_470 = arith.constant 0 : i32
        %swap3A_471 = arith.index_cast %swap3A_470 : i32 to index
        %swap3A_472 = arith.index_cast %add3A_469 : i32 to index
        %swap3A_473 = arith.constant 16 : index
        %swap3A_474 = tpu.vector_load %arg7[%swap3A_471, %swap3A_472, %swap3A_473] {strides = array<i32>} : memref<2x200x64xf32, #tpu.memory_space<vmem>>, vector<1x1x16xf32>,
        %swap3A_475 = vector.shape_cast %swap3A_474 : vector<1x1x16xf32> to vector<16xf32>
        %swap3A_476 = vector.shape_cast %get3A_465 : vector<16xf32> to vector<1x1x16xf32>
        tpu.vector_store %arg7[%swap3A_471, %swap3A_472, %swap3A_473], %swap3A_476 {strides = array<i32>} : memref<2x200x64xf32, #tpu.memory_space<vmem>>, vector<1x1x16xf32>,
        %mul3A_477 = arith.constant 8 : i32
        %mul3A_478 = arith.muli %scan3A_436, %mul3A_477 : i32
        %add3A_479 = arith.constant 0 : i32
        %add3A_480 = arith.addi %mul3A_478, %add3A_479 : i32
        %get3A_481 = arith.constant 0 : i32
        %get3A_482 = arith.index_cast %get3A_481 : i32 to index
        %get3A_483 = arith.index_cast %add3A_480 : i32 to index
        %get3A_484 = arith.constant 32 : index
        %get3A_485 = tpu.vector_load %arg6[%get3A_482, %get3A_483, %get3A_484] {strides = array<i32>} : memref<2x200x128xf32, #tpu.memory_space<vmem>>, vector<1x1x16xf32>,
        %get3A_486 = vector.shape_cast %get3A_485 : vector<1x1x16xf32> to vector<16xf32>
        %mul3A_487 = arith.constant 8 : i32
        %mul3A_488 = arith.muli %scan3A_436, %mul3A_487 : i32
        %add3A_489 = arith.constant 0 : i32
        %add3A_490 = arith.addi %mul3A_488, %add3A_489 : i32
        %swap3A_491 = arith.constant 0 : i32
        %swap3A_492 = arith.index_cast %swap3A_491 : i32 to index
        %swap3A_493 = arith.index_cast %add3A_490 : i32 to index
        %swap3A_494 = arith.constant 32 : index
        %swap3A_495 = tpu.vector_load %arg7[%swap3A_492, %swap3A_493, %swap3A_494] {strides = array<i32>} : memref<2x200x64xf32, #tpu.memory_space<vmem>>, vector<1x1x16xf32>,
        %swap3A_496 = vector.shape_cast %swap3A_495 : vector<1x1x16xf32> to vector<16xf32>
        %swap3A_497 = vector.shape_cast %get3A_486 : vector<16xf32> to vector<1x1x16xf32>
        tpu.vector_store %arg7[%swap3A_492, %swap3A_493, %swap3A_494], %swap3A_497 {strides = array<i32>} : memref<2x200x64xf32, #tpu.memory_space<vmem>>, vector<1x1x16xf32>,
        %mul3A_498 = arith.constant 8 : i32
        %mul3A_499 = arith.muli %scan3A_436, %mul3A_498 : i32
        %add3A_500 = arith.constant 0 : i32
        %add3A_501 = arith.addi %mul3A_499, %add3A_500 : i32
        %get3A_502 = arith.constant 0 : i32
        %get3A_503 = arith.index_cast %get3A_502 : i32 to index
        %get3A_504 = arith.index_cast %add3A_501 : i32 to index
        %get3A_505 = arith.constant 48 : index
        %get3A_506 = tpu.vector_load %arg6[%get3A_503, %get3A_504, %get3A_505] {strides = array<i32>} : memref<2x200x128xf32, #tpu.memory_space<vmem>>, vector<1x1x16xf32>,
        %get3A_507 = vector.shape_cast %get3A_506 : vector<1x1x16xf32> to vector<16xf32>
        %mul3A_508 = arith.constant 8 : i32
        %mul3A_509 = arith.muli %scan3A_436, %mul3A_508 : i32
        %add3A_510 = arith.constant 0 : i32
        %add3A_511 = arith.addi %mul3A_509, %add3A_510 : i32
        %swap3A_512 = arith.constant 0 : i32
        %swap3A_513 = arith.index_cast %swap3A_512 : i32 to index
        %swap3A_514 = arith.index_cast %add3A_511 : i32 to index
        %swap3A_515 = arith.constant 48 : index
        %swap3A_516 = tpu.vector_load %arg7[%swap3A_513, %swap3A_514, %swap3A_515] {strides = array<i32>} : memref<2x200x64xf32, #tpu.memory_space<vmem>>, vector<1x1x16xf32>,
        %swap3A_517 = vector.shape_cast %swap3A_516 : vector<1x1x16xf32> to vector<16xf32>
        %swap3A_518 = vector.shape_cast %get3A_507 : vector<16xf32> to vector<1x1x16xf32>
        tpu.vector_store %arg7[%swap3A_513, %swap3A_514, %swap3A_515], %swap3A_518 {strides = array<i32>} : memref<2x200x64xf32, #tpu.memory_space<vmem>>, vector<1x1x16xf32>,
        %mul3A_519 = arith.constant 8 : i32
        %mul3A_520 = arith.muli %scan3A_436, %mul3A_519 : i32
        %add3A_521 = arith.constant 1 : i32
        %add3A_522 = arith.addi %mul3A_520, %add3A_521 : i32
        %get3A_523 = arith.constant 0 : i32
        %get3A_524 = arith.index_cast %get3A_523 : i32 to index
        %get3A_525 = arith.index_cast %add3A_522 : i32 to index
        %get3A_526 = arith.constant 0 : index
        %get3A_527 = tpu.vector_load %arg6[%get3A_524, %get3A_525, %get3A_526] {strides = array<i32>} : memref<2x200x128xf32, #tpu.memory_space<vmem>>, vector<1x1x16xf32>,
        %get3A_528 = vector.shape_cast %get3A_527 : vector<1x1x16xf32> to vector<16xf32>
        %mul3A_529 = arith.constant 8 : i32
        %mul3A_530 = arith.muli %scan3A_436, %mul3A_529 : i32
        %add3A_531 = arith.constant 1 : i32
        %add3A_532 = arith.addi %mul3A_530, %add3A_531 : i32
        %swap3A_533 = arith.constant 0 : i32
        %swap3A_534 = arith.index_cast %swap3A_533 : i32 to index
        %swap3A_535 = arith.index_cast %add3A_532 : i32 to index
        %swap3A_536 = arith.constant 0 : index
        %swap3A_537 = tpu.vector_load %arg7[%swap3A_534, %swap3A_535, %swap3A_536] {strides = array<i32>} : memref<2x200x64xf32, #tpu.memory_space<vmem>>, vector<1x1x16xf32>,
        %swap3A_538 = vector.shape_cast %swap3A_537 : vector<1x1x16xf32> to vector<16xf32>
        %swap3A_539 = vector.shape_cast %get3A_528 : vector<16xf32> to vector<1x1x16xf32>
        tpu.vector_store %arg7[%swap3A_534, %swap3A_535, %swap3A_536], %swap3A_539 {strides = array<i32>} : memref<2x200x64xf32, #tpu.memory_space<vmem>>, vector<1x1x16xf32>,
        %mul3A_540 = arith.constant 8 : i32
        %mul3A_541 = arith.muli %scan3A_436, %mul3A_540 : i32
        %add3A_542 = arith.constant 1 : i32
        %add3A_543 = arith.addi %mul3A_541, %add3A_542 : i32
        %get3A_544 = arith.constant 0 : i32
        %get3A_545 = arith.index_cast %get3A_544 : i32 to index
        %get3A_546 = arith.index_cast %add3A_543 : i32 to index
        %get3A_547 = arith.constant 16 : index
        %get3A_548 = tpu.vector_load %arg6[%get3A_545, %get3A_546, %get3A_547] {strides = array<i32>} : memref<2x200x128xf32, #tpu.memory_space<vmem>>, vector<1x1x16xf32>,
        %get3A_549 = vector.shape_cast %get3A_548 : vector<1x1x16xf32> to vector<16xf32>
        %mul3A_550 = arith.constant 8 : i32
        %mul3A_551 = arith.muli %scan3A_436, %mul3A_550 : i32
        %add3A_552 = arith.constant 1 : i32
        %add3A_553 = arith.addi %mul3A_551, %add3A_552 : i32
        %swap3A_554 = arith.constant 0 : i32
        %swap3A_555 = arith.index_cast %swap3A_554 : i32 to index
        %swap3A_556 = arith.index_cast %add3A_553 : i32 to index
        %swap3A_557 = arith.constant 16 : index
        %swap3A_558 = tpu.vector_load %arg7[%swap3A_555, %swap3A_556, %swap3A_557] {strides = array<i32>} : memref<2x200x64xf32, #tpu.memory_space<vmem>>, vector<1x1x16xf32>,
        %swap3A_559 = vector.shape_cast %swap3A_558 : vector<1x1x16xf32> to vector<16xf32>
        %swap3A_560 = vector.shape_cast %get3A_549 : vector<16xf32> to vector<1x1x16xf32>
        tpu.vector_store %arg7[%swap3A_555, %swap3A_556, %swap3A_557], %swap3A_560 {strides = array<i32>} : memref<2x200x64xf32, #tpu.memory_space<vmem>>, vector<1x1x16xf32>,
        %mul3A_561 = arith.constant 8 : i32
        %mul3A_562 = arith.muli %scan3A_436, %mul3A_561 : i32
        %add3A_563 = arith.constant 1 : i32
        %add3A_564 = arith.addi %mul3A_562, %add3A_563 : i32
        %get3A_565 = arith.constant 0 : i32
        %get3A_566 = arith.index_cast %get3A_565 : i32 to index
        %get3A_567 = arith.index_cast %add3A_564 : i32 to index
        %get3A_568 = arith.constant 32 : index
        %get3A_569 = tpu.vector_load %arg6[%get3A_566, %get3A_567, %get3A_568] {strides = array<i32>} : memref<2x200x128xf32, #tpu.memory_space<vmem>>, vector<1x1x16xf32>,
        %get3A_570 = vector.shape_cast %get3A_569 : vector<1x1x16xf32> to vector<16xf32>
        %mul3A_571 = arith.constant 8 : i32
        %mul3A_572 = arith.muli %scan3A_436, %mul3A_571 : i32
        %add3A_573 = arith.constant 1 : i32
        %add3A_574 = arith.addi %mul3A_572, %add3A_573 : i32
        %swap3A_575 = arith.constant 0 : i32
        %swap3A_576 = arith.index_cast %swap3A_575 : i32 to index
        %swap3A_577 = arith.index_cast %add3A_574 : i32 to index
        %swap3A_578 = arith.constant 32 : index
        %swap3A_579 = tpu.vector_load %arg7[%swap3A_576, %swap3A_577, %swap3A_578] {strides = array<i32>} : memref<2x200x64xf32, #tpu.memory_space<vmem>>, vector<1x1x16xf32>,
        %swap3A_580 = vector.shape_cast %swap3A_579 : vector<1x1x16xf32> to vector<16xf32>
        %swap3A_581 = vector.shape_cast %get3A_570 : vector<16xf32> to vector<1x1x16xf32>
        tpu.vector_store %arg7[%swap3A_576, %swap3A_577, %swap3A_578], %swap3A_581 {strides = array<i32>} : memref<2x200x64xf32, #tpu.memory_space<vmem>>, vector<1x1x16xf32>,
        %mul3A_582 = arith.constant 8 : i32
        %mul3A_583 = arith.muli %scan3A_436, %mul3A_582 : i32
        %add3A_584 = arith.constant 1 : i32
        %add3A_585 = arith.addi %mul3A_583, %add3A_584 : i32
        %get3A_586 = arith.constant 0 : i32
        %get3A_587 = arith.index_cast %get3A_586 : i32 to index
        %get3A_588 = arith.index_cast %add3A_585 : i32 to index
        %get3A_589 = arith.constant 48 : index
        %get3A_590 = tpu.vector_load %arg6[%get3A_587, %get3A_588, %get3A_589] {strides = array<i32>} : memref<2x200x128xf32, #tpu.memory_space<vmem>>, vector<1x1x16xf32>,
        %get3A_591 = vector.shape_cast %get3A_590 : vector<1x1x16xf32> to vector<16xf32>
        %mul3A_592 = arith.constant 8 : i32
        %mul3A_593 = arith.muli %scan3A_436, %mul3A_592 : i32
        %add3A_594 = arith.constant 1 : i32
        %add3A_595 = arith.addi %mul3A_593, %add3A_594 : i32
        %swap3A_596 = arith.constant 0 : i32
        %swap3A_597 = arith.index_cast %swap3A_596 : i32 to index
        %swap3A_598 = arith.index_cast %add3A_595 : i32 to index
        %swap3A_599 = arith.constant 48 : index
        %swap3A_600 = tpu.vector_load %arg7[%swap3A_597, %swap3A_598, %swap3A_599] {strides = array<i32>} : memref<2x200x64xf32, #tpu.memory_space<vmem>>, vector<1x1x16xf32>,
        %swap3A_601 = vector.shape_cast %swap3A_600 : vector<1x1x16xf32> to vector<16xf32>
        %swap3A_602 = vector.shape_cast %get3A_591 : vector<16xf32> to vector<1x1x16xf32>
        tpu.vector_store %arg7[%swap3A_597, %swap3A_598, %swap3A_599], %swap3A_602 {strides = array<i32>} : memref<2x200x64xf32, #tpu.memory_space<vmem>>, vector<1x1x16xf32>,
        %mul3A_603 = arith.constant 8 : i32
        %mul3A_604 = arith.muli %scan3A_436, %mul3A_603 : i32
        %add3A_605 = arith.constant 2 : i32
        %add3A_606 = arith.addi %mul3A_604, %add3A_605 : i32
        %get3A_607 = arith.constant 0 : i32
        %get3A_608 = arith.index_cast %get3A_607 : i32 to index
        %get3A_609 = arith.index_cast %add3A_606 : i32 to index
        %get3A_610 = arith.constant 0 : index
        %get3A_611 = tpu.vector_load %arg6[%get3A_608, %get3A_609, %get3A_610] {strides = array<i32>} : memref<2x200x128xf32, #tpu.memory_space<vmem>>, vector<1x1x16xf32>,
        %get3A_612 = vector.shape_cast %get3A_611 : vector<1x1x16xf32> to vector<16xf32>
        %mul3A_613 = arith.constant 8 : i32
        %mul3A_614 = arith.muli %scan3A_436, %mul3A_613 : i32
        %add3A_615 = arith.constant 2 : i32
        %add3A_616 = arith.addi %mul3A_614, %add3A_615 : i32
        %swap3A_617 = arith.constant 0 : i32
        %swap3A_618 = arith.index_cast %swap3A_617 : i32 to index
        %swap3A_619 = arith.index_cast %add3A_616 : i32 to index
        %swap3A_620 = arith.constant 0 : index
        %swap3A_621 = tpu.vector_load %arg7[%swap3A_618, %swap3A_619, %swap3A_620] {strides = array<i32>} : memref<2x200x64xf32, #tpu.memory_space<vmem>>, vector<1x1x16xf32>,
        %swap3A_622 = vector.shape_cast %swap3A_621 : vector<1x1x16xf32> to vector<16xf32>
        %swap3A_623 = vector.shape_cast %get3A_612 : vector<16xf32> to vector<1x1x16xf32>
        tpu.vector_store %arg7[%swap3A_618, %swap3A_619, %swap3A_620], %swap3A_623 {strides = array<i32>} : memref<2x200x64xf32, #tpu.memory_space<vmem>>, vector<1x1x16xf32>,
        %mul3A_624 = arith.constant 8 : i32
        %mul3A_625 = arith.muli %scan3A_436, %mul3A_624 : i32
        %add3A_626 = arith.constant 2 : i32
        %add3A_627 = arith.addi %mul3A_625, %add3A_626 : i32
        %get3A_628 = arith.constant 0 : i32
        %get3A_629 = arith.index_cast %get3A_628 : i32 to index
        %get3A_630 = arith.index_cast %add3A_627 : i32 to index
        %get3A_631 = arith.constant 16 : index
        %get3A_632 = tpu.vector_load %arg6[%get3A_629, %get3A_630, %get3A_631] {strides = array<i32>} : memref<2x200x128xf32, #tpu.memory_space<vmem>>, vector<1x1x16xf32>,
        %get3A_633 = vector.shape_cast %get3A_632 : vector<1x1x16xf32> to vector<16xf32>
        %mul3A_634 = arith.constant 8 : i32
        %mul3A_635 = arith.muli %scan3A_436, %mul3A_634 : i32
        %add3A_636 = arith.constant 2 : i32
        %add3A_637 = arith.addi %mul3A_635, %add3A_636 : i32
        %swap3A_638 = arith.constant 0 : i32
        %swap3A_639 = arith.index_cast %swap3A_638 : i32 to index
        %swap3A_640 = arith.index_cast %add3A_637 : i32 to index
        %swap3A_641 = arith.constant 16 : index
        %swap3A_642 = tpu.vector_load %arg7[%swap3A_639, %swap3A_640, %swap3A_641] {strides = array<i32>} : memref<2x200x64xf32, #tpu.memory_space<vmem>>, vector<1x1x16xf32>,
        %swap3A_643 = vector.shape_cast %swap3A_642 : vector<1x1x16xf32> to vector<16xf32>
        %swap3A_644 = vector.shape_cast %get3A_633 : vector<16xf32> to vector<1x1x16xf32>
        tpu.vector_store %arg7[%swap3A_639, %swap3A_640, %swap3A_641], %swap3A_644 {strides = array<i32>} : memref<2x200x64xf32, #tpu.memory_space<vmem>>, vector<1x1x16xf32>,
        %mul3A_645 = arith.constant 8 : i32
        %mul3A_646 = arith.muli %scan3A_436, %mul3A_645 : i32
        %add3A_647 = arith.constant 2 : i32
        %add3A_648 = arith.addi %mul3A_646, %add3A_647 : i32
        %get3A_649 = arith.constant 0 : i32
        %get3A_650 = arith.index_cast %get3A_649 : i32 to index
        %get3A_651 = arith.index_cast %add3A_648 : i32 to index
        %get3A_652 = arith.constant 32 : index
        %get3A_653 = tpu.vector_load %arg6[%get3A_650, %get3A_651, %get3A_652] {strides = array<i32>} : memref<2x200x128xf32, #tpu.memory_space<vmem>>, vector<1x1x16xf32>,
        %get3A_654 = vector.shape_cast %get3A_653 : vector<1x1x16xf32> to vector<16xf32>
        %mul3A_655 = arith.constant 8 : i32
        %mul3A_656 = arith.muli %scan3A_436, %mul3A_655 : i32
        %add3A_657 = arith.constant 2 : i32
        %add3A_658 = arith.addi %mul3A_656, %add3A_657 : i32
        %swap3A_659 = arith.constant 0 : i32
        %swap3A_660 = arith.index_cast %swap3A_659 : i32 to index
        %swap3A_661 = arith.index_cast %add3A_658 : i32 to index
        %swap3A_662 = arith.constant 32 : index
        %swap3A_663 = tpu.vector_load %arg7[%swap3A_660, %swap3A_661, %swap3A_662] {strides = array<i32>} : memref<2x200x64xf32, #tpu.memory_space<vmem>>, vector<1x1x16xf32>,
        %swap3A_664 = vector.shape_cast %swap3A_663 : vector<1x1x16xf32> to vector<16xf32>
        %swap3A_665 = vector.shape_cast %get3A_654 : vector<16xf32> to vector<1x1x16xf32>
        tpu.vector_store %arg7[%swap3A_660, %swap3A_661, %swap3A_662], %swap3A_665 {strides = array<i32>} : memref<2x200x64xf32, #tpu.memory_space<vmem>>, vector<1x1x16xf32>,
        %mul3A_666 = arith.constant 8 : i32
        %mul3A_667 = arith.muli %scan3A_436, %mul3A_666 : i32
        %add3A_668 = arith.constant 2 : i32
        %add3A_669 = arith.addi %mul3A_667, %add3A_668 : i32
        %get3A_670 = arith.constant 0 : i32
        %get3A_671 = arith.index_cast %get3A_670 : i32 to index
        %get3A_672 = arith.index_cast %add3A_669 : i32 to index
        %get3A_673 = arith.constant 48 : index
        %get3A_674 = tpu.vector_load %arg6[%get3A_671, %get3A_672, %get3A_673] {strides = array<i32>} : memref<2x200x128xf32, #tpu.memory_space<vmem>>, vector<1x1x16xf32>,
        %get3A_675 = vector.shape_cast %get3A_674 : vector<1x1x16xf32> to vector<16xf32>
        %mul3A_676 = arith.constant 8 : i32
        %mul3A_677 = arith.muli %scan3A_436, %mul3A_676 : i32
        %add3A_678 = arith.constant 2 : i32
        %add3A_679 = arith.addi %mul3A_677, %add3A_678 : i32
        %swap3A_680 = arith.constant 0 : i32
        %swap3A_681 = arith.index_cast %swap3A_680 : i32 to index
        %swap3A_682 = arith.index_cast %add3A_679 : i32 to index
        %swap3A_683 = arith.constant 48 : index
        %swap3A_684 = tpu.vector_load %arg7[%swap3A_681, %swap3A_682, %swap3A_683] {strides = array<i32>} : memref<2x200x64xf32, #tpu.memory_space<vmem>>, vector<1x1x16xf32>,
        %swap3A_685 = vector.shape_cast %swap3A_684 : vector<1x1x16xf32> to vector<16xf32>
        %swap3A_686 = vector.shape_cast %get3A_675 : vector<16xf32> to vector<1x1x16xf32>
        tpu.vector_store %arg7[%swap3A_681, %swap3A_682, %swap3A_683], %swap3A_686 {strides = array<i32>} : memref<2x200x64xf32, #tpu.memory_space<vmem>>, vector<1x1x16xf32>,
        %mul3A_687 = arith.constant 8 : i32
        %mul3A_688 = arith.muli %scan3A_436, %mul3A_687 : i32
        %add3A_689 = arith.constant 3 : i32
        %add3A_690 = arith.addi %mul3A_688, %add3A_689 : i32
        %get3A_691 = arith.constant 0 : i32
        %get3A_692 = arith.index_cast %get3A_691 : i32 to index
        %get3A_693 = arith.index_cast %add3A_690 : i32 to index
        %get3A_694 = arith.constant 0 : index
        %get3A_695 = tpu.vector_load %arg6[%get3A_692, %get3A_693, %get3A_694] {strides = array<i32>} : memref<2x200x128xf32, #tpu.memory_space<vmem>>, vector<1x1x16xf32>,
        %get3A_696 = vector.shape_cast %get3A_695 : vector<1x1x16xf32> to vector<16xf32>
        %mul3A_697 = arith.constant 8 : i32
        %mul3A_698 = arith.muli %scan3A_436, %mul3A_697 : i32
        %add3A_699 = arith.constant 3 : i32
        %add3A_700 = arith.addi %mul3A_698, %add3A_699 : i32
        %swap3A_701 = arith.constant 0 : i32
        %swap3A_702 = arith.index_cast %swap3A_701 : i32 to index
        %swap3A_703 = arith.index_cast %add3A_700 : i32 to index
        %swap3A_704 = arith.constant 0 : index
        %swap3A_705 = tpu.vector_load %arg7[%swap3A_702, %swap3A_703, %swap3A_704] {strides = array<i32>} : memref<2x200x64xf32, #tpu.memory_space<vmem>>, vector<1x1x16xf32>,
        %swap3A_706 = vector.shape_cast %swap3A_705 : vector<1x1x16xf32> to vector<16xf32>
        %swap3A_707 = vector.shape_cast %get3A_696 : vector<16xf32> to vector<1x1x16xf32>
        tpu.vector_store %arg7[%swap3A_702, %swap3A_703, %swap3A_704], %swap3A_707 {strides = array<i32>} : memref<2x200x64xf32, #tpu.memory_space<vmem>>, vector<1x1x16xf32>,
        %mul3A_708 = arith.constant 8 : i32
        %mul3A_709 = arith.muli %scan3A_436, %mul3A_708 : i32
        %add3A_710 = arith.constant 3 : i32
        %add3A_711 = arith.addi %mul3A_709, %add3A_710 : i32
        %get3A_712 = arith.constant 0 : i32
        %get3A_713 = arith.index_cast %get3A_712 : i32 to index
        %get3A_714 = arith.index_cast %add3A_711 : i32 to index
        %get3A_715 = arith.constant 16 : index
        %get3A_716 = tpu.vector_load %arg6[%get3A_713, %get3A_714, %get3A_715] {strides = array<i32>} : memref<2x200x128xf32, #tpu.memory_space<vmem>>, vector<1x1x16xf32>,
        %get3A_717 = vector.shape_cast %get3A_716 : vector<1x1x16xf32> to vector<16xf32>
        %mul3A_718 = arith.constant 8 : i32
        %mul3A_719 = arith.muli %scan3A_436, %mul3A_718 : i32
        %add3A_720 = arith.constant 3 : i32
        %add3A_721 = arith.addi %mul3A_719, %add3A_720 : i32
        %swap3A_722 = arith.constant 0 : i32
        %swap3A_723 = arith.index_cast %swap3A_722 : i32 to index
        %swap3A_724 = arith.index_cast %add3A_721 : i32 to index
        %swap3A_725 = arith.constant 16 : index
        %swap3A_726 = tpu.vector_load %arg7[%swap3A_723, %swap3A_724, %swap3A_725] {strides = array<i32>} : memref<2x200x64xf32, #tpu.memory_space<vmem>>, vector<1x1x16xf32>,
        %swap3A_727 = vector.shape_cast %swap3A_726 : vector<1x1x16xf32> to vector<16xf32>
        %swap3A_728 = vector.shape_cast %get3A_717 : vector<16xf32> to vector<1x1x16xf32>
        tpu.vector_store %arg7[%swap3A_723, %swap3A_724, %swap3A_725], %swap3A_728 {strides = array<i32>} : memref<2x200x64xf32, #tpu.memory_space<vmem>>, vector<1x1x16xf32>,
        %mul3A_729 = arith.constant 8 : i32
        %mul3A_730 = arith.muli %scan3A_436, %mul3A_729 : i32
        %add3A_731 = arith.constant 3 : i32
        %add3A_732 = arith.addi %mul3A_730, %add3A_731 : i32
        %get3A_733 = arith.constant 0 : i32
        %get3A_734 = arith.index_cast %get3A_733 : i32 to index
        %get3A_735 = arith.index_cast %add3A_732 : i32 to index
        %get3A_736 = arith.constant 32 : index
        %get3A_737 = tpu.vector_load %arg6[%get3A_734, %get3A_735, %get3A_736] {strides = array<i32>} : memref<2x200x128xf32, #tpu.memory_space<vmem>>, vector<1x1x16xf32>,
        %get3A_738 = vector.shape_cast %get3A_737 : vector<1x1x16xf32> to vector<16xf32>
        %mul3A_739 = arith.constant 8 : i32
        %mul3A_740 = arith.muli %scan3A_436, %mul3A_739 : i32
        %add3A_741 = arith.constant 3 : i32
        %add3A_742 = arith.addi %mul3A_740, %add3A_741 : i32
        %swap3A_743 = arith.constant 0 : i32
        %swap3A_744 = arith.index_cast %swap3A_743 : i32 to index
        %swap3A_745 = arith.index_cast %add3A_742 : i32 to index
        %swap3A_746 = arith.constant 32 : index
        %swap3A_747 = tpu.vector_load %arg7[%swap3A_744, %swap3A_745, %swap3A_746] {strides = array<i32>} : memref<2x200x64xf32, #tpu.memory_space<vmem>>, vector<1x1x16xf32>,
        %swap3A_748 = vector.shape_cast %swap3A_747 : vector<1x1x16xf32> to vector<16xf32>
        %swap3A_749 = vector.shape_cast %get3A_738 : vector<16xf32> to vector<1x1x16xf32>
        tpu.vector_store %arg7[%swap3A_744, %swap3A_745, %swap3A_746], %swap3A_749 {strides = array<i32>} : memref<2x200x64xf32, #tpu.memory_space<vmem>>, vector<1x1x16xf32>,
        %mul3A_750 = arith.constant 8 : i32
        %mul3A_751 = arith.muli %scan3A_436, %mul3A_750 : i32
        %add3A_752 = arith.constant 3 : i32
        %add3A_753 = arith.addi %mul3A_751, %add3A_752 : i32
        %get3A_754 = arith.constant 0 : i32
        %get3A_755 = arith.index_cast %get3A_754 : i32 to index
        %get3A_756 = arith.index_cast %add3A_753 : i32 to index
        %get3A_757 = arith.constant 48 : index
        %get3A_758 = tpu.vector_load %arg6[%get3A_755, %get3A_756, %get3A_757] {strides = array<i32>} : memref<2x200x128xf32, #tpu.memory_space<vmem>>, vector<1x1x16xf32>,
        %get3A_759 = vector.shape_cast %get3A_758 : vector<1x1x16xf32> to vector<16xf32>
        %mul3A_760 = arith.constant 8 : i32
        %mul3A_761 = arith.muli %scan3A_436, %mul3A_760 : i32
        %add3A_762 = arith.constant 3 : i32
        %add3A_763 = arith.addi %mul3A_761, %add3A_762 : i32
        %swap3A_764 = arith.constant 0 : i32
        %swap3A_765 = arith.index_cast %swap3A_764 : i32 to index
        %swap3A_766 = arith.index_cast %add3A_763 : i32 to index
        %swap3A_767 = arith.constant 48 : index
        %swap3A_768 = tpu.vector_load %arg7[%swap3A_765, %swap3A_766, %swap3A_767] {strides = array<i32>} : memref<2x200x64xf32, #tpu.memory_space<vmem>>, vector<1x1x16xf32>,
        %swap3A_769 = vector.shape_cast %swap3A_768 : vector<1x1x16xf32> to vector<16xf32>
        %swap3A_770 = vector.shape_cast %get3A_759 : vector<16xf32> to vector<1x1x16xf32>
        tpu.vector_store %arg7[%swap3A_765, %swap3A_766, %swap3A_767], %swap3A_770 {strides = array<i32>} : memref<2x200x64xf32, #tpu.memory_space<vmem>>, vector<1x1x16xf32>,
        %mul3A_771 = arith.constant 8 : i32
        %mul3A_772 = arith.muli %scan3A_436, %mul3A_771 : i32
        %add3A_773 = arith.constant 4 : i32
        %add3A_774 = arith.addi %mul3A_772, %add3A_773 : i32
        %get3A_775 = arith.constant 0 : i32
        %get3A_776 = arith.index_cast %get3A_775 : i32 to index
        %get3A_777 = arith.index_cast %add3A_774 : i32 to index
        %get3A_778 = arith.constant 0 : index
        %get3A_779 = tpu.vector_load %arg6[%get3A_776, %get3A_777, %get3A_778] {strides = array<i32>} : memref<2x200x128xf32, #tpu.memory_space<vmem>>, vector<1x1x16xf32>,
        %get3A_780 = vector.shape_cast %get3A_779 : vector<1x1x16xf32> to vector<16xf32>
        %mul3A_781 = arith.constant 8 : i32
        %mul3A_782 = arith.muli %scan3A_436, %mul3A_781 : i32
        %add3A_783 = arith.constant 4 : i32
        %add3A_784 = arith.addi %mul3A_782, %add3A_783 : i32
        %swap3A_785 = arith.constant 0 : i32
        %swap3A_786 = arith.index_cast %swap3A_785 : i32 to index
        %swap3A_787 = arith.index_cast %add3A_784 : i32 to index
        %swap3A_788 = arith.constant 0 : index
        %swap3A_789 = tpu.vector_load %arg7[%swap3A_786, %swap3A_787, %swap3A_788] {strides = array<i32>} : memref<2x200x64xf32, #tpu.memory_space<vmem>>, vector<1x1x16xf32>,
        %swap3A_790 = vector.shape_cast %swap3A_789 : vector<1x1x16xf32> to vector<16xf32>
        %swap3A_791 = vector.shape_cast %get3A_780 : vector<16xf32> to vector<1x1x16xf32>
        tpu.vector_store %arg7[%swap3A_786, %swap3A_787, %swap3A_788], %swap3A_791 {strides = array<i32>} : memref<2x200x64xf32, #tpu.memory_space<vmem>>, vector<1x1x16xf32>,
        %mul3A_792 = arith.constant 8 : i32
        %mul3A_793 = arith.muli %scan3A_436, %mul3A_792 : i32
        %add3A_794 = arith.constant 4 : i32
        %add3A_795 = arith.addi %mul3A_793, %add3A_794 : i32
        %get3A_796 = arith.constant 0 : i32
        %get3A_797 = arith.index_cast %get3A_796 : i32 to index
        %get3A_798 = arith.index_cast %add3A_795 : i32 to index
        %get3A_799 = arith.constant 16 : index
        %get3A_800 = tpu.vector_load %arg6[%get3A_797, %get3A_798, %get3A_799] {strides = array<i32>} : memref<2x200x128xf32, #tpu.memory_space<vmem>>, vector<1x1x16xf32>,
        %get3A_801 = vector.shape_cast %get3A_800 : vector<1x1x16xf32> to vector<16xf32>
        %mul3A_802 = arith.constant 8 : i32
        %mul3A_803 = arith.muli %scan3A_436, %mul3A_802 : i32
        %add3A_804 = arith.constant 4 : i32
        %add3A_805 = arith.addi %mul3A_803, %add3A_804 : i32
        %swap3A_806 = arith.constant 0 : i32
        %swap3A_807 = arith.index_cast %swap3A_806 : i32 to index
        %swap3A_808 = arith.index_cast %add3A_805 : i32 to index
        %swap3A_809 = arith.constant 16 : index
        %swap3A_810 = tpu.vector_load %arg7[%swap3A_807, %swap3A_808, %swap3A_809] {strides = array<i32>} : memref<2x200x64xf32, #tpu.memory_space<vmem>>, vector<1x1x16xf32>,
        %swap3A_811 = vector.shape_cast %swap3A_810 : vector<1x1x16xf32> to vector<16xf32>
        %swap3A_812 = vector.shape_cast %get3A_801 : vector<16xf32> to vector<1x1x16xf32>
        tpu.vector_store %arg7[%swap3A_807, %swap3A_808, %swap3A_809], %swap3A_812 {strides = array<i32>} : memref<2x200x64xf32, #tpu.memory_space<vmem>>, vector<1x1x16xf32>,
        %mul3A_813 = arith.constant 8 : i32
        %mul3A_814 = arith.muli %scan3A_436, %mul3A_813 : i32
        %add3A_815 = arith.constant 4 : i32
        %add3A_816 = arith.addi %mul3A_814, %add3A_815 : i32
        %get3A_817 = arith.constant 0 : i32
        %get3A_818 = arith.index_cast %get3A_817 : i32 to index
        %get3A_819 = arith.index_cast %add3A_816 : i32 to index
        %get3A_820 = arith.constant 32 : index
        %get3A_821 = tpu.vector_load %arg6[%get3A_818, %get3A_819, %get3A_820] {strides = array<i32>} : memref<2x200x128xf32, #tpu.memory_space<vmem>>, vector<1x1x16xf32>,
        %get3A_822 = vector.shape_cast %get3A_821 : vector<1x1x16xf32> to vector<16xf32>
        %mul3A_823 = arith.constant 8 : i32
        %mul3A_824 = arith.muli %scan3A_436, %mul3A_823 : i32
        %add3A_825 = arith.constant 4 : i32
        %add3A_826 = arith.addi %mul3A_824, %add3A_825 : i32
        %swap3A_827 = arith.constant 0 : i32
        %swap3A_828 = arith.index_cast %swap3A_827 : i32 to index
        %swap3A_829 = arith.index_cast %add3A_826 : i32 to index
        %swap3A_830 = arith.constant 32 : index
        %swap3A_831 = tpu.vector_load %arg7[%swap3A_828, %swap3A_829, %swap3A_830] {strides = array<i32>} : memref<2x200x64xf32, #tpu.memory_space<vmem>>, vector<1x1x16xf32>,
        %swap3A_832 = vector.shape_cast %swap3A_831 : vector<1x1x16xf32> to vector<16xf32>
        %swap3A_833 = vector.shape_cast %get3A_822 : vector<16xf32> to vector<1x1x16xf32>
        tpu.vector_store %arg7[%swap3A_828, %swap3A_829, %swap3A_830], %swap3A_833 {strides = array<i32>} : memref<2x200x64xf32, #tpu.memory_space<vmem>>, vector<1x1x16xf32>,
        %mul3A_834 = arith.constant 8 : i32
        %mul3A_835 = arith.muli %scan3A_436, %mul3A_834 : i32
        %add3A_836 = arith.constant 4 : i32
        %add3A_837 = arith.addi %mul3A_835, %add3A_836 : i32
        %get3A_838 = arith.constant 0 : i32
        %get3A_839 = arith.index_cast %get3A_838 : i32 to index
        %get3A_840 = arith.index_cast %add3A_837 : i32 to index
        %get3A_841 = arith.constant 48 : index
        %get3A_842 = tpu.vector_load %arg6[%get3A_839, %get3A_840, %get3A_841] {strides = array<i32>} : memref<2x200x128xf32, #tpu.memory_space<vmem>>, vector<1x1x16xf32>,
        %get3A_843 = vector.shape_cast %get3A_842 : vector<1x1x16xf32> to vector<16xf32>
        %mul3A_844 = arith.constant 8 : i32
        %mul3A_845 = arith.muli %scan3A_436, %mul3A_844 : i32
        %add3A_846 = arith.constant 4 : i32
        %add3A_847 = arith.addi %mul3A_845, %add3A_846 : i32
        %swap3A_848 = arith.constant 0 : i32
        %swap3A_849 = arith.index_cast %swap3A_848 : i32 to index
        %swap3A_850 = arith.index_cast %add3A_847 : i32 to index
        %swap3A_851 = arith.constant 48 : index
        %swap3A_852 = tpu.vector_load %arg7[%swap3A_849, %swap3A_850, %swap3A_851] {strides = array<i32>} : memref<2x200x64xf32, #tpu.memory_space<vmem>>, vector<1x1x16xf32>,
        %swap3A_853 = vector.shape_cast %swap3A_852 : vector<1x1x16xf32> to vector<16xf32>
        %swap3A_854 = vector.shape_cast %get3A_843 : vector<16xf32> to vector<1x1x16xf32>
        tpu.vector_store %arg7[%swap3A_849, %swap3A_850, %swap3A_851], %swap3A_854 {strides = array<i32>} : memref<2x200x64xf32, #tpu.memory_space<vmem>>, vector<1x1x16xf32>,
        %mul3A_855 = arith.constant 8 : i32
        %mul3A_856 = arith.muli %scan3A_436, %mul3A_855 : i32
        %add3A_857 = arith.constant 5 : i32
        %add3A_858 = arith.addi %mul3A_856, %add3A_857 : i32
        %get3A_859 = arith.constant 0 : i32
        %get3A_860 = arith.index_cast %get3A_859 : i32 to index
        %get3A_861 = arith.index_cast %add3A_858 : i32 to index
        %get3A_862 = arith.constant 0 : index
        %get3A_863 = tpu.vector_load %arg6[%get3A_860, %get3A_861, %get3A_862] {strides = array<i32>} : memref<2x200x128xf32, #tpu.memory_space<vmem>>, vector<1x1x16xf32>,
        %get3A_864 = vector.shape_cast %get3A_863 : vector<1x1x16xf32> to vector<16xf32>
        %mul3A_865 = arith.constant 8 : i32
        %mul3A_866 = arith.muli %scan3A_436, %mul3A_865 : i32
        %add3A_867 = arith.constant 5 : i32
        %add3A_868 = arith.addi %mul3A_866, %add3A_867 : i32
        %swap3A_869 = arith.constant 0 : i32
        %swap3A_870 = arith.index_cast %swap3A_869 : i32 to index
        %swap3A_871 = arith.index_cast %add3A_868 : i32 to index
        %swap3A_872 = arith.constant 0 : index
        %swap3A_873 = tpu.vector_load %arg7[%swap3A_870, %swap3A_871, %swap3A_872] {strides = array<i32>} : memref<2x200x64xf32, #tpu.memory_space<vmem>>, vector<1x1x16xf32>,
        %swap3A_874 = vector.shape_cast %swap3A_873 : vector<1x1x16xf32> to vector<16xf32>
        %swap3A_875 = vector.shape_cast %get3A_864 : vector<16xf32> to vector<1x1x16xf32>
        tpu.vector_store %arg7[%swap3A_870, %swap3A_871, %swap3A_872], %swap3A_875 {strides = array<i32>} : memref<2x200x64xf32, #tpu.memory_space<vmem>>, vector<1x1x16xf32>,
        %mul3A_876 = arith.constant 8 : i32
        %mul3A_877 = arith.muli %scan3A_436, %mul3A_876 : i32
        %add3A_878 = arith.constant 5 : i32
        %add3A_879 = arith.addi %mul3A_877, %add3A_878 : i32
        %get3A_880 = arith.constant 0 : i32
        %get3A_881 = arith.index_cast %get3A_880 : i32 to index
        %get3A_882 = arith.index_cast %add3A_879 : i32 to index
        %get3A_883 = arith.constant 16 : index
        %get3A_884 = tpu.vector_load %arg6[%get3A_881, %get3A_882, %get3A_883] {strides = array<i32>} : memref<2x200x128xf32, #tpu.memory_space<vmem>>, vector<1x1x16xf32>,
        %get3A_885 = vector.shape_cast %get3A_884 : vector<1x1x16xf32> to vector<16xf32>
        %mul3A_886 = arith.constant 8 : i32
        %mul3A_887 = arith.muli %scan3A_436, %mul3A_886 : i32
        %add3A_888 = arith.constant 5 : i32
        %add3A_889 = arith.addi %mul3A_887, %add3A_888 : i32
        %swap3A_890 = arith.constant 0 : i32
        %swap3A_891 = arith.index_cast %swap3A_890 : i32 to index
        %swap3A_892 = arith.index_cast %add3A_889 : i32 to index
        %swap3A_893 = arith.constant 16 : index
        %swap3A_894 = tpu.vector_load %arg7[%swap3A_891, %swap3A_892, %swap3A_893] {strides = array<i32>} : memref<2x200x64xf32, #tpu.memory_space<vmem>>, vector<1x1x16xf32>,
        %swap3A_895 = vector.shape_cast %swap3A_894 : vector<1x1x16xf32> to vector<16xf32>
        %swap3A_896 = vector.shape_cast %get3A_885 : vector<16xf32> to vector<1x1x16xf32>
        tpu.vector_store %arg7[%swap3A_891, %swap3A_892, %swap3A_893], %swap3A_896 {strides = array<i32>} : memref<2x200x64xf32, #tpu.memory_space<vmem>>, vector<1x1x16xf32>,
        %mul3A_897 = arith.constant 8 : i32
        %mul3A_898 = arith.muli %scan3A_436, %mul3A_897 : i32
        %add3A_899 = arith.constant 5 : i32
        %add3A_900 = arith.addi %mul3A_898, %add3A_899 : i32
        %get3A_901 = arith.constant 0 : i32
        %get3A_902 = arith.index_cast %get3A_901 : i32 to index
        %get3A_903 = arith.index_cast %add3A_900 : i32 to index
        %get3A_904 = arith.constant 32 : index
        %get3A_905 = tpu.vector_load %arg6[%get3A_902, %get3A_903, %get3A_904] {strides = array<i32>} : memref<2x200x128xf32, #tpu.memory_space<vmem>>, vector<1x1x16xf32>,
        %get3A_906 = vector.shape_cast %get3A_905 : vector<1x1x16xf32> to vector<16xf32>
        %mul3A_907 = arith.constant 8 : i32
        %mul3A_908 = arith.muli %scan3A_436, %mul3A_907 : i32
        %add3A_909 = arith.constant 5 : i32
        %add3A_910 = arith.addi %mul3A_908, %add3A_909 : i32
        %swap3A_911 = arith.constant 0 : i32
        %swap3A_912 = arith.index_cast %swap3A_911 : i32 to index
        %swap3A_913 = arith.index_cast %add3A_910 : i32 to index
        %swap3A_914 = arith.constant 32 : index
        %swap3A_915 = tpu.vector_load %arg7[%swap3A_912, %swap3A_913, %swap3A_914] {strides = array<i32>} : memref<2x200x64xf32, #tpu.memory_space<vmem>>, vector<1x1x16xf32>,
        %swap3A_916 = vector.shape_cast %swap3A_915 : vector<1x1x16xf32> to vector<16xf32>
        %swap3A_917 = vector.shape_cast %get3A_906 : vector<16xf32> to vector<1x1x16xf32>
        tpu.vector_store %arg7[%swap3A_912, %swap3A_913, %swap3A_914], %swap3A_917 {strides = array<i32>} : memref<2x200x64xf32, #tpu.memory_space<vmem>>, vector<1x1x16xf32>,
        %mul3A_918 = arith.constant 8 : i32
        %mul3A_919 = arith.muli %scan3A_436, %mul3A_918 : i32
        %add3A_920 = arith.constant 5 : i32
        %add3A_921 = arith.addi %mul3A_919, %add3A_920 : i32
        %get3A_922 = arith.constant 0 : i32
        %get3A_923 = arith.index_cast %get3A_922 : i32 to index
        %get3A_924 = arith.index_cast %add3A_921 : i32 to index
        %get3A_925 = arith.constant 48 : index
        %get3A_926 = tpu.vector_load %arg6[%get3A_923, %get3A_924, %get3A_925] {strides = array<i32>} : memref<2x200x128xf32, #tpu.memory_space<vmem>>, vector<1x1x16xf32>,
        %get3A_927 = vector.shape_cast %get3A_926 : vector<1x1x16xf32> to vector<16xf32>
        %mul3A_928 = arith.constant 8 : i32
        %mul3A_929 = arith.muli %scan3A_436, %mul3A_928 : i32
        %add3A_930 = arith.constant 5 : i32
        %add3A_931 = arith.addi %mul3A_929, %add3A_930 : i32
        %swap3A_932 = arith.constant 0 : i32
        %swap3A_933 = arith.index_cast %swap3A_932 : i32 to index
        %swap3A_934 = arith.index_cast %add3A_931 : i32 to index
        %swap3A_935 = arith.constant 48 : index
        %swap3A_936 = tpu.vector_load %arg7[%swap3A_933, %swap3A_934, %swap3A_935] {strides = array<i32>} : memref<2x200x64xf32, #tpu.memory_space<vmem>>, vector<1x1x16xf32>,
        %swap3A_937 = vector.shape_cast %swap3A_936 : vector<1x1x16xf32> to vector<16xf32>
        %swap3A_938 = vector.shape_cast %get3A_927 : vector<16xf32> to vector<1x1x16xf32>
        tpu.vector_store %arg7[%swap3A_933, %swap3A_934, %swap3A_935], %swap3A_938 {strides = array<i32>} : memref<2x200x64xf32, #tpu.memory_space<vmem>>, vector<1x1x16xf32>,
        %mul3A_939 = arith.constant 8 : i32
        %mul3A_940 = arith.muli %scan3A_436, %mul3A_939 : i32
        %add3A_941 = arith.constant 6 : i32
        %add3A_942 = arith.addi %mul3A_940, %add3A_941 : i32
        %get3A_943 = arith.constant 0 : i32
        %get3A_944 = arith.index_cast %get3A_943 : i32 to index
        %get3A_945 = arith.index_cast %add3A_942 : i32 to index
        %get3A_946 = arith.constant 0 : index
        %get3A_947 = tpu.vector_load %arg6[%get3A_944, %get3A_945, %get3A_946] {strides = array<i32>} : memref<2x200x128xf32, #tpu.memory_space<vmem>>, vector<1x1x16xf32>,
        %get3A_948 = vector.shape_cast %get3A_947 : vector<1x1x16xf32> to vector<16xf32>
        %mul3A_949 = arith.constant 8 : i32
        %mul3A_950 = arith.muli %scan3A_436, %mul3A_949 : i32
        %add3A_951 = arith.constant 6 : i32
        %add3A_952 = arith.addi %mul3A_950, %add3A_951 : i32
        %swap3A_953 = arith.constant 0 : i32
        %swap3A_954 = arith.index_cast %swap3A_953 : i32 to index
        %swap3A_955 = arith.index_cast %add3A_952 : i32 to index
        %swap3A_956 = arith.constant 0 : index
        %swap3A_957 = tpu.vector_load %arg7[%swap3A_954, %swap3A_955, %swap3A_956] {strides = array<i32>} : memref<2x200x64xf32, #tpu.memory_space<vmem>>, vector<1x1x16xf32>,
        %swap3A_958 = vector.shape_cast %swap3A_957 : vector<1x1x16xf32> to vector<16xf32>
        %swap3A_959 = vector.shape_cast %get3A_948 : vector<16xf32> to vector<1x1x16xf32>
        tpu.vector_store %arg7[%swap3A_954, %swap3A_955, %swap3A_956], %swap3A_959 {strides = array<i32>} : memref<2x200x64xf32, #tpu.memory_space<vmem>>, vector<1x1x16xf32>,
        %mul3A_960 = arith.constant 8 : i32
        %mul3A_961 = arith.muli %scan3A_436, %mul3A_960 : i32
        %add3A_962 = arith.constant 6 : i32
        %add3A_963 = arith.addi %mul3A_961, %add3A_962 : i32
        %get3A_964 = arith.constant 0 : i32
        %get3A_965 = arith.index_cast %get3A_964 : i32 to index
        %get3A_966 = arith.index_cast %add3A_963 : i32 to index
        %get3A_967 = arith.constant 16 : index
        %get3A_968 = tpu.vector_load %arg6[%get3A_965, %get3A_966, %get3A_967] {strides = array<i32>} : memref<2x200x128xf32, #tpu.memory_space<vmem>>, vector<1x1x16xf32>,
        %get3A_969 = vector.shape_cast %get3A_968 : vector<1x1x16xf32> to vector<16xf32>
        %mul3A_970 = arith.constant 8 : i32
        %mul3A_971 = arith.muli %scan3A_436, %mul3A_970 : i32
        %add3A_972 = arith.constant 6 : i32
        %add3A_973 = arith.addi %mul3A_971, %add3A_972 : i32
        %swap3A_974 = arith.constant 0 : i32
        %swap3A_975 = arith.index_cast %swap3A_974 : i32 to index
        %swap3A_976 = arith.index_cast %add3A_973 : i32 to index
        %swap3A_977 = arith.constant 16 : index
        %swap3A_978 = tpu.vector_load %arg7[%swap3A_975, %swap3A_976, %swap3A_977] {strides = array<i32>} : memref<2x200x64xf32, #tpu.memory_space<vmem>>, vector<1x1x16xf32>,
        %swap3A_979 = vector.shape_cast %swap3A_978 : vector<1x1x16xf32> to vector<16xf32>
        %swap3A_980 = vector.shape_cast %get3A_969 : vector<16xf32> to vector<1x1x16xf32>
        tpu.vector_store %arg7[%swap3A_975, %swap3A_976, %swap3A_977], %swap3A_980 {strides = array<i32>} : memref<2x200x64xf32, #tpu.memory_space<vmem>>, vector<1x1x16xf32>,
        %mul3A_981 = arith.constant 8 : i32
        %mul3A_982 = arith.muli %scan3A_436, %mul3A_981 : i32
        %add3A_983 = arith.constant 6 : i32
        %add3A_984 = arith.addi %mul3A_982, %add3A_983 : i32
        %get3A_985 = arith.constant 0 : i32
        %get3A_986 = arith.index_cast %get3A_985 : i32 to index
        %get3A_987 = arith.index_cast %add3A_984 : i32 to index
        %get3A_988 = arith.constant 32 : index
        %get3A_989 = tpu.vector_load %arg6[%get3A_986, %get3A_987, %get3A_988] {strides = array<i32>} : memref<2x200x128xf32, #tpu.memory_space<vmem>>, vector<1x1x16xf32>,
        %get3A_990 = vector.shape_cast %get3A_989 : vector<1x1x16xf32> to vector<16xf32>
        %mul3A_991 = arith.constant 8 : i32
        %mul3A_992 = arith.muli %scan3A_436, %mul3A_991 : i32
        %add3A_993 = arith.constant 6 : i32
        %add3A_994 = arith.addi %mul3A_992, %add3A_993 : i32
        %swap3A_995 = arith.constant 0 : i32
        %swap3A_996 = arith.index_cast %swap3A_995 : i32 to index
        %swap3A_997 = arith.index_cast %add3A_994 : i32 to index
        %swap3A_998 = arith.constant 32 : index
        %swap3A_999 = tpu.vector_load %arg7[%swap3A_996, %swap3A_997, %swap3A_998] {strides = array<i32>} : memref<2x200x64xf32, #tpu.memory_space<vmem>>, vector<1x1x16xf32>,
        %swap3A_1000 = vector.shape_cast %swap3A_999 : vector<1x1x16xf32> to vector<16xf32>
        %swap3A_1001 = vector.shape_cast %get3A_990 : vector<16xf32> to vector<1x1x16xf32>
        tpu.vector_store %arg7[%swap3A_996, %swap3A_997, %swap3A_998], %swap3A_1001 {strides = array<i32>} : memref<2x200x64xf32, #tpu.memory_space<vmem>>, vector<1x1x16xf32>,
        %mul3A_1002 = arith.constant 8 : i32
        %mul3A_1003 = arith.muli %scan3A_436, %mul3A_1002 : i32
        %add3A_1004 = arith.constant 6 : i32
        %add3A_1005 = arith.addi %mul3A_1003, %add3A_1004 : i32
        %get3A_1006 = arith.constant 0 : i32
        %get3A_1007 = arith.index_cast %get3A_1006 : i32 to index
        %get3A_1008 = arith.index_cast %add3A_1005 : i32 to index
        %get3A_1009 = arith.constant 48 : index
        %get3A_1010 = tpu.vector_load %arg6[%get3A_1007, %get3A_1008, %get3A_1009] {strides = array<i32>} : memref<2x200x128xf32, #tpu.memory_space<vmem>>, vector<1x1x16xf32>,
        %get3A_1011 = vector.shape_cast %get3A_1010 : vector<1x1x16xf32> to vector<16xf32>
        %mul3A_1012 = arith.constant 8 : i32
        %mul3A_1013 = arith.muli %scan3A_436, %mul3A_1012 : i32
        %add3A_1014 = arith.constant 6 : i32
        %add3A_1015 = arith.addi %mul3A_1013, %add3A_1014 : i32
        %swap3A_1016 = arith.constant 0 : i32
        %swap3A_1017 = arith.index_cast %swap3A_1016 : i32 to index
        %swap3A_1018 = arith.index_cast %add3A_1015 : i32 to index
        %swap3A_1019 = arith.constant 48 : index
        %swap3A_1020 = tpu.vector_load %arg7[%swap3A_1017, %swap3A_1018, %swap3A_1019] {strides = array<i32>} : memref<2x200x64xf32, #tpu.memory_space<vmem>>, vector<1x1x16xf32>,
        %swap3A_1021 = vector.shape_cast %swap3A_1020 : vector<1x1x16xf32> to vector<16xf32>
        %swap3A_1022 = vector.shape_cast %get3A_1011 : vector<16xf32> to vector<1x1x16xf32>
        tpu.vector_store %arg7[%swap3A_1017, %swap3A_1018, %swap3A_1019], %swap3A_1022 {strides = array<i32>} : memref<2x200x64xf32, #tpu.memory_space<vmem>>, vector<1x1x16xf32>,
        %mul3A_1023 = arith.constant 8 : i32
        %mul3A_1024 = arith.muli %scan3A_436, %mul3A_1023 : i32
        %add3A_1025 = arith.constant 7 : i32
        %add3A_1026 = arith.addi %mul3A_1024, %add3A_1025 : i32
        %get3A_1027 = arith.constant 0 : i32
        %get3A_1028 = arith.index_cast %get3A_1027 : i32 to index
        %get3A_1029 = arith.index_cast %add3A_1026 : i32 to index
        %get3A_1030 = arith.constant 0 : index
        %get3A_1031 = tpu.vector_load %arg6[%get3A_1028, %get3A_1029, %get3A_1030] {strides = array<i32>} : memref<2x200x128xf32, #tpu.memory_space<vmem>>, vector<1x1x16xf32>,
        %get3A_1032 = vector.shape_cast %get3A_1031 : vector<1x1x16xf32> to vector<16xf32>
        %mul3A_1033 = arith.constant 8 : i32
        %mul3A_1034 = arith.muli %scan3A_436, %mul3A_1033 : i32
        %add3A_1035 = arith.constant 7 : i32
        %add3A_1036 = arith.addi %mul3A_1034, %add3A_1035 : i32
        %swap3A_1037 = arith.constant 0 : i32
        %swap3A_1038 = arith.index_cast %swap3A_1037 : i32 to index
        %swap3A_1039 = arith.index_cast %add3A_1036 : i32 to index
        %swap3A_1040 = arith.constant 0 : index
        %swap3A_1041 = tpu.vector_load %arg7[%swap3A_1038, %swap3A_1039, %swap3A_1040] {strides = array<i32>} : memref<2x200x64xf32, #tpu.memory_space<vmem>>, vector<1x1x16xf32>,
        %swap3A_1042 = vector.shape_cast %swap3A_1041 : vector<1x1x16xf32> to vector<16xf32>
        %swap3A_1043 = vector.shape_cast %get3A_1032 : vector<16xf32> to vector<1x1x16xf32>
        tpu.vector_store %arg7[%swap3A_1038, %swap3A_1039, %swap3A_1040], %swap3A_1043 {strides = array<i32>} : memref<2x200x64xf32, #tpu.memory_space<vmem>>, vector<1x1x16xf32>,
        %mul3A_1044 = arith.constant 8 : i32
        %mul3A_1045 = arith.muli %scan3A_436, %mul3A_1044 : i32
        %add3A_1046 = arith.constant 7 : i32
        %add3A_1047 = arith.addi %mul3A_1045, %add3A_1046 : i32
        %get3A_1048 = arith.constant 0 : i32
        %get3A_1049 = arith.index_cast %get3A_1048 : i32 to index
        %get3A_1050 = arith.index_cast %add3A_1047 : i32 to index
        %get3A_1051 = arith.constant 16 : index
        %get3A_1052 = tpu.vector_load %arg6[%get3A_1049, %get3A_1050, %get3A_1051] {strides = array<i32>} : memref<2x200x128xf32, #tpu.memory_space<vmem>>, vector<1x1x16xf32>,
        %get3A_1053 = vector.shape_cast %get3A_1052 : vector<1x1x16xf32> to vector<16xf32>
        %mul3A_1054 = arith.constant 8 : i32
        %mul3A_1055 = arith.muli %scan3A_436, %mul3A_1054 : i32
        %add3A_1056 = arith.constant 7 : i32
        %add3A_1057 = arith.addi %mul3A_1055, %add3A_1056 : i32
        %swap3A_1058 = arith.constant 0 : i32
        %swap3A_1059 = arith.index_cast %swap3A_1058 : i32 to index
        %swap3A_1060 = arith.index_cast %add3A_1057 : i32 to index
        %swap3A_1061 = arith.constant 16 : index
        %swap3A_1062 = tpu.vector_load %arg7[%swap3A_1059, %swap3A_1060, %swap3A_1061] {strides = array<i32>} : memref<2x200x64xf32, #tpu.memory_space<vmem>>, vector<1x1x16xf32>,
        %swap3A_1063 = vector.shape_cast %swap3A_1062 : vector<1x1x16xf32> to vector<16xf32>
        %swap3A_1064 = vector.shape_cast %get3A_1053 : vector<16xf32> to vector<1x1x16xf32>
        tpu.vector_store %arg7[%swap3A_1059, %swap3A_1060, %swap3A_1061], %swap3A_1064 {strides = array<i32>} : memref<2x200x64xf32, #tpu.memory_space<vmem>>, vector<1x1x16xf32>,
        %mul3A_1065 = arith.constant 8 : i32
        %mul3A_1066 = arith.muli %scan3A_436, %mul3A_1065 : i32
        %add3A_1067 = arith.constant 7 : i32
        %add3A_1068 = arith.addi %mul3A_1066, %add3A_1067 : i32
        %get3A_1069 = arith.constant 0 : i32
        %get3A_1070 = arith.index_cast %get3A_1069 : i32 to index
        %get3A_1071 = arith.index_cast %add3A_1068 : i32 to index
        %get3A_1072 = arith.constant 32 : index
        %get3A_1073 = tpu.vector_load %arg6[%get3A_1070, %get3A_1071, %get3A_1072] {strides = array<i32>} : memref<2x200x128xf32, #tpu.memory_space<vmem>>, vector<1x1x16xf32>,
        %get3A_1074 = vector.shape_cast %get3A_1073 : vector<1x1x16xf32> to vector<16xf32>
        %mul3A_1075 = arith.constant 8 : i32
        %mul3A_1076 = arith.muli %scan3A_436, %mul3A_1075 : i32
        %add3A_1077 = arith.constant 7 : i32
        %add3A_1078 = arith.addi %mul3A_1076, %add3A_1077 : i32
        %swap3A_1079 = arith.constant 0 : i32
        %swap3A_1080 = arith.index_cast %swap3A_1079 : i32 to index
        %swap3A_1081 = arith.index_cast %add3A_1078 : i32 to index
        %swap3A_1082 = arith.constant 32 : index
        %swap3A_1083 = tpu.vector_load %arg7[%swap3A_1080, %swap3A_1081, %swap3A_1082] {strides = array<i32>} : memref<2x200x64xf32, #tpu.memory_space<vmem>>, vector<1x1x16xf32>,
        %swap3A_1084 = vector.shape_cast %swap3A_1083 : vector<1x1x16xf32> to vector<16xf32>
        %swap3A_1085 = vector.shape_cast %get3A_1074 : vector<16xf32> to vector<1x1x16xf32>
        tpu.vector_store %arg7[%swap3A_1080, %swap3A_1081, %swap3A_1082], %swap3A_1085 {strides = array<i32>} : memref<2x200x64xf32, #tpu.memory_space<vmem>>, vector<1x1x16xf32>,
        %mul3A_1086 = arith.constant 8 : i32
        %mul3A_1087 = arith.muli %scan3A_436, %mul3A_1086 : i32
        %add3A_1088 = arith.constant 7 : i32
        %add3A_1089 = arith.addi %mul3A_1087, %add3A_1088 : i32
        %get3A_1090 = arith.constant 0 : i32
        %get3A_1091 = arith.index_cast %get3A_1090 : i32 to index
        %get3A_1092 = arith.index_cast %add3A_1089 : i32 to index
        %get3A_1093 = arith.constant 48 : index
        %get3A_1094 = tpu.vector_load %arg6[%get3A_1091, %get3A_1092, %get3A_1093] {strides = array<i32>} : memref<2x200x128xf32, #tpu.memory_space<vmem>>, vector<1x1x16xf32>,
        %get3A_1095 = vector.shape_cast %get3A_1094 : vector<1x1x16xf32> to vector<16xf32>
        %mul3A_1096 = arith.constant 8 : i32
        %mul3A_1097 = arith.muli %scan3A_436, %mul3A_1096 : i32
        %add3A_1098 = arith.constant 7 : i32
        %add3A_1099 = arith.addi %mul3A_1097, %add3A_1098 : i32
        %swap3A_1100 = arith.constant 0 : i32
        %swap3A_1101 = arith.index_cast %swap3A_1100 : i32 to index
        %swap3A_1102 = arith.index_cast %add3A_1099 : i32 to index
        %swap3A_1103 = arith.constant 48 : index
        %swap3A_1104 = tpu.vector_load %arg7[%swap3A_1101, %swap3A_1102, %swap3A_1103] {strides = array<i32>} : memref<2x200x64xf32, #tpu.memory_space<vmem>>, vector<1x1x16xf32>,
        %swap3A_1105 = vector.shape_cast %swap3A_1104 : vector<1x1x16xf32> to vector<16xf32>
        %swap3A_1106 = vector.shape_cast %get3A_1095 : vector<16xf32> to vector<1x1x16xf32>
        tpu.vector_store %arg7[%swap3A_1101, %swap3A_1102, %swap3A_1103], %swap3A_1106 {strides = array<i32>} : memref<2x200x64xf32, #tpu.memory_space<vmem>>, vector<1x1x16xf32>,
      }
      %scan3A_414 = arith.constant 25 : i32
      %add3A_415 = arith.addi %mul3A_2, %add3A_327 : i32
      %dma_start3A_416 = arith.constant 0 : i32
      %dma_start3A_417 = arith.constant 0 : i32
      %dma_start3A_418 = arith.constant 0 : i32
      %dma_start3A_419 = arith.constant 0 : i32
      %dma_start3A_420 = tpu.memref_slice %arg7[%dma_start3A_416, %dma_start3A_418, %dma_start3A_419] : memref<2x200x64xf32, #tpu.memory_space<vmem>> -> memref<1x200x64xf32, #tpu.memory_space<vmem>>
      %dma_start3A_421 = tpu.memref_squeeze %dma_start3A_420 : memref<1x200x64xf32, #tpu.memory_space<vmem>> -> memref<200x64xf32, #tpu.memory_space<vmem>>
      %dma_start3A_422 = arith.constant 0 : i32
      %dma_start3A_423 = arith.constant 0 : i32
      %dma_start3A_424 = tpu.memref_slice %arg4[%add3A_415, %dma_start3A_422, %dma_start3A_423] : memref<4096x200x64xf32, #tpu.memory_space<hbm>> -> memref<1x200x64xf32, #tpu.memory_space<hbm>>
      %dma_start3A_425 = tpu.memref_squeeze %dma_start3A_424 : memref<1x200x64xf32, #tpu.memory_space<hbm>> -> memref<200x64xf32, #tpu.memory_space<hbm>>
      %dma_start3A_426 = tpu.memref_slice %arg9[%dma_start3A_417] : memref<2x!tpu.dma_semaphore, #tpu.memory_space<semaphore_mem>> -> memref<1x!tpu.dma_semaphore, #tpu.memory_space<semaphore_mem>>
      %dma_start3A_427 = tpu.memref_squeeze %dma_start3A_426 : memref<1x!tpu.dma_semaphore, #tpu.memory_space<semaphore_mem>> -> memref<!tpu.dma_semaphore, #tpu.memory_space<semaphore_mem>>
      %dma_start3A_428 = arith.constant 0 : i32
      %dma_start3A_429 = arith.constant 0 : i32
      %dma_start3A_430 = tpu.memref_slice %arg4[%add3A_415, %dma_start3A_428, %dma_start3A_429] : memref<4096x200x64xf32, #tpu.memory_space<hbm>> -> memref<1x200x64xf32, #tpu.memory_space<hbm>>
      %dma_start3A_431 = tpu.memref_squeeze %dma_start3A_430 : memref<1x200x64xf32, #tpu.memory_space<hbm>> -> memref<200x64xf32, #tpu.memory_space<hbm>>
      %dma_start3A_432 = arith.constant 0 : i32
      %dma_start3A_433 = arith.constant 0 : i32
      %dma_start3A_434 = tpu.memref_slice %arg7[%dma_start3A_416, %dma_start3A_432, %dma_start3A_433] : memref<2x200x64xf32, #tpu.memory_space<vmem>> -> memref<1x200x64xf32, #tpu.memory_space<vmem>>
      %dma_start3A_435 = tpu.memref_squeeze %dma_start3A_434 : memref<1x200x64xf32, #tpu.memory_space<vmem>> -> memref<200x64xf32, #tpu.memory_space<vmem>>
      tpu.enqueue_dma source(%dma_start3A_435 : memref<200x64xf32, #tpu.memory_space<vmem>>) target(%dma_start3A_431 : memref<200x64xf32, #tpu.memory_space<hbm>>) target_semaphore(%dma_start3A_427 : memref<!tpu.dma_semaphore, #tpu.memory_space<semaphore_mem>>)
    }
    %scan3A_113 = arith.constant 63 : i32
    %add3A_114 = arith.constant 126 : i32
    %add3A_115 = arith.addi %mul3A_2, %add3A_114 : i32
    %dma_wait3A_116 = arith.constant 0 : i32
    %dma_wait3A_117 = arith.constant 0 : i32
    %dma_wait3A_118 = arith.constant 0 : i32
    %dma_wait3A_119 = arith.constant 0 : i32
    %dma_wait3A_120 = tpu.memref_slice %arg7[%dma_wait3A_116, %dma_wait3A_118, %dma_wait3A_119] : memref<2x200x64xf32, #tpu.memory_space<vmem>> -> memref<1x200x64xf32, #tpu.memory_space<vmem>>
    %dma_wait3A_121 = tpu.memref_squeeze %dma_wait3A_120 : memref<1x200x64xf32, #tpu.memory_space<vmem>> -> memref<200x64xf32, #tpu.memory_space<vmem>>
    %dma_wait3A_122 = arith.constant 0 : i32
    %dma_wait3A_123 = arith.constant 0 : i32
    %dma_wait3A_124 = tpu.memref_slice %arg4[%add3A_115, %dma_wait3A_122, %dma_wait3A_123] : memref<4096x200x64xf32, #tpu.memory_space<hbm>> -> memref<1x200x64xf32, #tpu.memory_space<hbm>>
    %dma_wait3A_125 = tpu.memref_squeeze %dma_wait3A_124 : memref<1x200x64xf32, #tpu.memory_space<hbm>> -> memref<200x64xf32, #tpu.memory_space<hbm>>
    %dma_wait3A_126 = tpu.memref_slice %arg9[%dma_wait3A_117] : memref<2x!tpu.dma_semaphore, #tpu.memory_space<semaphore_mem>> -> memref<1x!tpu.dma_semaphore, #tpu.memory_space<semaphore_mem>>
    %dma_wait3A_127 = tpu.memref_squeeze %dma_wait3A_126 : memref<1x!tpu.dma_semaphore, #tpu.memory_space<semaphore_mem>> -> memref<!tpu.dma_semaphore, #tpu.memory_space<semaphore_mem>>
    %dma_wait3A_128 = arith.constant 0 : i32
    %dma_wait3A_129 = arith.constant 0 : i32
    %dma_wait3A_130 = tpu.memref_slice %arg4[%add3A_115, %dma_wait3A_128, %dma_wait3A_129] : memref<4096x200x64xf32, #tpu.memory_space<hbm>> -> memref<1x200x64xf32, #tpu.memory_space<hbm>>
    %dma_wait3A_131 = tpu.memref_squeeze %dma_wait3A_130 : memref<1x200x64xf32, #tpu.memory_space<hbm>> -> memref<200x64xf32, #tpu.memory_space<hbm>>
    %dma_wait3A_132 = arith.constant 0 : i32
    %dma_wait3A_133 = arith.constant 0 : i32
    %dma_wait3A_134 = tpu.memref_slice %arg7[%dma_wait3A_116, %dma_wait3A_132, %dma_wait3A_133] : memref<2x200x64xf32, #tpu.memory_space<vmem>> -> memref<1x200x64xf32, #tpu.memory_space<vmem>>
    %dma_wait3A_135 = tpu.memref_squeeze %dma_wait3A_134 : memref<1x200x64xf32, #tpu.memory_space<vmem>> -> memref<200x64xf32, #tpu.memory_space<vmem>>
    tpu.wait_dma2 semaphore(%dma_wait3A_127 : memref<!tpu.dma_semaphore, #tpu.memory_space<semaphore_mem>>) src(%dma_wait3A_135 : memref<200x64xf32, #tpu.memory_space<vmem>>) dst(%dma_wait3A_131 : memref<200x64xf32, #tpu.memory_space<hbm>>)
    %dma_wait3A_136 = arith.constant 1 : i32
    %dma_wait3A_137 = arith.constant 1 : i32
    %dma_wait3A_138 = arith.constant 0 : i32
    %dma_wait3A_139 = arith.constant 0 : i32
    %dma_wait3A_140 = tpu.memref_slice %arg6[%dma_wait3A_136, %dma_wait3A_138, %dma_wait3A_139] : memref<2x200x128xf32, #tpu.memory_space<vmem>> -> memref<1x128x128xf32, #tpu.memory_space<vmem>>
    %dma_wait3A_141 = tpu.memref_squeeze %dma_wait3A_140 : memref<1x128x128xf32, #tpu.memory_space<vmem>> -> memref<128x128xf32, #tpu.memory_space<vmem>>
    %dma_wait3A_142 = arith.constant 25400 : i32
    %dma_wait3A_143 = tpu.memref_slice %arg5[%dma_wait3A_142] : memref<25600xi32, #tpu.memory_space<vmem>> -> memref<128xi32, #tpu.memory_space<vmem>>
    %dma_wait3A_144 = arith.constant 0 : i32
    %dma_wait3A_145 = arith.constant 0 : i32
    %dma_wait3A_146 = tpu.memref_slice %arg3[%dma_wait3A_144, %dma_wait3A_145] : memref<1000000x128xf32, #tpu.memory_space<hbm>> -> memref<1000000x128xf32, #tpu.memory_space<hbm>>
    %dma_wait3A_147 = tpu.memref_slice %arg8[%dma_wait3A_137] : memref<2x!tpu.dma_semaphore, #tpu.memory_space<semaphore_mem>> -> memref<1x!tpu.dma_semaphore, #tpu.memory_space<semaphore_mem>>
    %dma_wait3A_148 = tpu.memref_squeeze %dma_wait3A_147 : memref<1x!tpu.dma_semaphore, #tpu.memory_space<semaphore_mem>> -> memref<!tpu.dma_semaphore, #tpu.memory_space<semaphore_mem>>
    tpu.wait_indirect_dma semaphore(%dma_wait3A_148 : memref<!tpu.dma_semaphore, #tpu.memory_space<semaphore_mem>>) src(%dma_wait3A_146 : memref<1000000x128xf32, #tpu.memory_space<hbm>>) dst(%dma_wait3A_141 : memref<128x128xf32, #tpu.memory_space<vmem>>)
    %dma_wait3A_149 = arith.constant 1 : i32
    %dma_wait3A_150 = arith.constant 1 : i32
    %dma_wait3A_151 = arith.constant 128 : i32
    %dma_wait3A_152 = arith.constant 0 : i32
    %dma_wait3A_153 = tpu.memref_slice %arg6[%dma_wait3A_149, %dma_wait3A_151, %dma_wait3A_152] : memref<2x200x128xf32, #tpu.memory_space<vmem>> -> memref<1x72x128xf32, #tpu.memory_space<vmem>>
    %dma_wait3A_154 = tpu.memref_squeeze %dma_wait3A_153 : memref<1x72x128xf32, #tpu.memory_space<vmem>> -> memref<72x128xf32, #tpu.memory_space<vmem>>
    %dma_wait3A_155 = arith.constant 25528 : i32
    %dma_wait3A_156 = tpu.memref_slice %arg5[%dma_wait3A_155] : memref<25600xi32, #tpu.memory_space<vmem>> -> memref<72xi32, #tpu.memory_space<vmem>>
    %dma_wait3A_157 = arith.constant 0 : i32
    %dma_wait3A_158 = arith.constant 0 : i32
    %dma_wait3A_159 = tpu.memref_slice %arg3[%dma_wait3A_157, %dma_wait3A_158] : memref<1000000x128xf32, #tpu.memory_space<hbm>> -> memref<1000000x128xf32, #tpu.memory_space<hbm>>
    %dma_wait3A_160 = tpu.memref_slice %arg8[%dma_wait3A_150] : memref<2x!tpu.dma_semaphore, #tpu.memory_space<semaphore_mem>> -> memref<1x!tpu.dma_semaphore, #tpu.memory_space<semaphore_mem>>
    %dma_wait3A_161 = tpu.memref_squeeze %dma_wait3A_160 : memref<1x!tpu.dma_semaphore, #tpu.memory_space<semaphore_mem>> -> memref<!tpu.dma_semaphore, #tpu.memory_space<semaphore_mem>>
    tpu.wait_indirect_dma semaphore(%dma_wait3A_161 : memref<!tpu.dma_semaphore, #tpu.memory_space<semaphore_mem>>) src(%dma_wait3A_159 : memref<1000000x128xf32, #tpu.memory_space<hbm>>) dst(%dma_wait3A_154 : memref<72x128xf32, #tpu.memory_space<vmem>>)
    %scan3A_162 = arith.constant 0 : i32
    %scan3A_163 = arith.constant 0 : i32
    %scan3A_164 = arith.constant 25 : i32
    %scan3A_165 = arith.addi %scan3A_163, %scan3A_164 : i32
    %scan3A_166 = arith.constant 1 : i32
    scf.for %scan3A_212 = %scan3A_163 to %scan3A_165 step %scan3A_166  : i32 {
      %mul3A_213 = arith.constant 8 : i32
      %mul3A_214 = arith.muli %scan3A_212, %mul3A_213 : i32
      %add3A_215 = arith.constant 0 : i32
      %add3A_216 = arith.addi %mul3A_214, %add3A_215 : i32
      %get3A = arith.constant 1 : i32
      %get3A_217 = arith.index_cast %get3A : i32 to index
      %get3A_218 = arith.index_cast %add3A_216 : i32 to index
      %get3A_219 = arith.constant 0 : index
      %get3A_220 = tpu.vector_load %arg6[%get3A_217, %get3A_218, %get3A_219] {strides = array<i32>} : memref<2x200x128xf32, #tpu.memory_space<vmem>>, vector<1x1x16xf32>,
      %get3A_221 = vector.shape_cast %get3A_220 : vector<1x1x16xf32> to vector<16xf32>
      %mul3A_222 = arith.constant 8 : i32
      %mul3A_223 = arith.muli %scan3A_212, %mul3A_222 : i32
      %add3A_224 = arith.constant 0 : i32
      %add3A_225 = arith.addi %mul3A_223, %add3A_224 : i32
      %swap3A = arith.constant 1 : i32
      %swap3A_226 = arith.index_cast %swap3A : i32 to index
      %swap3A_227 = arith.index_cast %add3A_225 : i32 to index
      %swap3A_228 = arith.constant 0 : index
      %swap3A_229 = tpu.vector_load %arg7[%swap3A_226, %swap3A_227, %swap3A_228] {strides = array<i32>} : memref<2x200x64xf32, #tpu.memory_space<vmem>>, vector<1x1x16xf32>,
      %swap3A_230 = vector.shape_cast %swap3A_229 : vector<1x1x16xf32> to vector<16xf32>
      %swap3A_231 = vector.shape_cast %get3A_221 : vector<16xf32> to vector<1x1x16xf32>
      tpu.vector_store %arg7[%swap3A_226, %swap3A_227, %swap3A_228], %swap3A_231 {strides = array<i32>} : memref<2x200x64xf32, #tpu.memory_space<vmem>>, vector<1x1x16xf32>,
      %mul3A_232 = arith.constant 8 : i32
      %mul3A_233 = arith.muli %scan3A_212, %mul3A_232 : i32
      %add3A_234 = arith.constant 0 : i32
      %add3A_235 = arith.addi %mul3A_233, %add3A_234 : i32
      %get3A_236 = arith.constant 1 : i32
      %get3A_237 = arith.index_cast %get3A_236 : i32 to index
      %get3A_238 = arith.index_cast %add3A_235 : i32 to index
      %get3A_239 = arith.constant 16 : index
      %get3A_240 = tpu.vector_load %arg6[%get3A_237, %get3A_238, %get3A_239] {strides = array<i32>} : memref<2x200x128xf32, #tpu.memory_space<vmem>>, vector<1x1x16xf32>,
      %get3A_241 = vector.shape_cast %get3A_240 : vector<1x1x16xf32> to vector<16xf32>
      %mul3A_242 = arith.constant 8 : i32
      %mul3A_243 = arith.muli %scan3A_212, %mul3A_242 : i32
      %add3A_244 = arith.constant 0 : i32
      %add3A_245 = arith.addi %mul3A_243, %add3A_244 : i32
      %swap3A_246 = arith.constant 1 : i32
      %swap3A_247 = arith.index_cast %swap3A_246 : i32 to index
      %swap3A_248 = arith.index_cast %add3A_245 : i32 to index
      %swap3A_249 = arith.constant 16 : index
      %swap3A_250 = tpu.vector_load %arg7[%swap3A_247, %swap3A_248, %swap3A_249] {strides = array<i32>} : memref<2x200x64xf32, #tpu.memory_space<vmem>>, vector<1x1x16xf32>,
      %swap3A_251 = vector.shape_cast %swap3A_250 : vector<1x1x16xf32> to vector<16xf32>
      %swap3A_252 = vector.shape_cast %get3A_241 : vector<16xf32> to vector<1x1x16xf32>
      tpu.vector_store %arg7[%swap3A_247, %swap3A_248, %swap3A_249], %swap3A_252 {strides = array<i32>} : memref<2x200x64xf32, #tpu.memory_space<vmem>>, vector<1x1x16xf32>,
      %mul3A_253 = arith.constant 8 : i32
      %mul3A_254 = arith.muli %scan3A_212, %mul3A_253 : i32
      %add3A_255 = arith.constant 0 : i32
      %add3A_256 = arith.addi %mul3A_254, %add3A_255 : i32
      %get3A_257 = arith.constant 1 : i32
      %get3A_258 = arith.index_cast %get3A_257 : i32 to index
      %get3A_259 = arith.index_cast %add3A_256 : i32 to index
      %get3A_260 = arith.constant 32 : index
      %get3A_261 = tpu.vector_load %arg6[%get3A_258, %get3A_259, %get3A_260] {strides = array<i32>} : memref<2x200x128xf32, #tpu.memory_space<vmem>>, vector<1x1x16xf32>,
      %get3A_262 = vector.shape_cast %get3A_261 : vector<1x1x16xf32> to vector<16xf32>
      %mul3A_263 = arith.constant 8 : i32
      %mul3A_264 = arith.muli %scan3A_212, %mul3A_263 : i32
      %add3A_265 = arith.constant 0 : i32
      %add3A_266 = arith.addi %mul3A_264, %add3A_265 : i32
      %swap3A_267 = arith.constant 1 : i32
      %swap3A_268 = arith.index_cast %swap3A_267 : i32 to index
      %swap3A_269 = arith.index_cast %add3A_266 : i32 to index
      %swap3A_270 = arith.constant 32 : index
      %swap3A_271 = tpu.vector_load %arg7[%swap3A_268, %swap3A_269, %swap3A_270] {strides = array<i32>} : memref<2x200x64xf32, #tpu.memory_space<vmem>>, vector<1x1x16xf32>,
      %swap3A_272 = vector.shape_cast %swap3A_271 : vector<1x1x16xf32> to vector<16xf32>
      %swap3A_273 = vector.shape_cast %get3A_262 : vector<16xf32> to vector<1x1x16xf32>
      tpu.vector_store %arg7[%swap3A_268, %swap3A_269, %swap3A_270], %swap3A_273 {strides = array<i32>} : memref<2x200x64xf32, #tpu.memory_space<vmem>>, vector<1x1x16xf32>,
      %mul3A_274 = arith.constant 8 : i32
      %mul3A_275 = arith.muli %scan3A_212, %mul3A_274 : i32
      %add3A_276 = arith.constant 0 : i32
      %add3A_277 = arith.addi %mul3A_275, %add3A_276 : i32
      %get3A_278 = arith.constant 1 : i32
      %get3A_279 = arith.index_cast %get3A_278 : i32 to index
      %get3A_280 = arith.index_cast %add3A_277 : i32 to index
      %get3A_281 = arith.constant 48 : index
      %get3A_282 = tpu.vector_load %arg6[%get3A_279, %get3A_280, %get3A_281] {strides = array<i32>} : memref<2x200x128xf32, #tpu.memory_space<vmem>>, vector<1x1x16xf32>,
      %get3A_283 = vector.shape_cast %get3A_282 : vector<1x1x16xf32> to vector<16xf32>
      %mul3A_284 = arith.constant 8 : i32
      %mul3A_285 = arith.muli %scan3A_212, %mul3A_284 : i32
      %add3A_286 = arith.constant 0 : i32
      %add3A_287 = arith.addi %mul3A_285, %add3A_286 : i32
      %swap3A_288 = arith.constant 1 : i32
      %swap3A_289 = arith.index_cast %swap3A_288 : i32 to index
      %swap3A_290 = arith.index_cast %add3A_287 : i32 to index
      %swap3A_291 = arith.constant 48 : index
      %swap3A_292 = tpu.vector_load %arg7[%swap3A_289, %swap3A_290, %swap3A_291] {strides = array<i32>} : memref<2x200x64xf32, #tpu.memory_space<vmem>>, vector<1x1x16xf32>,
      %swap3A_293 = vector.shape_cast %swap3A_292 : vector<1x1x16xf32> to vector<16xf32>
      %swap3A_294 = vector.shape_cast %get3A_283 : vector<16xf32> to vector<1x1x16xf32>
      tpu.vector_store %arg7[%swap3A_289, %swap3A_290, %swap3A_291], %swap3A_294 {strides = array<i32>} : memref<2x200x64xf32, #tpu.memory_space<vmem>>, vector<1x1x16xf32>,
      %mul3A_295 = arith.constant 8 : i32
      %mul3A_296 = arith.muli %scan3A_212, %mul3A_295 : i32
      %add3A_297 = arith.constant 1 : i32
      %add3A_298 = arith.addi %mul3A_296, %add3A_297 : i32
      %get3A_299 = arith.constant 1 : i32
      %get3A_300 = arith.index_cast %get3A_299 : i32 to index
      %get3A_301 = arith.index_cast %add3A_298 : i32 to index
      %get3A_302 = arith.constant 0 : index
      %get3A_303 = tpu.vector_load %arg6[%get3A_300, %get3A_301, %get3A_302] {strides = array<i32>} : memref<2x200x128xf32, #tpu.memory_space<vmem>>, vector<1x1x16xf32>,
      %get3A_304 = vector.shape_cast %get3A_303 : vector<1x1x16xf32> to vector<16xf32>
      %mul3A_305 = arith.constant 8 : i32
      %mul3A_306 = arith.muli %scan3A_212, %mul3A_305 : i32
      %add3A_307 = arith.constant 1 : i32
      %add3A_308 = arith.addi %mul3A_306, %add3A_307 : i32
      %swap3A_309 = arith.constant 1 : i32
      %swap3A_310 = arith.index_cast %swap3A_309 : i32 to index
      %swap3A_311 = arith.index_cast %add3A_308 : i32 to index
      %swap3A_312 = arith.constant 0 : index
      %swap3A_313 = tpu.vector_load %arg7[%swap3A_310, %swap3A_311, %swap3A_312] {strides = array<i32>} : memref<2x200x64xf32, #tpu.memory_space<vmem>>, vector<1x1x16xf32>,
      %swap3A_314 = vector.shape_cast %swap3A_313 : vector<1x1x16xf32> to vector<16xf32>
      %swap3A_315 = vector.shape_cast %get3A_304 : vector<16xf32> to vector<1x1x16xf32>
      tpu.vector_store %arg7[%swap3A_310, %swap3A_311, %swap3A_312], %swap3A_315 {strides = array<i32>} : memref<2x200x64xf32, #tpu.memory_space<vmem>>, vector<1x1x16xf32>,
      %mul3A_316 = arith.constant 8 : i32
      %mul3A_317 = arith.muli %scan3A_212, %mul3A_316 : i32
      %add3A_318 = arith.constant 1 : i32
      %add3A_319 = arith.addi %mul3A_317, %add3A_318 : i32
      %get3A_320 = arith.constant 1 : i32
      %get3A_321 = arith.index_cast %get3A_320 : i32 to index
      %get3A_322 = arith.index_cast %add3A_319 : i32 to index
      %get3A_323 = arith.constant 16 : index
      %get3A_324 = tpu.vector_load %arg6[%get3A_321, %get3A_322, %get3A_323] {strides = array<i32>} : memref<2x200x128xf32, #tpu.memory_space<vmem>>, vector<1x1x16xf32>,
      %get3A_325 = vector.shape_cast %get3A_324 : vector<1x1x16xf32> to vector<16xf32>
      %mul3A_326 = arith.constant 8 : i32
      %mul3A_327 = arith.muli %scan3A_212, %mul3A_326 : i32
      %add3A_328 = arith.constant 1 : i32
      %add3A_329 = arith.addi %mul3A_327, %add3A_328 : i32
      %swap3A_330 = arith.constant 1 : i32
      %swap3A_331 = arith.index_cast %swap3A_330 : i32 to index
      %swap3A_332 = arith.index_cast %add3A_329 : i32 to index
      %swap3A_333 = arith.constant 16 : index
      %swap3A_334 = tpu.vector_load %arg7[%swap3A_331, %swap3A_332, %swap3A_333] {strides = array<i32>} : memref<2x200x64xf32, #tpu.memory_space<vmem>>, vector<1x1x16xf32>,
      %swap3A_335 = vector.shape_cast %swap3A_334 : vector<1x1x16xf32> to vector<16xf32>
      %swap3A_336 = vector.shape_cast %get3A_325 : vector<16xf32> to vector<1x1x16xf32>
      tpu.vector_store %arg7[%swap3A_331, %swap3A_332, %swap3A_333], %swap3A_336 {strides = array<i32>} : memref<2x200x64xf32, #tpu.memory_space<vmem>>, vector<1x1x16xf32>,
      %mul3A_337 = arith.constant 8 : i32
      %mul3A_338 = arith.muli %scan3A_212, %mul3A_337 : i32
      %add3A_339 = arith.constant 1 : i32
      %add3A_340 = arith.addi %mul3A_338, %add3A_339 : i32
      %get3A_341 = arith.constant 1 : i32
      %get3A_342 = arith.index_cast %get3A_341 : i32 to index
      %get3A_343 = arith.index_cast %add3A_340 : i32 to index
      %get3A_344 = arith.constant 32 : index
      %get3A_345 = tpu.vector_load %arg6[%get3A_342, %get3A_343, %get3A_344] {strides = array<i32>} : memref<2x200x128xf32, #tpu.memory_space<vmem>>, vector<1x1x16xf32>,
      %get3A_346 = vector.shape_cast %get3A_345 : vector<1x1x16xf32> to vector<16xf32>
      %mul3A_347 = arith.constant 8 : i32
      %mul3A_348 = arith.muli %scan3A_212, %mul3A_347 : i32
      %add3A_349 = arith.constant 1 : i32
      %add3A_350 = arith.addi %mul3A_348, %add3A_349 : i32
      %swap3A_351 = arith.constant 1 : i32
      %swap3A_352 = arith.index_cast %swap3A_351 : i32 to index
      %swap3A_353 = arith.index_cast %add3A_350 : i32 to index
      %swap3A_354 = arith.constant 32 : index
      %swap3A_355 = tpu.vector_load %arg7[%swap3A_352, %swap3A_353, %swap3A_354] {strides = array<i32>} : memref<2x200x64xf32, #tpu.memory_space<vmem>>, vector<1x1x16xf32>,
      %swap3A_356 = vector.shape_cast %swap3A_355 : vector<1x1x16xf32> to vector<16xf32>
      %swap3A_357 = vector.shape_cast %get3A_346 : vector<16xf32> to vector<1x1x16xf32>
      tpu.vector_store %arg7[%swap3A_352, %swap3A_353, %swap3A_354], %swap3A_357 {strides = array<i32>} : memref<2x200x64xf32, #tpu.memory_space<vmem>>, vector<1x1x16xf32>,
      %mul3A_358 = arith.constant 8 : i32
      %mul3A_359 = arith.muli %scan3A_212, %mul3A_358 : i32
      %add3A_360 = arith.constant 1 : i32
      %add3A_361 = arith.addi %mul3A_359, %add3A_360 : i32
      %get3A_362 = arith.constant 1 : i32
      %get3A_363 = arith.index_cast %get3A_362 : i32 to index
      %get3A_364 = arith.index_cast %add3A_361 : i32 to index
      %get3A_365 = arith.constant 48 : index
      %get3A_366 = tpu.vector_load %arg6[%get3A_363, %get3A_364, %get3A_365] {strides = array<i32>} : memref<2x200x128xf32, #tpu.memory_space<vmem>>, vector<1x1x16xf32>,
      %get3A_367 = vector.shape_cast %get3A_366 : vector<1x1x16xf32> to vector<16xf32>
      %mul3A_368 = arith.constant 8 : i32
      %mul3A_369 = arith.muli %scan3A_212, %mul3A_368 : i32
      %add3A_370 = arith.constant 1 : i32
      %add3A_371 = arith.addi %mul3A_369, %add3A_370 : i32
      %swap3A_372 = arith.constant 1 : i32
      %swap3A_373 = arith.index_cast %swap3A_372 : i32 to index
      %swap3A_374 = arith.index_cast %add3A_371 : i32 to index
      %swap3A_375 = arith.constant 48 : index
      %swap3A_376 = tpu.vector_load %arg7[%swap3A_373, %swap3A_374, %swap3A_375] {strides = array<i32>} : memref<2x200x64xf32, #tpu.memory_space<vmem>>, vector<1x1x16xf32>,
      %swap3A_377 = vector.shape_cast %swap3A_376 : vector<1x1x16xf32> to vector<16xf32>
      %swap3A_378 = vector.shape_cast %get3A_367 : vector<16xf32> to vector<1x1x16xf32>
      tpu.vector_store %arg7[%swap3A_373, %swap3A_374, %swap3A_375], %swap3A_378 {strides = array<i32>} : memref<2x200x64xf32, #tpu.memory_space<vmem>>, vector<1x1x16xf32>,
      %mul3A_379 = arith.constant 8 : i32
      %mul3A_380 = arith.muli %scan3A_212, %mul3A_379 : i32
      %add3A_381 = arith.constant 2 : i32
      %add3A_382 = arith.addi %mul3A_380, %add3A_381 : i32
      %get3A_383 = arith.constant 1 : i32
      %get3A_384 = arith.index_cast %get3A_383 : i32 to index
      %get3A_385 = arith.index_cast %add3A_382 : i32 to index
      %get3A_386 = arith.constant 0 : index
      %get3A_387 = tpu.vector_load %arg6[%get3A_384, %get3A_385, %get3A_386] {strides = array<i32>} : memref<2x200x128xf32, #tpu.memory_space<vmem>>, vector<1x1x16xf32>,
      %get3A_388 = vector.shape_cast %get3A_387 : vector<1x1x16xf32> to vector<16xf32>
      %mul3A_389 = arith.constant 8 : i32
      %mul3A_390 = arith.muli %scan3A_212, %mul3A_389 : i32
      %add3A_391 = arith.constant 2 : i32
      %add3A_392 = arith.addi %mul3A_390, %add3A_391 : i32
      %swap3A_393 = arith.constant 1 : i32
      %swap3A_394 = arith.index_cast %swap3A_393 : i32 to index
      %swap3A_395 = arith.index_cast %add3A_392 : i32 to index
      %swap3A_396 = arith.constant 0 : index
      %swap3A_397 = tpu.vector_load %arg7[%swap3A_394, %swap3A_395, %swap3A_396] {strides = array<i32>} : memref<2x200x64xf32, #tpu.memory_space<vmem>>, vector<1x1x16xf32>,
      %swap3A_398 = vector.shape_cast %swap3A_397 : vector<1x1x16xf32> to vector<16xf32>
      %swap3A_399 = vector.shape_cast %get3A_388 : vector<16xf32> to vector<1x1x16xf32>
      tpu.vector_store %arg7[%swap3A_394, %swap3A_395, %swap3A_396], %swap3A_399 {strides = array<i32>} : memref<2x200x64xf32, #tpu.memory_space<vmem>>, vector<1x1x16xf32>,
      %mul3A_400 = arith.constant 8 : i32
      %mul3A_401 = arith.muli %scan3A_212, %mul3A_400 : i32
      %add3A_402 = arith.constant 2 : i32
      %add3A_403 = arith.addi %mul3A_401, %add3A_402 : i32
      %get3A_404 = arith.constant 1 : i32
      %get3A_405 = arith.index_cast %get3A_404 : i32 to index
      %get3A_406 = arith.index_cast %add3A_403 : i32 to index
      %get3A_407 = arith.constant 16 : index
      %get3A_408 = tpu.vector_load %arg6[%get3A_405, %get3A_406, %get3A_407] {strides = array<i32>} : memref<2x200x128xf32, #tpu.memory_space<vmem>>, vector<1x1x16xf32>,
      %get3A_409 = vector.shape_cast %get3A_408 : vector<1x1x16xf32> to vector<16xf32>
      %mul3A_410 = arith.constant 8 : i32
      %mul3A_411 = arith.muli %scan3A_212, %mul3A_410 : i32
      %add3A_412 = arith.constant 2 : i32
      %add3A_413 = arith.addi %mul3A_411, %add3A_412 : i32
      %swap3A_414 = arith.constant 1 : i32
      %swap3A_415 = arith.index_cast %swap3A_414 : i32 to index
      %swap3A_416 = arith.index_cast %add3A_413 : i32 to index
      %swap3A_417 = arith.constant 16 : index
      %swap3A_418 = tpu.vector_load %arg7[%swap3A_415, %swap3A_416, %swap3A_417] {strides = array<i32>} : memref<2x200x64xf32, #tpu.memory_space<vmem>>, vector<1x1x16xf32>,
      %swap3A_419 = vector.shape_cast %swap3A_418 : vector<1x1x16xf32> to vector<16xf32>
      %swap3A_420 = vector.shape_cast %get3A_409 : vector<16xf32> to vector<1x1x16xf32>
      tpu.vector_store %arg7[%swap3A_415, %swap3A_416, %swap3A_417], %swap3A_420 {strides = array<i32>} : memref<2x200x64xf32, #tpu.memory_space<vmem>>, vector<1x1x16xf32>,
      %mul3A_421 = arith.constant 8 : i32
      %mul3A_422 = arith.muli %scan3A_212, %mul3A_421 : i32
      %add3A_423 = arith.constant 2 : i32
      %add3A_424 = arith.addi %mul3A_422, %add3A_423 : i32
      %get3A_425 = arith.constant 1 : i32
      %get3A_426 = arith.index_cast %get3A_425 : i32 to index
      %get3A_427 = arith.index_cast %add3A_424 : i32 to index
      %get3A_428 = arith.constant 32 : index
      %get3A_429 = tpu.vector_load %arg6[%get3A_426, %get3A_427, %get3A_428] {strides = array<i32>} : memref<2x200x128xf32, #tpu.memory_space<vmem>>, vector<1x1x16xf32>,
      %get3A_430 = vector.shape_cast %get3A_429 : vector<1x1x16xf32> to vector<16xf32>
      %mul3A_431 = arith.constant 8 : i32
      %mul3A_432 = arith.muli %scan3A_212, %mul3A_431 : i32
      %add3A_433 = arith.constant 2 : i32
      %add3A_434 = arith.addi %mul3A_432, %add3A_433 : i32
      %swap3A_435 = arith.constant 1 : i32
      %swap3A_436 = arith.index_cast %swap3A_435 : i32 to index
      %swap3A_437 = arith.index_cast %add3A_434 : i32 to index
      %swap3A_438 = arith.constant 32 : index
      %swap3A_439 = tpu.vector_load %arg7[%swap3A_436, %swap3A_437, %swap3A_438] {strides = array<i32>} : memref<2x200x64xf32, #tpu.memory_space<vmem>>, vector<1x1x16xf32>,
      %swap3A_440 = vector.shape_cast %swap3A_439 : vector<1x1x16xf32> to vector<16xf32>
      %swap3A_441 = vector.shape_cast %get3A_430 : vector<16xf32> to vector<1x1x16xf32>
      tpu.vector_store %arg7[%swap3A_436, %swap3A_437, %swap3A_438], %swap3A_441 {strides = array<i32>} : memref<2x200x64xf32, #tpu.memory_space<vmem>>, vector<1x1x16xf32>,
      %mul3A_442 = arith.constant 8 : i32
      %mul3A_443 = arith.muli %scan3A_212, %mul3A_442 : i32
      %add3A_444 = arith.constant 2 : i32
      %add3A_445 = arith.addi %mul3A_443, %add3A_444 : i32
      %get3A_446 = arith.constant 1 : i32
      %get3A_447 = arith.index_cast %get3A_446 : i32 to index
      %get3A_448 = arith.index_cast %add3A_445 : i32 to index
      %get3A_449 = arith.constant 48 : index
      %get3A_450 = tpu.vector_load %arg6[%get3A_447, %get3A_448, %get3A_449] {strides = array<i32>} : memref<2x200x128xf32, #tpu.memory_space<vmem>>, vector<1x1x16xf32>,
      %get3A_451 = vector.shape_cast %get3A_450 : vector<1x1x16xf32> to vector<16xf32>
      %mul3A_452 = arith.constant 8 : i32
      %mul3A_453 = arith.muli %scan3A_212, %mul3A_452 : i32
      %add3A_454 = arith.constant 2 : i32
      %add3A_455 = arith.addi %mul3A_453, %add3A_454 : i32
      %swap3A_456 = arith.constant 1 : i32
      %swap3A_457 = arith.index_cast %swap3A_456 : i32 to index
      %swap3A_458 = arith.index_cast %add3A_455 : i32 to index
      %swap3A_459 = arith.constant 48 : index
      %swap3A_460 = tpu.vector_load %arg7[%swap3A_457, %swap3A_458, %swap3A_459] {strides = array<i32>} : memref<2x200x64xf32, #tpu.memory_space<vmem>>, vector<1x1x16xf32>,
      %swap3A_461 = vector.shape_cast %swap3A_460 : vector<1x1x16xf32> to vector<16xf32>
      %swap3A_462 = vector.shape_cast %get3A_451 : vector<16xf32> to vector<1x1x16xf32>
      tpu.vector_store %arg7[%swap3A_457, %swap3A_458, %swap3A_459], %swap3A_462 {strides = array<i32>} : memref<2x200x64xf32, #tpu.memory_space<vmem>>, vector<1x1x16xf32>,
      %mul3A_463 = arith.constant 8 : i32
      %mul3A_464 = arith.muli %scan3A_212, %mul3A_463 : i32
      %add3A_465 = arith.constant 3 : i32
      %add3A_466 = arith.addi %mul3A_464, %add3A_465 : i32
      %get3A_467 = arith.constant 1 : i32
      %get3A_468 = arith.index_cast %get3A_467 : i32 to index
      %get3A_469 = arith.index_cast %add3A_466 : i32 to index
      %get3A_470 = arith.constant 0 : index
      %get3A_471 = tpu.vector_load %arg6[%get3A_468, %get3A_469, %get3A_470] {strides = array<i32>} : memref<2x200x128xf32, #tpu.memory_space<vmem>>, vector<1x1x16xf32>,
      %get3A_472 = vector.shape_cast %get3A_471 : vector<1x1x16xf32> to vector<16xf32>
      %mul3A_473 = arith.constant 8 : i32
      %mul3A_474 = arith.muli %scan3A_212, %mul3A_473 : i32
      %add3A_475 = arith.constant 3 : i32
      %add3A_476 = arith.addi %mul3A_474, %add3A_475 : i32
      %swap3A_477 = arith.constant 1 : i32
      %swap3A_478 = arith.index_cast %swap3A_477 : i32 to index
      %swap3A_479 = arith.index_cast %add3A_476 : i32 to index
      %swap3A_480 = arith.constant 0 : index
      %swap3A_481 = tpu.vector_load %arg7[%swap3A_478, %swap3A_479, %swap3A_480] {strides = array<i32>} : memref<2x200x64xf32, #tpu.memory_space<vmem>>, vector<1x1x16xf32>,
      %swap3A_482 = vector.shape_cast %swap3A_481 : vector<1x1x16xf32> to vector<16xf32>
      %swap3A_483 = vector.shape_cast %get3A_472 : vector<16xf32> to vector<1x1x16xf32>
      tpu.vector_store %arg7[%swap3A_478, %swap3A_479, %swap3A_480], %swap3A_483 {strides = array<i32>} : memref<2x200x64xf32, #tpu.memory_space<vmem>>, vector<1x1x16xf32>,
      %mul3A_484 = arith.constant 8 : i32
      %mul3A_485 = arith.muli %scan3A_212, %mul3A_484 : i32
      %add3A_486 = arith.constant 3 : i32
      %add3A_487 = arith.addi %mul3A_485, %add3A_486 : i32
      %get3A_488 = arith.constant 1 : i32
      %get3A_489 = arith.index_cast %get3A_488 : i32 to index
      %get3A_490 = arith.index_cast %add3A_487 : i32 to index
      %get3A_491 = arith.constant 16 : index
      %get3A_492 = tpu.vector_load %arg6[%get3A_489, %get3A_490, %get3A_491] {strides = array<i32>} : memref<2x200x128xf32, #tpu.memory_space<vmem>>, vector<1x1x16xf32>,
      %get3A_493 = vector.shape_cast %get3A_492 : vector<1x1x16xf32> to vector<16xf32>
      %mul3A_494 = arith.constant 8 : i32
      %mul3A_495 = arith.muli %scan3A_212, %mul3A_494 : i32
      %add3A_496 = arith.constant 3 : i32
      %add3A_497 = arith.addi %mul3A_495, %add3A_496 : i32
      %swap3A_498 = arith.constant 1 : i32
      %swap3A_499 = arith.index_cast %swap3A_498 : i32 to index
      %swap3A_500 = arith.index_cast %add3A_497 : i32 to index
      %swap3A_501 = arith.constant 16 : index
      %swap3A_502 = tpu.vector_load %arg7[%swap3A_499, %swap3A_500, %swap3A_501] {strides = array<i32>} : memref<2x200x64xf32, #tpu.memory_space<vmem>>, vector<1x1x16xf32>,
      %swap3A_503 = vector.shape_cast %swap3A_502 : vector<1x1x16xf32> to vector<16xf32>
      %swap3A_504 = vector.shape_cast %get3A_493 : vector<16xf32> to vector<1x1x16xf32>
      tpu.vector_store %arg7[%swap3A_499, %swap3A_500, %swap3A_501], %swap3A_504 {strides = array<i32>} : memref<2x200x64xf32, #tpu.memory_space<vmem>>, vector<1x1x16xf32>,
      %mul3A_505 = arith.constant 8 : i32
      %mul3A_506 = arith.muli %scan3A_212, %mul3A_505 : i32
      %add3A_507 = arith.constant 3 : i32
      %add3A_508 = arith.addi %mul3A_506, %add3A_507 : i32
      %get3A_509 = arith.constant 1 : i32
      %get3A_510 = arith.index_cast %get3A_509 : i32 to index
      %get3A_511 = arith.index_cast %add3A_508 : i32 to index
      %get3A_512 = arith.constant 32 : index
      %get3A_513 = tpu.vector_load %arg6[%get3A_510, %get3A_511, %get3A_512] {strides = array<i32>} : memref<2x200x128xf32, #tpu.memory_space<vmem>>, vector<1x1x16xf32>,
      %get3A_514 = vector.shape_cast %get3A_513 : vector<1x1x16xf32> to vector<16xf32>
      %mul3A_515 = arith.constant 8 : i32
      %mul3A_516 = arith.muli %scan3A_212, %mul3A_515 : i32
      %add3A_517 = arith.constant 3 : i32
      %add3A_518 = arith.addi %mul3A_516, %add3A_517 : i32
      %swap3A_519 = arith.constant 1 : i32
      %swap3A_520 = arith.index_cast %swap3A_519 : i32 to index
      %swap3A_521 = arith.index_cast %add3A_518 : i32 to index
      %swap3A_522 = arith.constant 32 : index
      %swap3A_523 = tpu.vector_load %arg7[%swap3A_520, %swap3A_521, %swap3A_522] {strides = array<i32>} : memref<2x200x64xf32, #tpu.memory_space<vmem>>, vector<1x1x16xf32>,
      %swap3A_524 = vector.shape_cast %swap3A_523 : vector<1x1x16xf32> to vector<16xf32>
      %swap3A_525 = vector.shape_cast %get3A_514 : vector<16xf32> to vector<1x1x16xf32>
      tpu.vector_store %arg7[%swap3A_520, %swap3A_521, %swap3A_522], %swap3A_525 {strides = array<i32>} : memref<2x200x64xf32, #tpu.memory_space<vmem>>, vector<1x1x16xf32>,
      %mul3A_526 = arith.constant 8 : i32
      %mul3A_527 = arith.muli %scan3A_212, %mul3A_526 : i32
      %add3A_528 = arith.constant 3 : i32
      %add3A_529 = arith.addi %mul3A_527, %add3A_528 : i32
      %get3A_530 = arith.constant 1 : i32
      %get3A_531 = arith.index_cast %get3A_530 : i32 to index
      %get3A_532 = arith.index_cast %add3A_529 : i32 to index
      %get3A_533 = arith.constant 48 : index
      %get3A_534 = tpu.vector_load %arg6[%get3A_531, %get3A_532, %get3A_533] {strides = array<i32>} : memref<2x200x128xf32, #tpu.memory_space<vmem>>, vector<1x1x16xf32>,
      %get3A_535 = vector.shape_cast %get3A_534 : vector<1x1x16xf32> to vector<16xf32>
      %mul3A_536 = arith.constant 8 : i32
      %mul3A_537 = arith.muli %scan3A_212, %mul3A_536 : i32
      %add3A_538 = arith.constant 3 : i32
      %add3A_539 = arith.addi %mul3A_537, %add3A_538 : i32
      %swap3A_540 = arith.constant 1 : i32
      %swap3A_541 = arith.index_cast %swap3A_540 : i32 to index
      %swap3A_542 = arith.index_cast %add3A_539 : i32 to index
      %swap3A_543 = arith.constant 48 : index
      %swap3A_544 = tpu.vector_load %arg7[%swap3A_541, %swap3A_542, %swap3A_543] {strides = array<i32>} : memref<2x200x64xf32, #tpu.memory_space<vmem>>, vector<1x1x16xf32>,
      %swap3A_545 = vector.shape_cast %swap3A_544 : vector<1x1x16xf32> to vector<16xf32>
      %swap3A_546 = vector.shape_cast %get3A_535 : vector<16xf32> to vector<1x1x16xf32>
      tpu.vector_store %arg7[%swap3A_541, %swap3A_542, %swap3A_543], %swap3A_546 {strides = array<i32>} : memref<2x200x64xf32, #tpu.memory_space<vmem>>, vector<1x1x16xf32>,
      %mul3A_547 = arith.constant 8 : i32
      %mul3A_548 = arith.muli %scan3A_212, %mul3A_547 : i32
      %add3A_549 = arith.constant 4 : i32
      %add3A_550 = arith.addi %mul3A_548, %add3A_549 : i32
      %get3A_551 = arith.constant 1 : i32
      %get3A_552 = arith.index_cast %get3A_551 : i32 to index
      %get3A_553 = arith.index_cast %add3A_550 : i32 to index
      %get3A_554 = arith.constant 0 : index
      %get3A_555 = tpu.vector_load %arg6[%get3A_552, %get3A_553, %get3A_554] {strides = array<i32>} : memref<2x200x128xf32, #tpu.memory_space<vmem>>, vector<1x1x16xf32>,
      %get3A_556 = vector.shape_cast %get3A_555 : vector<1x1x16xf32> to vector<16xf32>
      %mul3A_557 = arith.constant 8 : i32
      %mul3A_558 = arith.muli %scan3A_212, %mul3A_557 : i32
      %add3A_559 = arith.constant 4 : i32
      %add3A_560 = arith.addi %mul3A_558, %add3A_559 : i32
      %swap3A_561 = arith.constant 1 : i32
      %swap3A_562 = arith.index_cast %swap3A_561 : i32 to index
      %swap3A_563 = arith.index_cast %add3A_560 : i32 to index
      %swap3A_564 = arith.constant 0 : index
      %swap3A_565 = tpu.vector_load %arg7[%swap3A_562, %swap3A_563, %swap3A_564] {strides = array<i32>} : memref<2x200x64xf32, #tpu.memory_space<vmem>>, vector<1x1x16xf32>,
      %swap3A_566 = vector.shape_cast %swap3A_565 : vector<1x1x16xf32> to vector<16xf32>
      %swap3A_567 = vector.shape_cast %get3A_556 : vector<16xf32> to vector<1x1x16xf32>
      tpu.vector_store %arg7[%swap3A_562, %swap3A_563, %swap3A_564], %swap3A_567 {strides = array<i32>} : memref<2x200x64xf32, #tpu.memory_space<vmem>>, vector<1x1x16xf32>,
      %mul3A_568 = arith.constant 8 : i32
      %mul3A_569 = arith.muli %scan3A_212, %mul3A_568 : i32
      %add3A_570 = arith.constant 4 : i32
      %add3A_571 = arith.addi %mul3A_569, %add3A_570 : i32
      %get3A_572 = arith.constant 1 : i32
      %get3A_573 = arith.index_cast %get3A_572 : i32 to index
      %get3A_574 = arith.index_cast %add3A_571 : i32 to index
      %get3A_575 = arith.constant 16 : index
      %get3A_576 = tpu.vector_load %arg6[%get3A_573, %get3A_574, %get3A_575] {strides = array<i32>} : memref<2x200x128xf32, #tpu.memory_space<vmem>>, vector<1x1x16xf32>,
      %get3A_577 = vector.shape_cast %get3A_576 : vector<1x1x16xf32> to vector<16xf32>
      %mul3A_578 = arith.constant 8 : i32
      %mul3A_579 = arith.muli %scan3A_212, %mul3A_578 : i32
      %add3A_580 = arith.constant 4 : i32
      %add3A_581 = arith.addi %mul3A_579, %add3A_580 : i32
      %swap3A_582 = arith.constant 1 : i32
      %swap3A_583 = arith.index_cast %swap3A_582 : i32 to index
      %swap3A_584 = arith.index_cast %add3A_581 : i32 to index
      %swap3A_585 = arith.constant 16 : index
      %swap3A_586 = tpu.vector_load %arg7[%swap3A_583, %swap3A_584, %swap3A_585] {strides = array<i32>} : memref<2x200x64xf32, #tpu.memory_space<vmem>>, vector<1x1x16xf32>,
      %swap3A_587 = vector.shape_cast %swap3A_586 : vector<1x1x16xf32> to vector<16xf32>
      %swap3A_588 = vector.shape_cast %get3A_577 : vector<16xf32> to vector<1x1x16xf32>
      tpu.vector_store %arg7[%swap3A_583, %swap3A_584, %swap3A_585], %swap3A_588 {strides = array<i32>} : memref<2x200x64xf32, #tpu.memory_space<vmem>>, vector<1x1x16xf32>,
      %mul3A_589 = arith.constant 8 : i32
      %mul3A_590 = arith.muli %scan3A_212, %mul3A_589 : i32
      %add3A_591 = arith.constant 4 : i32
      %add3A_592 = arith.addi %mul3A_590, %add3A_591 : i32
      %get3A_593 = arith.constant 1 : i32
      %get3A_594 = arith.index_cast %get3A_593 : i32 to index
      %get3A_595 = arith.index_cast %add3A_592 : i32 to index
      %get3A_596 = arith.constant 32 : index
      %get3A_597 = tpu.vector_load %arg6[%get3A_594, %get3A_595, %get3A_596] {strides = array<i32>} : memref<2x200x128xf32, #tpu.memory_space<vmem>>, vector<1x1x16xf32>,
      %get3A_598 = vector.shape_cast %get3A_597 : vector<1x1x16xf32> to vector<16xf32>
      %mul3A_599 = arith.constant 8 : i32
      %mul3A_600 = arith.muli %scan3A_212, %mul3A_599 : i32
      %add3A_601 = arith.constant 4 : i32
      %add3A_602 = arith.addi %mul3A_600, %add3A_601 : i32
      %swap3A_603 = arith.constant 1 : i32
      %swap3A_604 = arith.index_cast %swap3A_603 : i32 to index
      %swap3A_605 = arith.index_cast %add3A_602 : i32 to index
      %swap3A_606 = arith.constant 32 : index
      %swap3A_607 = tpu.vector_load %arg7[%swap3A_604, %swap3A_605, %swap3A_606] {strides = array<i32>} : memref<2x200x64xf32, #tpu.memory_space<vmem>>, vector<1x1x16xf32>,
      %swap3A_608 = vector.shape_cast %swap3A_607 : vector<1x1x16xf32> to vector<16xf32>
      %swap3A_609 = vector.shape_cast %get3A_598 : vector<16xf32> to vector<1x1x16xf32>
      tpu.vector_store %arg7[%swap3A_604, %swap3A_605, %swap3A_606], %swap3A_609 {strides = array<i32>} : memref<2x200x64xf32, #tpu.memory_space<vmem>>, vector<1x1x16xf32>,
      %mul3A_610 = arith.constant 8 : i32
      %mul3A_611 = arith.muli %scan3A_212, %mul3A_610 : i32
      %add3A_612 = arith.constant 4 : i32
      %add3A_613 = arith.addi %mul3A_611, %add3A_612 : i32
      %get3A_614 = arith.constant 1 : i32
      %get3A_615 = arith.index_cast %get3A_614 : i32 to index
      %get3A_616 = arith.index_cast %add3A_613 : i32 to index
      %get3A_617 = arith.constant 48 : index
      %get3A_618 = tpu.vector_load %arg6[%get3A_615, %get3A_616, %get3A_617] {strides = array<i32>} : memref<2x200x128xf32, #tpu.memory_space<vmem>>, vector<1x1x16xf32>,
      %get3A_619 = vector.shape_cast %get3A_618 : vector<1x1x16xf32> to vector<16xf32>
      %mul3A_620 = arith.constant 8 : i32
      %mul3A_621 = arith.muli %scan3A_212, %mul3A_620 : i32
      %add3A_622 = arith.constant 4 : i32
      %add3A_623 = arith.addi %mul3A_621, %add3A_622 : i32
      %swap3A_624 = arith.constant 1 : i32
      %swap3A_625 = arith.index_cast %swap3A_624 : i32 to index
      %swap3A_626 = arith.index_cast %add3A_623 : i32 to index
      %swap3A_627 = arith.constant 48 : index
      %swap3A_628 = tpu.vector_load %arg7[%swap3A_625, %swap3A_626, %swap3A_627] {strides = array<i32>} : memref<2x200x64xf32, #tpu.memory_space<vmem>>, vector<1x1x16xf32>,
      %swap3A_629 = vector.shape_cast %swap3A_628 : vector<1x1x16xf32> to vector<16xf32>
      %swap3A_630 = vector.shape_cast %get3A_619 : vector<16xf32> to vector<1x1x16xf32>
      tpu.vector_store %arg7[%swap3A_625, %swap3A_626, %swap3A_627], %swap3A_630 {strides = array<i32>} : memref<2x200x64xf32, #tpu.memory_space<vmem>>, vector<1x1x16xf32>,
      %mul3A_631 = arith.constant 8 : i32
      %mul3A_632 = arith.muli %scan3A_212, %mul3A_631 : i32
      %add3A_633 = arith.constant 5 : i32
      %add3A_634 = arith.addi %mul3A_632, %add3A_633 : i32
      %get3A_635 = arith.constant 1 : i32
      %get3A_636 = arith.index_cast %get3A_635 : i32 to index
      %get3A_637 = arith.index_cast %add3A_634 : i32 to index
      %get3A_638 = arith.constant 0 : index
      %get3A_639 = tpu.vector_load %arg6[%get3A_636, %get3A_637, %get3A_638] {strides = array<i32>} : memref<2x200x128xf32, #tpu.memory_space<vmem>>, vector<1x1x16xf32>,
      %get3A_640 = vector.shape_cast %get3A_639 : vector<1x1x16xf32> to vector<16xf32>
      %mul3A_641 = arith.constant 8 : i32
      %mul3A_642 = arith.muli %scan3A_212, %mul3A_641 : i32
      %add3A_643 = arith.constant 5 : i32
      %add3A_644 = arith.addi %mul3A_642, %add3A_643 : i32
      %swap3A_645 = arith.constant 1 : i32
      %swap3A_646 = arith.index_cast %swap3A_645 : i32 to index
      %swap3A_647 = arith.index_cast %add3A_644 : i32 to index
      %swap3A_648 = arith.constant 0 : index
      %swap3A_649 = tpu.vector_load %arg7[%swap3A_646, %swap3A_647, %swap3A_648] {strides = array<i32>} : memref<2x200x64xf32, #tpu.memory_space<vmem>>, vector<1x1x16xf32>,
      %swap3A_650 = vector.shape_cast %swap3A_649 : vector<1x1x16xf32> to vector<16xf32>
      %swap3A_651 = vector.shape_cast %get3A_640 : vector<16xf32> to vector<1x1x16xf32>
      tpu.vector_store %arg7[%swap3A_646, %swap3A_647, %swap3A_648], %swap3A_651 {strides = array<i32>} : memref<2x200x64xf32, #tpu.memory_space<vmem>>, vector<1x1x16xf32>,
      %mul3A_652 = arith.constant 8 : i32
      %mul3A_653 = arith.muli %scan3A_212, %mul3A_652 : i32
      %add3A_654 = arith.constant 5 : i32
      %add3A_655 = arith.addi %mul3A_653, %add3A_654 : i32
      %get3A_656 = arith.constant 1 : i32
      %get3A_657 = arith.index_cast %get3A_656 : i32 to index
      %get3A_658 = arith.index_cast %add3A_655 : i32 to index
      %get3A_659 = arith.constant 16 : index
      %get3A_660 = tpu.vector_load %arg6[%get3A_657, %get3A_658, %get3A_659] {strides = array<i32>} : memref<2x200x128xf32, #tpu.memory_space<vmem>>, vector<1x1x16xf32>,
      %get3A_661 = vector.shape_cast %get3A_660 : vector<1x1x16xf32> to vector<16xf32>
      %mul3A_662 = arith.constant 8 : i32
      %mul3A_663 = arith.muli %scan3A_212, %mul3A_662 : i32
      %add3A_664 = arith.constant 5 : i32
      %add3A_665 = arith.addi %mul3A_663, %add3A_664 : i32
      %swap3A_666 = arith.constant 1 : i32
      %swap3A_667 = arith.index_cast %swap3A_666 : i32 to index
      %swap3A_668 = arith.index_cast %add3A_665 : i32 to index
      %swap3A_669 = arith.constant 16 : index
      %swap3A_670 = tpu.vector_load %arg7[%swap3A_667, %swap3A_668, %swap3A_669] {strides = array<i32>} : memref<2x200x64xf32, #tpu.memory_space<vmem>>, vector<1x1x16xf32>,
      %swap3A_671 = vector.shape_cast %swap3A_670 : vector<1x1x16xf32> to vector<16xf32>
      %swap3A_672 = vector.shape_cast %get3A_661 : vector<16xf32> to vector<1x1x16xf32>
      tpu.vector_store %arg7[%swap3A_667, %swap3A_668, %swap3A_669], %swap3A_672 {strides = array<i32>} : memref<2x200x64xf32, #tpu.memory_space<vmem>>, vector<1x1x16xf32>,
      %mul3A_673 = arith.constant 8 : i32
      %mul3A_674 = arith.muli %scan3A_212, %mul3A_673 : i32
      %add3A_675 = arith.constant 5 : i32
      %add3A_676 = arith.addi %mul3A_674, %add3A_675 : i32
      %get3A_677 = arith.constant 1 : i32
      %get3A_678 = arith.index_cast %get3A_677 : i32 to index
      %get3A_679 = arith.index_cast %add3A_676 : i32 to index
      %get3A_680 = arith.constant 32 : index
      %get3A_681 = tpu.vector_load %arg6[%get3A_678, %get3A_679, %get3A_680] {strides = array<i32>} : memref<2x200x128xf32, #tpu.memory_space<vmem>>, vector<1x1x16xf32>,
      %get3A_682 = vector.shape_cast %get3A_681 : vector<1x1x16xf32> to vector<16xf32>
      %mul3A_683 = arith.constant 8 : i32
      %mul3A_684 = arith.muli %scan3A_212, %mul3A_683 : i32
      %add3A_685 = arith.constant 5 : i32
      %add3A_686 = arith.addi %mul3A_684, %add3A_685 : i32
      %swap3A_687 = arith.constant 1 : i32
      %swap3A_688 = arith.index_cast %swap3A_687 : i32 to index
      %swap3A_689 = arith.index_cast %add3A_686 : i32 to index
      %swap3A_690 = arith.constant 32 : index
      %swap3A_691 = tpu.vector_load %arg7[%swap3A_688, %swap3A_689, %swap3A_690] {strides = array<i32>} : memref<2x200x64xf32, #tpu.memory_space<vmem>>, vector<1x1x16xf32>,
      %swap3A_692 = vector.shape_cast %swap3A_691 : vector<1x1x16xf32> to vector<16xf32>
      %swap3A_693 = vector.shape_cast %get3A_682 : vector<16xf32> to vector<1x1x16xf32>
      tpu.vector_store %arg7[%swap3A_688, %swap3A_689, %swap3A_690], %swap3A_693 {strides = array<i32>} : memref<2x200x64xf32, #tpu.memory_space<vmem>>, vector<1x1x16xf32>,
      %mul3A_694 = arith.constant 8 : i32
      %mul3A_695 = arith.muli %scan3A_212, %mul3A_694 : i32
      %add3A_696 = arith.constant 5 : i32
      %add3A_697 = arith.addi %mul3A_695, %add3A_696 : i32
      %get3A_698 = arith.constant 1 : i32
      %get3A_699 = arith.index_cast %get3A_698 : i32 to index
      %get3A_700 = arith.index_cast %add3A_697 : i32 to index
      %get3A_701 = arith.constant 48 : index
      %get3A_702 = tpu.vector_load %arg6[%get3A_699, %get3A_700, %get3A_701] {strides = array<i32>} : memref<2x200x128xf32, #tpu.memory_space<vmem>>, vector<1x1x16xf32>,
      %get3A_703 = vector.shape_cast %get3A_702 : vector<1x1x16xf32> to vector<16xf32>
      %mul3A_704 = arith.constant 8 : i32
      %mul3A_705 = arith.muli %scan3A_212, %mul3A_704 : i32
      %add3A_706 = arith.constant 5 : i32
      %add3A_707 = arith.addi %mul3A_705, %add3A_706 : i32
      %swap3A_708 = arith.constant 1 : i32
      %swap3A_709 = arith.index_cast %swap3A_708 : i32 to index
      %swap3A_710 = arith.index_cast %add3A_707 : i32 to index
      %swap3A_711 = arith.constant 48 : index
      %swap3A_712 = tpu.vector_load %arg7[%swap3A_709, %swap3A_710, %swap3A_711] {strides = array<i32>} : memref<2x200x64xf32, #tpu.memory_space<vmem>>, vector<1x1x16xf32>,
      %swap3A_713 = vector.shape_cast %swap3A_712 : vector<1x1x16xf32> to vector<16xf32>
      %swap3A_714 = vector.shape_cast %get3A_703 : vector<16xf32> to vector<1x1x16xf32>
      tpu.vector_store %arg7[%swap3A_709, %swap3A_710, %swap3A_711], %swap3A_714 {strides = array<i32>} : memref<2x200x64xf32, #tpu.memory_space<vmem>>, vector<1x1x16xf32>,
      %mul3A_715 = arith.constant 8 : i32
      %mul3A_716 = arith.muli %scan3A_212, %mul3A_715 : i32
      %add3A_717 = arith.constant 6 : i32
      %add3A_718 = arith.addi %mul3A_716, %add3A_717 : i32
      %get3A_719 = arith.constant 1 : i32
      %get3A_720 = arith.index_cast %get3A_719 : i32 to index
      %get3A_721 = arith.index_cast %add3A_718 : i32 to index
      %get3A_722 = arith.constant 0 : index
      %get3A_723 = tpu.vector_load %arg6[%get3A_720, %get3A_721, %get3A_722] {strides = array<i32>} : memref<2x200x128xf32, #tpu.memory_space<vmem>>, vector<1x1x16xf32>,
      %get3A_724 = vector.shape_cast %get3A_723 : vector<1x1x16xf32> to vector<16xf32>
      %mul3A_725 = arith.constant 8 : i32
      %mul3A_726 = arith.muli %scan3A_212, %mul3A_725 : i32
      %add3A_727 = arith.constant 6 : i32
      %add3A_728 = arith.addi %mul3A_726, %add3A_727 : i32
      %swap3A_729 = arith.constant 1 : i32
      %swap3A_730 = arith.index_cast %swap3A_729 : i32 to index
      %swap3A_731 = arith.index_cast %add3A_728 : i32 to index
      %swap3A_732 = arith.constant 0 : index
      %swap3A_733 = tpu.vector_load %arg7[%swap3A_730, %swap3A_731, %swap3A_732] {strides = array<i32>} : memref<2x200x64xf32, #tpu.memory_space<vmem>>, vector<1x1x16xf32>,
      %swap3A_734 = vector.shape_cast %swap3A_733 : vector<1x1x16xf32> to vector<16xf32>
      %swap3A_735 = vector.shape_cast %get3A_724 : vector<16xf32> to vector<1x1x16xf32>
      tpu.vector_store %arg7[%swap3A_730, %swap3A_731, %swap3A_732], %swap3A_735 {strides = array<i32>} : memref<2x200x64xf32, #tpu.memory_space<vmem>>, vector<1x1x16xf32>,
      %mul3A_736 = arith.constant 8 : i32
      %mul3A_737 = arith.muli %scan3A_212, %mul3A_736 : i32
      %add3A_738 = arith.constant 6 : i32
      %add3A_739 = arith.addi %mul3A_737, %add3A_738 : i32
      %get3A_740 = arith.constant 1 : i32
      %get3A_741 = arith.index_cast %get3A_740 : i32 to index
      %get3A_742 = arith.index_cast %add3A_739 : i32 to index
      %get3A_743 = arith.constant 16 : index
      %get3A_744 = tpu.vector_load %arg6[%get3A_741, %get3A_742, %get3A_743] {strides = array<i32>} : memref<2x200x128xf32, #tpu.memory_space<vmem>>, vector<1x1x16xf32>,
      %get3A_745 = vector.shape_cast %get3A_744 : vector<1x1x16xf32> to vector<16xf32>
      %mul3A_746 = arith.constant 8 : i32
      %mul3A_747 = arith.muli %scan3A_212, %mul3A_746 : i32
      %add3A_748 = arith.constant 6 : i32
      %add3A_749 = arith.addi %mul3A_747, %add3A_748 : i32
      %swap3A_750 = arith.constant 1 : i32
      %swap3A_751 = arith.index_cast %swap3A_750 : i32 to index
      %swap3A_752 = arith.index_cast %add3A_749 : i32 to index
      %swap3A_753 = arith.constant 16 : index
      %swap3A_754 = tpu.vector_load %arg7[%swap3A_751, %swap3A_752, %swap3A_753] {strides = array<i32>} : memref<2x200x64xf32, #tpu.memory_space<vmem>>, vector<1x1x16xf32>,
      %swap3A_755 = vector.shape_cast %swap3A_754 : vector<1x1x16xf32> to vector<16xf32>
      %swap3A_756 = vector.shape_cast %get3A_745 : vector<16xf32> to vector<1x1x16xf32>
      tpu.vector_store %arg7[%swap3A_751, %swap3A_752, %swap3A_753], %swap3A_756 {strides = array<i32>} : memref<2x200x64xf32, #tpu.memory_space<vmem>>, vector<1x1x16xf32>,
      %mul3A_757 = arith.constant 8 : i32
      %mul3A_758 = arith.muli %scan3A_212, %mul3A_757 : i32
      %add3A_759 = arith.constant 6 : i32
      %add3A_760 = arith.addi %mul3A_758, %add3A_759 : i32
      %get3A_761 = arith.constant 1 : i32
      %get3A_762 = arith.index_cast %get3A_761 : i32 to index
      %get3A_763 = arith.index_cast %add3A_760 : i32 to index
      %get3A_764 = arith.constant 32 : index
      %get3A_765 = tpu.vector_load %arg6[%get3A_762, %get3A_763, %get3A_764] {strides = array<i32>} : memref<2x200x128xf32, #tpu.memory_space<vmem>>, vector<1x1x16xf32>,
      %get3A_766 = vector.shape_cast %get3A_765 : vector<1x1x16xf32> to vector<16xf32>
      %mul3A_767 = arith.constant 8 : i32
      %mul3A_768 = arith.muli %scan3A_212, %mul3A_767 : i32
      %add3A_769 = arith.constant 6 : i32
      %add3A_770 = arith.addi %mul3A_768, %add3A_769 : i32
      %swap3A_771 = arith.constant 1 : i32
      %swap3A_772 = arith.index_cast %swap3A_771 : i32 to index
      %swap3A_773 = arith.index_cast %add3A_770 : i32 to index
      %swap3A_774 = arith.constant 32 : index
      %swap3A_775 = tpu.vector_load %arg7[%swap3A_772, %swap3A_773, %swap3A_774] {strides = array<i32>} : memref<2x200x64xf32, #tpu.memory_space<vmem>>, vector<1x1x16xf32>,
      %swap3A_776 = vector.shape_cast %swap3A_775 : vector<1x1x16xf32> to vector<16xf32>
      %swap3A_777 = vector.shape_cast %get3A_766 : vector<16xf32> to vector<1x1x16xf32>
      tpu.vector_store %arg7[%swap3A_772, %swap3A_773, %swap3A_774], %swap3A_777 {strides = array<i32>} : memref<2x200x64xf32, #tpu.memory_space<vmem>>, vector<1x1x16xf32>,
      %mul3A_778 = arith.constant 8 : i32
      %mul3A_779 = arith.muli %scan3A_212, %mul3A_778 : i32
      %add3A_780 = arith.constant 6 : i32
      %add3A_781 = arith.addi %mul3A_779, %add3A_780 : i32
      %get3A_782 = arith.constant 1 : i32
      %get3A_783 = arith.index_cast %get3A_782 : i32 to index
      %get3A_784 = arith.index_cast %add3A_781 : i32 to index
      %get3A_785 = arith.constant 48 : index
      %get3A_786 = tpu.vector_load %arg6[%get3A_783, %get3A_784, %get3A_785] {strides = array<i32>} : memref<2x200x128xf32, #tpu.memory_space<vmem>>, vector<1x1x16xf32>,
      %get3A_787 = vector.shape_cast %get3A_786 : vector<1x1x16xf32> to vector<16xf32>
      %mul3A_788 = arith.constant 8 : i32
      %mul3A_789 = arith.muli %scan3A_212, %mul3A_788 : i32
      %add3A_790 = arith.constant 6 : i32
      %add3A_791 = arith.addi %mul3A_789, %add3A_790 : i32
      %swap3A_792 = arith.constant 1 : i32
      %swap3A_793 = arith.index_cast %swap3A_792 : i32 to index
      %swap3A_794 = arith.index_cast %add3A_791 : i32 to index
      %swap3A_795 = arith.constant 48 : index
      %swap3A_796 = tpu.vector_load %arg7[%swap3A_793, %swap3A_794, %swap3A_795] {strides = array<i32>} : memref<2x200x64xf32, #tpu.memory_space<vmem>>, vector<1x1x16xf32>,
      %swap3A_797 = vector.shape_cast %swap3A_796 : vector<1x1x16xf32> to vector<16xf32>
      %swap3A_798 = vector.shape_cast %get3A_787 : vector<16xf32> to vector<1x1x16xf32>
      tpu.vector_store %arg7[%swap3A_793, %swap3A_794, %swap3A_795], %swap3A_798 {strides = array<i32>} : memref<2x200x64xf32, #tpu.memory_space<vmem>>, vector<1x1x16xf32>,
      %mul3A_799 = arith.constant 8 : i32
      %mul3A_800 = arith.muli %scan3A_212, %mul3A_799 : i32
      %add3A_801 = arith.constant 7 : i32
      %add3A_802 = arith.addi %mul3A_800, %add3A_801 : i32
      %get3A_803 = arith.constant 1 : i32
      %get3A_804 = arith.index_cast %get3A_803 : i32 to index
      %get3A_805 = arith.index_cast %add3A_802 : i32 to index
      %get3A_806 = arith.constant 0 : index
      %get3A_807 = tpu.vector_load %arg6[%get3A_804, %get3A_805, %get3A_806] {strides = array<i32>} : memref<2x200x128xf32, #tpu.memory_space<vmem>>, vector<1x1x16xf32>,
      %get3A_808 = vector.shape_cast %get3A_807 : vector<1x1x16xf32> to vector<16xf32>
      %mul3A_809 = arith.constant 8 : i32
      %mul3A_810 = arith.muli %scan3A_212, %mul3A_809 : i32
      %add3A_811 = arith.constant 7 : i32
      %add3A_812 = arith.addi %mul3A_810, %add3A_811 : i32
      %swap3A_813 = arith.constant 1 : i32
      %swap3A_814 = arith.index_cast %swap3A_813 : i32 to index
      %swap3A_815 = arith.index_cast %add3A_812 : i32 to index
      %swap3A_816 = arith.constant 0 : index
      %swap3A_817 = tpu.vector_load %arg7[%swap3A_814, %swap3A_815, %swap3A_816] {strides = array<i32>} : memref<2x200x64xf32, #tpu.memory_space<vmem>>, vector<1x1x16xf32>,
      %swap3A_818 = vector.shape_cast %swap3A_817 : vector<1x1x16xf32> to vector<16xf32>
      %swap3A_819 = vector.shape_cast %get3A_808 : vector<16xf32> to vector<1x1x16xf32>
      tpu.vector_store %arg7[%swap3A_814, %swap3A_815, %swap3A_816], %swap3A_819 {strides = array<i32>} : memref<2x200x64xf32, #tpu.memory_space<vmem>>, vector<1x1x16xf32>,
      %mul3A_820 = arith.constant 8 : i32
      %mul3A_821 = arith.muli %scan3A_212, %mul3A_820 : i32
      %add3A_822 = arith.constant 7 : i32
      %add3A_823 = arith.addi %mul3A_821, %add3A_822 : i32
      %get3A_824 = arith.constant 1 : i32
      %get3A_825 = arith.index_cast %get3A_824 : i32 to index
      %get3A_826 = arith.index_cast %add3A_823 : i32 to index
      %get3A_827 = arith.constant 16 : index
      %get3A_828 = tpu.vector_load %arg6[%get3A_825, %get3A_826, %get3A_827] {strides = array<i32>} : memref<2x200x128xf32, #tpu.memory_space<vmem>>, vector<1x1x16xf32>,
      %get3A_829 = vector.shape_cast %get3A_828 : vector<1x1x16xf32> to vector<16xf32>
      %mul3A_830 = arith.constant 8 : i32
      %mul3A_831 = arith.muli %scan3A_212, %mul3A_830 : i32
      %add3A_832 = arith.constant 7 : i32
      %add3A_833 = arith.addi %mul3A_831, %add3A_832 : i32
      %swap3A_834 = arith.constant 1 : i32
      %swap3A_835 = arith.index_cast %swap3A_834 : i32 to index
      %swap3A_836 = arith.index_cast %add3A_833 : i32 to index
      %swap3A_837 = arith.constant 16 : index
      %swap3A_838 = tpu.vector_load %arg7[%swap3A_835, %swap3A_836, %swap3A_837] {strides = array<i32>} : memref<2x200x64xf32, #tpu.memory_space<vmem>>, vector<1x1x16xf32>,
      %swap3A_839 = vector.shape_cast %swap3A_838 : vector<1x1x16xf32> to vector<16xf32>
      %swap3A_840 = vector.shape_cast %get3A_829 : vector<16xf32> to vector<1x1x16xf32>
      tpu.vector_store %arg7[%swap3A_835, %swap3A_836, %swap3A_837], %swap3A_840 {strides = array<i32>} : memref<2x200x64xf32, #tpu.memory_space<vmem>>, vector<1x1x16xf32>,
      %mul3A_841 = arith.constant 8 : i32
      %mul3A_842 = arith.muli %scan3A_212, %mul3A_841 : i32
      %add3A_843 = arith.constant 7 : i32
      %add3A_844 = arith.addi %mul3A_842, %add3A_843 : i32
      %get3A_845 = arith.constant 1 : i32
      %get3A_846 = arith.index_cast %get3A_845 : i32 to index
      %get3A_847 = arith.index_cast %add3A_844 : i32 to index
      %get3A_848 = arith.constant 32 : index
      %get3A_849 = tpu.vector_load %arg6[%get3A_846, %get3A_847, %get3A_848] {strides = array<i32>} : memref<2x200x128xf32, #tpu.memory_space<vmem>>, vector<1x1x16xf32>,
      %get3A_850 = vector.shape_cast %get3A_849 : vector<1x1x16xf32> to vector<16xf32>
      %mul3A_851 = arith.constant 8 : i32
      %mul3A_852 = arith.muli %scan3A_212, %mul3A_851 : i32
      %add3A_853 = arith.constant 7 : i32
      %add3A_854 = arith.addi %mul3A_852, %add3A_853 : i32
      %swap3A_855 = arith.constant 1 : i32
      %swap3A_856 = arith.index_cast %swap3A_855 : i32 to index
      %swap3A_857 = arith.index_cast %add3A_854 : i32 to index
      %swap3A_858 = arith.constant 32 : index
      %swap3A_859 = tpu.vector_load %arg7[%swap3A_856, %swap3A_857, %swap3A_858] {strides = array<i32>} : memref<2x200x64xf32, #tpu.memory_space<vmem>>, vector<1x1x16xf32>,
      %swap3A_860 = vector.shape_cast %swap3A_859 : vector<1x1x16xf32> to vector<16xf32>
      %swap3A_861 = vector.shape_cast %get3A_850 : vector<16xf32> to vector<1x1x16xf32>
      tpu.vector_store %arg7[%swap3A_856, %swap3A_857, %swap3A_858], %swap3A_861 {strides = array<i32>} : memref<2x200x64xf32, #tpu.memory_space<vmem>>, vector<1x1x16xf32>,
      %mul3A_862 = arith.constant 8 : i32
      %mul3A_863 = arith.muli %scan3A_212, %mul3A_862 : i32
      %add3A_864 = arith.constant 7 : i32
      %add3A_865 = arith.addi %mul3A_863, %add3A_864 : i32
      %get3A_866 = arith.constant 1 : i32
      %get3A_867 = arith.index_cast %get3A_866 : i32 to index
      %get3A_868 = arith.index_cast %add3A_865 : i32 to index
      %get3A_869 = arith.constant 48 : index
      %get3A_870 = tpu.vector_load %arg6[%get3A_867, %get3A_868, %get3A_869] {strides = array<i32>} : memref<2x200x128xf32, #tpu.memory_space<vmem>>, vector<1x1x16xf32>,
      %get3A_871 = vector.shape_cast %get3A_870 : vector<1x1x16xf32> to vector<16xf32>
      %mul3A_872 = arith.constant 8 : i32
      %mul3A_873 = arith.muli %scan3A_212, %mul3A_872 : i32
      %add3A_874 = arith.constant 7 : i32
      %add3A_875 = arith.addi %mul3A_873, %add3A_874 : i32
      %swap3A_876 = arith.constant 1 : i32
      %swap3A_877 = arith.index_cast %swap3A_876 : i32 to index
      %swap3A_878 = arith.index_cast %add3A_875 : i32 to index
      %swap3A_879 = arith.constant 48 : index
      %swap3A_880 = tpu.vector_load %arg7[%swap3A_877, %swap3A_878, %swap3A_879] {strides = array<i32>} : memref<2x200x64xf32, #tpu.memory_space<vmem>>, vector<1x1x16xf32>,
      %swap3A_881 = vector.shape_cast %swap3A_880 : vector<1x1x16xf32> to vector<16xf32>
      %swap3A_882 = vector.shape_cast %get3A_871 : vector<16xf32> to vector<1x1x16xf32>
      tpu.vector_store %arg7[%swap3A_877, %swap3A_878, %swap3A_879], %swap3A_882 {strides = array<i32>} : memref<2x200x64xf32, #tpu.memory_space<vmem>>, vector<1x1x16xf32>,
    }
    %scan3A_167 = arith.constant 25 : i32
    %add3A_168 = arith.constant 127 : i32
    %add3A_169 = arith.addi %mul3A_2, %add3A_168 : i32
    %dma_start3A_170 = arith.constant 1 : i32
    %dma_start3A_171 = arith.constant 1 : i32
    %dma_start3A_172 = arith.constant 0 : i32
    %dma_start3A_173 = arith.constant 0 : i32
    %dma_start3A_174 = tpu.memref_slice %arg7[%dma_start3A_170, %dma_start3A_172, %dma_start3A_173] : memref<2x200x64xf32, #tpu.memory_space<vmem>> -> memref<1x200x64xf32, #tpu.memory_space<vmem>>
    %dma_start3A_175 = tpu.memref_squeeze %dma_start3A_174 : memref<1x200x64xf32, #tpu.memory_space<vmem>> -> memref<200x64xf32, #tpu.memory_space<vmem>>
    %dma_start3A_176 = arith.constant 0 : i32
    %dma_start3A_177 = arith.constant 0 : i32
    %dma_start3A_178 = tpu.memref_slice %arg4[%add3A_169, %dma_start3A_176, %dma_start3A_177] : memref<4096x200x64xf32, #tpu.memory_space<hbm>> -> memref<1x200x64xf32, #tpu.memory_space<hbm>>
    %dma_start3A_179 = tpu.memref_squeeze %dma_start3A_178 : memref<1x200x64xf32, #tpu.memory_space<hbm>> -> memref<200x64xf32, #tpu.memory_space<hbm>>
    %dma_start3A_180 = tpu.memref_slice %arg9[%dma_start3A_171] : memref<2x!tpu.dma_semaphore, #tpu.memory_space<semaphore_mem>> -> memref<1x!tpu.dma_semaphore, #tpu.memory_space<semaphore_mem>>
    %dma_start3A_181 = tpu.memref_squeeze %dma_start3A_180 : memref<1x!tpu.dma_semaphore, #tpu.memory_space<semaphore_mem>> -> memref<!tpu.dma_semaphore, #tpu.memory_space<semaphore_mem>>
    %dma_start3A_182 = arith.constant 0 : i32
    %dma_start3A_183 = arith.constant 0 : i32
    %dma_start3A_184 = tpu.memref_slice %arg4[%add3A_169, %dma_start3A_182, %dma_start3A_183] : memref<4096x200x64xf32, #tpu.memory_space<hbm>> -> memref<1x200x64xf32, #tpu.memory_space<hbm>>
    %dma_start3A_185 = tpu.memref_squeeze %dma_start3A_184 : memref<1x200x64xf32, #tpu.memory_space<hbm>> -> memref<200x64xf32, #tpu.memory_space<hbm>>
    %dma_start3A_186 = arith.constant 0 : i32
    %dma_start3A_187 = arith.constant 0 : i32
    %dma_start3A_188 = tpu.memref_slice %arg7[%dma_start3A_170, %dma_start3A_186, %dma_start3A_187] : memref<2x200x64xf32, #tpu.memory_space<vmem>> -> memref<1x200x64xf32, #tpu.memory_space<vmem>>
    %dma_start3A_189 = tpu.memref_squeeze %dma_start3A_188 : memref<1x200x64xf32, #tpu.memory_space<vmem>> -> memref<200x64xf32, #tpu.memory_space<vmem>>
    tpu.enqueue_dma source(%dma_start3A_189 : memref<200x64xf32, #tpu.memory_space<vmem>>) target(%dma_start3A_185 : memref<200x64xf32, #tpu.memory_space<hbm>>) target_semaphore(%dma_start3A_181 : memref<!tpu.dma_semaphore, #tpu.memory_space<semaphore_mem>>)
    %add3A_190 = arith.constant 127 : i32
    %add3A_191 = arith.addi %mul3A_2, %add3A_190 : i32
    %dma_wait3A_192 = arith.constant 1 : i32
    %dma_wait3A_193 = arith.constant 1 : i32
    %dma_wait3A_194 = arith.constant 0 : i32
    %dma_wait3A_195 = arith.constant 0 : i32
    %dma_wait3A_196 = tpu.memref_slice %arg7[%dma_wait3A_192, %dma_wait3A_194, %dma_wait3A_195] : memref<2x200x64xf32, #tpu.memory_space<vmem>> -> memref<1x200x64xf32, #tpu.memory_space<vmem>>
    %dma_wait3A_197 = tpu.memref_squeeze %dma_wait3A_196 : memref<1x200x64xf32, #tpu.memory_space<vmem>> -> memref<200x64xf32, #tpu.memory_space<vmem>>
    %dma_wait3A_198 = arith.constant 0 : i32
    %dma_wait3A_199 = arith.constant 0 : i32
    %dma_wait3A_200 = tpu.memref_slice %arg4[%add3A_191, %dma_wait3A_198, %dma_wait3A_199] : memref<4096x200x64xf32, #tpu.memory_space<hbm>> -> memref<1x200x64xf32, #tpu.memory_space<hbm>>
    %dma_wait3A_201 = tpu.memref_squeeze %dma_wait3A_200 : memref<1x200x64xf32, #tpu.memory_space<hbm>> -> memref<200x64xf32, #tpu.memory_space<hbm>>
    %dma_wait3A_202 = tpu.memref_slice %arg9[%dma_wait3A_193] : memref<2x!tpu.dma_semaphore, #tpu.memory_space<semaphore_mem>> -> memref<1x!tpu.dma_semaphore, #tpu.memory_space<semaphore_mem>>
    %dma_wait3A_203 = tpu.memref_squeeze %dma_wait3A_202 : memref<1x!tpu.dma_semaphore, #tpu.memory_space<semaphore_mem>> -> memref<!tpu.dma_semaphore, #tpu.memory_space<semaphore_mem>>
    %dma_wait3A_204 = arith.constant 0 : i32
    %dma_wait3A_205 = arith.constant 0 : i32
    %dma_wait3A_206 = tpu.memref_slice %arg4[%add3A_191, %dma_wait3A_204, %dma_wait3A_205] : memref<4096x200x64xf32, #tpu.memory_space<hbm>> -> memref<1x200x64xf32, #tpu.memory_space<hbm>>
    %dma_wait3A_207 = tpu.memref_squeeze %dma_wait3A_206 : memref<1x200x64xf32, #tpu.memory_space<hbm>> -> memref<200x64xf32, #tpu.memory_space<hbm>>
    %dma_wait3A_208 = arith.constant 0 : i32
    %dma_wait3A_209 = arith.constant 0 : i32
    %dma_wait3A_210 = tpu.memref_slice %arg7[%dma_wait3A_192, %dma_wait3A_208, %dma_wait3A_209] : memref<2x200x64xf32, #tpu.memory_space<vmem>> -> memref<1x200x64xf32, #tpu.memory_space<vmem>>
    %dma_wait3A_211 = tpu.memref_squeeze %dma_wait3A_210 : memref<1x200x64xf32, #tpu.memory_space<vmem>> -> memref<200x64xf32, #tpu.memory_space<vmem>>
    tpu.wait_dma2 semaphore(%dma_wait3A_203 : memref<!tpu.dma_semaphore, #tpu.memory_space<semaphore_mem>>) src(%dma_wait3A_211 : memref<200x64xf32, #tpu.memory_space<vmem>>) dst(%dma_wait3A_207 : memref<200x64xf32, #tpu.memory_space<hbm>>)
    return
  }
}

</mosaic_0001>

<sc_bundles>
// kernel: kernel.3.cloned.1.call-start
scs
__scs_entry_jumppad:
0x0: {  	(pc) =	sbr.rel $0x88, $3  }
0x1: {  	(tag) =	ssettag $0x0;
	lr =	simm.s32 $0x1  }
0x2: {  	[smem:$0x3F9F] =	sst lr;
	_ =	strace $0xD0000000  }
0x3: {  	_ = 	snop  }
0x4: {  	_ = 	snop  }
0x5: {  	_ = 	snop  }
0x6: {  	_ = 	snop  }
0x7: {  	_ = 	snop  }
__scs_overlays_trampoline_lowered:
0x8: {  	[smem:$0x3FAE] =	sst s0  }
0x9: {  	[smem:$0x3FAF] =	sst s1  }
0xa: {  	[smem:$0x3FB0] =	sst s2  }
0xb: {  	[smem:$0x3FB1] =	sst s3  }
0xc: {  	[smem:$0x3FB2] =	sst s4  }
0xd: {  	[smem:$0x3FB3] =	sst s5  }
0xe: {  	[smem:$0x3FB4] =	sst s6  }
0xf: {  	[smem:$0x3FB5] =	sst s7  }
0x10: {  	[smem:$0x3FB6] =	sst s8  }
0x11: {  	[smem:$0x3FB7] =	sst s9;
	s0 =	simm.s32 @!p0 $0x0  }
0x12: {  	s1 =	sld [smem:$0x3F9D];
	s0 =	simm.s32 @p0 $0x1  }
0x13: {  	[smem:$0x3FB8] =	sst s0;
	s0 =	simm.s32 @!p1 $0x0  }
0x14: {  	s2 =	sld [smem:$0x3F9C];
	s0 =	simm.s32 @p1 $0x1  }
0x15: {  	[smem:$0x3FB9] =	sst s0;
	s0 =	simm.s32 @!p2 $0x0  }
0x16: {  	s3 =	sld [smem:$0x3FDB];
	s0 =	simm.s32 @p2 $0x1  }
0x17: {  	s4 =	simm.s32 $0x1BF5;
	[smem:$0x3FBB] =	sst s0  }
0x18: {  	s0 =	sld [smem:$0x3F9E];
	_ =	swait.ge [sflag:s4], $0x0  }
0x19: {  	s7 =	sld [smem:$0x3F9F]  }
0x1a: {  	s8 =	sadd.s32 $0xFFFFE003, lr  }
0x1b: {  	s9 =	sadd.s32 $0xFFFFFEF7, lr;
	s5 =	simm.s32 $0xFFFFFFFF;
	p2 =	slt.u32 s8, $0xFFFFF086  }
0x1c: {  	p1 =	slt.u32 s9, $0xF7A;
	s5 =	simm.s32 @!p2 $0x0  }
0x1d: {  	s5 =	simm.s32 @p1 $0x1;
	p0 =	seq.s32 s7, s2  }
0x1e: {  	s7 =	smul.u32 @!p0 $0xF7A, s2;
	p2 =	seq.s32 @!p0 s5, $0x0  }
0x1f: {  	s9 =	smul.u32 $0xF7A, s1;
	s8 =	simm.s32 @!p0 $0x1BF5;
	p2 =	por !p2, p0  }
0x20: {  	[sflag:s8] =	ssyncset.s32 @!p0 $0xFFFFF086;
	s6 =	sadd.s32 @!p0 s3, s7;
	s7 =	simm.s32 @!p0 $0x108  }
0x21: {  	s3 =	sadd.s32 s3, s9;
	s6 =	sadd.s32 @!p0 $0x88, s6;
	s7 =	simm.s32 @p2 $0x1082  }
0x22: {  	[simem:s7], [sflag:s8] =	dma.local @!p0 [hbm:s6], $0xF7A  }
0x23: {  	s9 =	sor.u32 $0xD0000000, s2;
	s6 =	simm.s32 $0x108;
	_ =	swait.ge @!p0 [sflag:s8], $0x0  }
0x24: {  	s3 =	sadd.s32 $0x88, s3;
	s6 =	simm.s32 @!p1 $0x1082;
	[sflag:s4] =	ssyncset.s32 $0xFFFFF086  }
0x25: {  	[simem:s6], [sflag:s4] =	dma.local [hbm:s3], $0xF7A  }
0x26: {  	[smem:$0x3F9F] =	sst s1;
	(tag) =	ssettag s2;
	_ =	strace s9  }
0x27: {  	s1 =	sld [smem:$0x3FAF]  }
0x28: {  	s2 =	sld [smem:$0x3FB0]  }
0x29: {  	s4 =	sld [smem:$0x3FB2]  }
0x2a: {  	p0 =	seq.s32 s5, $0x0;
	s5 =	sld [smem:$0x3FB3]  }
0x2b: {  	s6 =	sld [smem:$0x3FB4]  }
0x2c: {  	s7 =	sld [smem:$0x3FB5]  }
0x2d: {  	s3 =	simm.s32 $0x108;
	s8 =	sld [smem:$0x3FB6]  }
0x2e: {  	s3 =	simm.s32 @!p0 $0x1082;
	s9 =	sld [smem:$0x3FB7]  }
0x2f: {  	lr =	sadd.s32 s0, s3;
	s0 =	sld [smem:$0x3FAE]  }
0x30: {  	s3 =	sld [smem:$0x3FB1]  }
0x31: {  	[smem:$0x3FBA] =	sst s10  }
0x32: {  	s10 =	sld [smem:$0x3FB8];
	_ =	sdelay $0x3  }
0x33: {  	p0 =	seq.s32 s10, $0x1;
	s10 =	sld [smem:$0x3FBA];
	_ =	sdelay $0x3  }
0x34: {  	[smem:$0x3FBA] =	sst s10  }
0x35: {  	s10 =	sld [smem:$0x3FB9];
	_ =	sdelay $0x3  }
0x36: {  	p1 =	seq.s32 s10, $0x1;
	s10 =	sld [smem:$0x3FBA];
	_ =	sdelay $0x3  }
0x37: {  	[smem:$0x3FBA] =	sst s10  }
0x38: {  	s10 =	sld [smem:$0x3FBB]  }
0x39: {  	_ = 	snop;
	(pc) =	sbr.ind lr, $3  }
0x3a: {  	_ = 	snop  }
0x3b: {  	_ = 	snop  }
0x3c: {  	p2 =	seq.s32 s10, $0x1;
	s10 =	sld [smem:$0x3FBA]  }
0x3d: {  	_ =	shalt  }
0x3e: {  	_ =	shalt  }
0x3f: {  	_ =	shalt  }
0x40: {  	_ =	shalt  }
0x41: {  	_ =	shalt  }
0x42: {  	_ =	shalt  }
0x43: {  	_ =	shalt  }
0x44: {  	_ =	shalt  }
0x45: {  	_ =	shalt  }
0x46: {  	_ =	shalt  }
0x47: {  	_ =	shalt  }
0x48: {  	_ =	shalt  }
0x49: {  	_ =	shalt  }
0x4a: {  	_ =	shalt  }
0x4b: {  	_ =	shalt  }
0x4c: {  	_ =	shalt  }
0x4d: {  	_ =	shalt  }
0x4e: {  	_ =	shalt  }
0x4f: {  	_ =	shalt  }
0x50: {  	_ =	shalt  }
0x51: {  	_ =	shalt  }
0x52: {  	_ =	shalt  }
0x53: {  	_ =	shalt  }
0x54: {  	_ =	shalt  }
0x55: {  	_ =	shalt  }
0x56: {  	_ =	shalt  }
0x57: {  	_ =	shalt  }
0x58: {  	_ =	shalt  }
0x59: {  	_ =	shalt  }
0x5a: {  	_ =	shalt  }
0x5b: {  	_ =	shalt  }
0x5c: {  	_ =	shalt  }
0x5d: {  	_ =	shalt  }
0x5e: {  	_ =	shalt  }
0x5f: {  	_ =	shalt  }
0x60: {  	_ =	shalt  }
0x61: {  	_ =	shalt  }
0x62: {  	_ =	shalt  }
0x63: {  	_ =	shalt  }
0x64: {  	_ =	shalt  }
0x65: {  	_ =	shalt  }
0x66: {  	_ =	shalt  }
0x67: {  	_ =	shalt  }
0x68: {  	_ =	shalt  }
0x69: {  	_ =	shalt  }
0x6a: {  	_ =	shalt  }
0x6b: {  	_ =	shalt  }
0x6c: {  	_ =	shalt  }
0x6d: {  	_ =	shalt  }
0x6e: {  	_ =	shalt  }
0x6f: {  	_ =	shalt  }
0x70: {  	_ =	shalt  }
0x71: {  	_ =	shalt  }
0x72: {  	_ =	shalt  }
0x73: {  	_ =	shalt  }
0x74: {  	_ =	shalt  }
0x75: {  	_ =	shalt  }
0x76: {  	_ =	shalt  }
0x77: {  	_ =	shalt  }
0x78: {  	_ =	shalt  }
0x79: {  	_ =	shalt  }
0x7a: {  	_ =	shalt  }
0x7b: {  	_ =	shalt  }
0x7c: {  	_ =	shalt  }
0x7d: {  	_ =	shalt  }
0x7e: {  	_ =	shalt  }
0x7f: {  	_ =	shalt  }
0x80: {  	_ =	shalt  }
0x81: {  	_ =	shalt  }
0x82: {  	_ =	shalt  }
0x83: {  	_ =	shalt  }
0x84: {  	_ =	shalt  }
0x85: {  	_ =	shalt  }
0x86: {  	_ =	shalt  }
0x87: {  	_ =	shalt  }
.Lfunc_end0:
.L_simem_size_0:
called_computation_lowered:
.L_overlay_start_0:
0x88: {  	s2 =	sld [smem:$0x3FD9]  }
0x89: {  	s3 =	sld [smem:$0x3FFE];
	_ =	sdelay $0x1  }
0x8a: {  	s1 =	srdreg.scid  }
0x8b: {  	s0 =	sand.u32 $0x1, s1  }
0x8c: {  	s17 =	sshll.u32 s0, $0xA;
	s2 =	sadd.s32 s3, s2  }
0x8d: {  	s2 =	sadd.s32 s2, s17  }
0x8e: {  	[smem:$0x3FC6] =	sst s2  }
0x8f: {  	_ = 	snop  }
0x90: {  	s2 =	sld [smem:$0x3FD0];
	(tm) =	ssettm $0x1  }
0x91: {  	s18 =	sld [smem:$0x3FFB];
	_ =	sdelay $0x3  }
0x92: {  	_ =	strace s18  }
0x93: {  	s3 =	sld [smem:$0x3FFC];
	_ =	sdelay $0x3  }
0x94: {  	_ =	strace s3  }
0x95: {  	s3 =	sld [smem:$0x3FFD];
	_ =	sdelay $0x3  }
0x96: {  	_ =	strace s3  }
0x97: {  	_ =	strace $0x8FFFFFFF  }
0x98: {  	s19 =	sld [smem:$0x3FDB];
	_ =	sdelay $0x1  }
0x99: {  	s4 =	simm.s32 $_scs_section_size  }
0x9a: {  	s5 =	simm.s32 $_size__tile_overlayer_lowered;
	s6 =	simm.s32 $_tile_overlayer_lowered  }
0x9b: {  	s22 =	simm.s32 $0x1BFF;
	s21 =	sshll.u32 s6, $0x1;
	s3 =	sadd.s32 s4, s19  }
0x9c: {  	s7 =	simm.s32 $0x0;
	s20 =	sshll.u32 s5, $0x1;
	s5 =	sadd.s32 s21, s3  }
0x9d: {  	[timem:s7], [sflag:s22] =	dma.local [hbm:s5], s20  }
0x9e: {  	_ =	swait.ge [sflag:s22], s20  }
0x9f: {  	s4 =	ssub.s32 $0x0, s20;
	[sflag:s22] =	ssyncset.done $0x0  }
0xa0: {  	[sflag:s22] =	ssyncadd.s32 s4;
	_ =	sdelay $0x1  }
0xa1: {  	s23 =	simm.s32 $0x1B8B  }
0xa2: {  	_ =	swait.ge [sflag:s23], $0x1  }
0xa3: {  	[sflag:s23] =	ssyncset.done $0x0  }
0xa4: {  	s25 =	simm.s32 $0x1B8E;
	s24 =	sld [smem:$0x3FFE];
	[sflag:s23] =	ssyncadd.s32 $0xFFFFFFFF  }
0xa5: {  	s26 =	simm.s32 $execute0_lowered;
	[smem:$0x3FD2] =	sst s25  }
0xa6: {  	s5 =	sshll.u32 s26, $0x1;
	_ =	strace $0x80000046;
	[dreg:$0x1] =	wrdreg $0xFFFFFFFF  }
0xa7: {  	s28 =	simm.s32 $_size_execute0_lowered;
	s3 =	sadd.s32 s3, s5;
	[dreg:$0x0] =	wrdreg $0x0  }
0xa8: {  	s5 =	sshll.u32 s28, $0x1;
	[dreg:$0x2] =	wrdreg s3  }
0xa9: {  	[dreg:$0x3] =	wrdreg s5  }
0xaa: {  	[dreg:$0x4] =	wrdreg $0xC0  }
0xab: {  	_ =	task [dreg:s7], $0x5FFFF  }
0xac: {  	[dreg:$0x1] =	wrdreg $0xFFFFFFFF  }
0xad: {  	[dreg:$0x0] =	wrdreg $0x60  }
0xae: {  	[dreg:$0x2] =	wrdreg s2  }
0xaf: {  	[dreg:$0x3] =	wrdreg s24  }
0xb0: {  	[dreg:$0x4] =	wrdreg $0x9  }
0xb1: {  	_ =	task.clear_ibuf [dreg:s7], $0x5FFFF;
	_ =	strace $0x90000046  }
0xb2: {  	s29 =	simm.s32 $0x9;
	_ =	strace $0x80000048  }
0xb3: {  	_ =	swait.ge [sflag:s29], $0x1  }
0xb4: {  	[sflag:s29] =	ssyncadd.s32 $0xFFFFFFFF  }
0xb5: {  	_ =	strace $0x90000048  }
0xb6: {  	_ =	sfence  }
0xb7: {  	s30 =	sld [smem:$0x0];
	_ =	sdelay $0x2  }
0xb8: {  	s31 =	sshll.u32 s1, $0xD;
	s1 =	sshrl.u32 s1, $0x2  }
0xb9: {  	s3 =	sand.u32 $0x4000, s31;
	s1 =	sadd.s32 s1, s30  }
0xba: {  	s0 =	sor.u32 s3, s0;
	s1 =	sshll.u32 s1, $0x11  }
0xbb: {  	s0 =	sor.u32 s1, s0  }
0xbc: {  	s0 =	sadd.s32 $0x8F2B, s0  }
0xbd: {  	[sflag:s0] =	ssyncadd.remote.s32 $0x1  }
0xbe: {  	_ =	sfence.sel $0xFFFF  }
0xbf: {  	[dreg:$0x0] =	wrdreg $0xFFFFFFFF;
	(pc) =	sbr.abs _section_cstart, $3  }
0xc0: {  	[dreg:$0x1] =	wrdreg $0xFFFFFFFF  }
0xc1: {  	_ =	task.clear_ibuf [dreg:s7], $0x2FFFF;
	_ =	strace $0x9FFFFFFF  }
0xc2: {  	(tm) =	ssettm $0x7FFFFFFF  }
0xc3: {  	_ =	shalt  }
tec
execute0_lowered:
.L_overlay_start_1:
0x0: {  	(tag) =	ssettag $0x1  }
0x1: {  	s0 =	rddreg [dreg:$0x0]  }
0x2: {  	s4 =	rddreg [dreg:$0x1]  }
0x3: {  	s3 =	srdreg.scid;
	s1 =	stileid.u32;
	s2 =	simm.s32 $0x0  }
0x4: {  	s11 =	simm.s32 $0x80;
	s12 =	simm.s32 $0x6400;
	s13 =	simm.s32 $0x48  }
0x5: {  	s14 =	simm.s32 $0xA400;
	s15 =	simm.s32 $0xC8;
	s16 =	simm.s32 $0xC800  }
0x6: {  	s17 =	simm.s32 $0x148;
	s18 =	simm.s32 $0x10800;
	s19 =	simm.s32 $0x1  }
0x7: {  	s20 =	simm.s32 $0x12C00;
	s21 =	simm.s32 $0x3;
	s22 =	simm.s32 $0x2  }
0x8: {  	s23 =	simm.s32 $0x19000;
	s5 =	sand.u32 $0x1, s3;
	s30 =	sshll.u32 s1, $0x1  }
0x9: {  	s24 =	simm.s32 $0x4;
	s25 =	simm.s32 $0x0;
	s6 =	sor.u32 s5, s30  }
0xa: {  	[smem:$0x7FF] =	sst s2;
	s3 =	sadd.s32 $0xF42A00, s4;
	s7 =	smul.u32 $0xC80, s6  }
0xb: {  	s4 =	sadd.s32 $0x600, s4;
	s5 =	ssub.s32 $0x2, s5;
	s8 =	smul.u32 $0x320000, s6  }
0xc: {  	_ =	strace $0x80000047;
	s9 =	sshrl.u32 s5, $0x1;
	s10 =	smul.u32 $0x64000, s6  }
0xd: {  	s9 =	ssub.s32 s5, s9;
	s5 =	sshll.u32 s6, $0x7;
	s8 =	sshrl.u32 s8, $0x3  }
0xe: {  	s6 =	sadd.s32 s0, s7;
	s7 =	sadd.s32 s4, s10;
	s31 =	sadd.s32 s4, s8  }
0xf: {  	s9 =	smax.u32 s9, $0x1;
	s10 =	simm.s32 $0x5;
	s8 =	sadd.s32 $0x63380, s31  }
.LBB2_1:
0x10: {  	[tilespmem:s2], [sflag:$0x5] =	stream.linear.gather [hbm4b:s6+s2], $0x6400, $0x38;
	[tilespmem:$0x1F400] =	vst v63  }
0x11: {  	_ =	swait.ge [sflag:s10], $0x6400  }
0x12: {  	[sflag:s10] =	ssyncset.done $0x0  }
0x13: {  	[sflag:s10] =	ssyncadd.s32 $0xFFFF9C00  }
0x14: {  	[tilespmem:s12], [sflag:$0x1] =	stream.indirect.gather [hbm4b:s3+s11], $0x80, s2, s11, $0xb8;
	[tilespmem:$0x1F400] =	vst v63  }
0x15: {  	_ = 	snop  }
0x16: {  	[tilespmem:s14], [sflag:$0x1] =	stream.indirect.gather [hbm4b:s3+s13], $0x80, s11, s13, $0xb8;
	[tilespmem:$0x1F400] =	vst v63  }
0x17: {  	_ = 	snop  }
0x18: {  	[tilespmem:s16], [sflag:$0x2] =	stream.indirect.gather [hbm4b:s3+s11], $0x80, s15, s11, $0xb8;
	[tilespmem:$0x1F400] =	vst v63  }
0x19: {  	_ = 	snop  }
0x1a: {  	[tilespmem:s18], [sflag:$0x2] =	stream.indirect.gather [hbm4b:s3+s13], $0x80, s17, s13, $0xb8;
	[tilespmem:$0x1F400] =	vst v63  }
0x1b: {  	_ =	swait.ge [sflag:s19], $0x4000  }
0x1c: {  	[sflag:s19] =	ssyncset.done $0x0  }
0x1d: {  	[sflag:s19] =	ssyncadd.s32 $0xFFFFC000  }
0x1e: {  	_ =	swait.ge [sflag:s19], $0x2400  }
0x1f: {  	[sflag:s19] =	ssyncset.done $0x0  }
0x20: {  	s26 =	simm.s32 $0x0;
	[sflag:s19] =	ssyncadd.s32 $0xFFFFDC00  }
0x21: {  	v0 =	vld [tilespmem:s26+$0x67B0]  }
0x22: {  	v1 =	vld [tilespmem:s26+$0x6400]  }
0x23: {  	v2 =	vld [tilespmem:s26+$0x6410]  }
0x24: {  	v3 =	vld [tilespmem:s26+$0x6420]  }
0x25: {  	v4 =	vld [tilespmem:s26+$0x6430]  }
0x26: {  	v5 =	vld [tilespmem:s26+$0x6480];
	[tilespmem:s26+$0x12FB0] =	vst v0  }
0x27: {  	[tilespmem:s26+$0x12C00] =	vst v1;
	v0 =	vld [tilespmem:s26+$0x6490]  }
0x28: {  	[tilespmem:s26+$0x12C10] =	vst v2;
	v1 =	vld [tilespmem:s26+$0x64A0]  }
0x29: {  	[tilespmem:s26+$0x12C20] =	vst v3;
	v2 =	vld [tilespmem:s26+$0x64B0]  }
0x2a: {  	[tilespmem:s26+$0x12C30] =	vst v4;
	v3 =	vld [tilespmem:s26+$0x6500]  }
0x2b: {  	[tilespmem:s26+$0x12C80] =	vst v5;
	v4 =	vld [tilespmem:s26+$0x6510]  }
0x2c: {  	v5 =	vld [tilespmem:s26+$0x6710];
	[tilespmem:s26+$0x12C90] =	vst v0  }
0x2d: {  	v0 =	vld [tilespmem:s26+$0x6520];
	[tilespmem:s26+$0x12CA0] =	vst v1  }
0x2e: {  	v1 =	vld [tilespmem:s26+$0x6530];
	[tilespmem:s26+$0x12CB0] =	vst v2  }
0x2f: {  	v2 =	vld [tilespmem:s26+$0x6580];
	[tilespmem:s26+$0x12D00] =	vst v3  }
0x30: {  	v3 =	vld [tilespmem:s26+$0x6590];
	[tilespmem:s26+$0x12D10] =	vst v4  }
0x31: {  	v4 =	vld [tilespmem:s26+$0x65A0];
	[tilespmem:s26+$0x12F10] =	vst v5  }
0x32: {  	[tilespmem:s26+$0x12D20] =	vst v0;
	v0 =	vld [tilespmem:s26+$0x65B0]  }
0x33: {  	[tilespmem:s26+$0x12D30] =	vst v1;
	v1 =	vld [tilespmem:s26+$0x6600]  }
0x34: {  	[tilespmem:s26+$0x12D80] =	vst v2;
	v2 =	vld [tilespmem:s26+$0x6610]  }
0x35: {  	[tilespmem:s26+$0x12D90] =	vst v3;
	v3 =	vld [tilespmem:s26+$0x6620]  }
0x36: {  	[tilespmem:s26+$0x12DA0] =	vst v4;
	v4 =	vld [tilespmem:s26+$0x6630]  }
0x37: {  	[tilespmem:s26+$0x12DB0] =	vst v0;
	v0 =	vld [tilespmem:s26+$0x6680]  }
0x38: {  	[tilespmem:s26+$0x12E00] =	vst v1;
	v1 =	vld [tilespmem:s26+$0x6690]  }
0x39: {  	[tilespmem:s26+$0x12E10] =	vst v2;
	v2 =	vld [tilespmem:s26+$0x66A0]  }
0x3a: {  	[tilespmem:s26+$0x12E20] =	vst v3;
	v3 =	vld [tilespmem:s26+$0x66B0]  }
0x3b: {  	[tilespmem:s26+$0x12E30] =	vst v4;
	v4 =	vld [tilespmem:s26+$0x6700]  }
0x3c: {  	[tilespmem:s26+$0x12E80] =	vst v0;
	v0 =	vld [tilespmem:s26+$0x6720]  }
0x3d: {  	[tilespmem:s26+$0x12E90] =	vst v1;
	v1 =	vld [tilespmem:s26+$0x6730]  }
0x3e: {  	[tilespmem:s26+$0x12EA0] =	vst v2;
	v2 =	vld [tilespmem:s26+$0x6780]  }
0x3f: {  	[tilespmem:s26+$0x12EB0] =	vst v3;
	v3 =	vld [tilespmem:s26+$0x6790]  }
0x40: {  	s0 =	simm.s32 $0x400;
	s28 =	simm.s32 $0x2000;
	[tilespmem:s26+$0x12F00] =	vst v4;
	v4 =	vld [tilespmem:s26+$0x67A0]  }
.LBB2_2:
0x41: {  	p0 =	sne.s32 s28, $0x18000;
	v5 =	vld [tilespmem:s0+$0x67B0];
	[tilespmem:s26+$0x12F20] =	vst v0  }
0x42: {  	v0 =	vld [tilespmem:s0+$0x6400];
	[tilespmem:s26+$0x12F30] =	vst v1  }
0x43: {  	v1 =	vld [tilespmem:s0+$0x6410];
	[tilespmem:s26+$0x12F80] =	vst v2  }
0x44: {  	v2 =	vld [tilespmem:s0+$0x6420];
	[tilespmem:s26+$0x12F90] =	vst v3  }
0x45: {  	v3 =	vld [tilespmem:s0+$0x6430];
	[tilespmem:s26+$0x12FA0] =	vst v4;
	s26 =	smov.u32 s0  }
0x46: {  	v4 =	vld [tilespmem:s26+$0x6480];
	[tilespmem:s26+$0x12FB0] =	vst v5  }
0x47: {  	[tilespmem:s26+$0x12C00] =	vst v0;
	v0 =	vld [tilespmem:s26+$0x6490]  }
0x48: {  	[tilespmem:s26+$0x12C10] =	vst v1;
	v1 =	vld [tilespmem:s26+$0x64A0]  }
0x49: {  	[tilespmem:s26+$0x12C20] =	vst v2;
	v2 =	vld [tilespmem:s26+$0x64B0]  }
0x4a: {  	[tilespmem:s26+$0x12C30] =	vst v3;
	v3 =	vld [tilespmem:s26+$0x6500]  }
0x4b: {  	[tilespmem:s26+$0x12C80] =	vst v4;
	v4 =	vld [tilespmem:s26+$0x6510]  }
0x4c: {  	[tilespmem:s26+$0x12C90] =	vst v0;
	v0 =	vld [tilespmem:s26+$0x6520]  }
0x4d: {  	[tilespmem:s26+$0x12CA0] =	vst v1;
	v1 =	vld [tilespmem:s26+$0x6530]  }
0x4e: {  	[tilespmem:s26+$0x12CB0] =	vst v2;
	v2 =	vld [tilespmem:s26+$0x6580]  }
0x4f: {  	[tilespmem:s26+$0x12D00] =	vst v3;
	v3 =	vld [tilespmem:s26+$0x6590]  }
0x50: {  	[tilespmem:s26+$0x12D10] =	vst v4;
	v4 =	vld [tilespmem:s26+$0x65A0]  }
0x51: {  	[tilespmem:s26+$0x12D20] =	vst v0;
	v0 =	vld [tilespmem:s26+$0x65B0]  }
0x52: {  	[tilespmem:s26+$0x12D30] =	vst v1;
	v1 =	vld [tilespmem:s26+$0x6600]  }
0x53: {  	[tilespmem:s26+$0x12D80] =	vst v2;
	v2 =	vld [tilespmem:s26+$0x6610]  }
0x54: {  	[tilespmem:s26+$0x12D90] =	vst v3;
	v3 =	vld [tilespmem:s26+$0x6620]  }
0x55: {  	[tilespmem:s26+$0x12DA0] =	vst v4;
	v4 =	vld [tilespmem:s26+$0x6630]  }
0x56: {  	[tilespmem:s26+$0x12DB0] =	vst v0;
	v0 =	vld [tilespmem:s26+$0x6680]  }
0x57: {  	[tilespmem:s26+$0x12E00] =	vst v1;
	v1 =	vld [tilespmem:s26+$0x6690]  }
0x58: {  	[tilespmem:s26+$0x12E10] =	vst v2;
	v2 =	vld [tilespmem:s26+$0x66A0]  }
0x59: {  	[tilespmem:s26+$0x12E20] =	vst v3;
	v3 =	vld [tilespmem:s26+$0x66B0]  }
0x5a: {  	[tilespmem:s26+$0x12E30] =	vst v4;
	v4 =	vld [tilespmem:s26+$0x6700]  }
0x5b: {  	[tilespmem:s26+$0x12E80] =	vst v0;
	v5 =	vld [tilespmem:s26+$0x6710]  }
.Ltmp0:
0x5c: {  	[tilespmem:s26+$0x12E90] =	vst v1;
	v0 =	vld [tilespmem:s26+$0x6720];
	(pc) =	sbr.rel @p0 .LBB2_2-.Ltmp0, $4  }
0x5d: {  	[tilespmem:s26+$0x12EA0] =	vst v2;
	v1 =	vld [tilespmem:s26+$0x6730]  }
0x5e: {  	[tilespmem:s26+$0x12EB0] =	vst v3;
	v2 =	vld [tilespmem:s26+$0x6780]  }
0x5f: {  	[tilespmem:s26+$0x12F00] =	vst v4;
	v3 =	vld [tilespmem:s26+$0x6790]  }
0x60: {  	s0 =	sshra.s32 s28, $0x2;
	s28 =	sadd.s32 $0x1000, s28;
	[tilespmem:s26+$0x12F10] =	vst v5;
	v4 =	vld [tilespmem:s26+$0x67A0]  }
0x61: {  	v5 =	vld [tilespmem:s0+$0x67B0];
	[tilespmem:s26+$0x12F20] =	vst v0  }
0x62: {  	v0 =	vld [tilespmem:s0+$0x6400];
	[tilespmem:s26+$0x12F30] =	vst v1  }
0x63: {  	v1 =	vld [tilespmem:s0+$0x6410];
	[tilespmem:s26+$0x12F80] =	vst v2  }
0x64: {  	v2 =	vld [tilespmem:s0+$0x6420];
	[tilespmem:s26+$0x12F90] =	vst v3  }
0x65: {  	v3 =	vld [tilespmem:s0+$0x6430];
	[tilespmem:s26+$0x12FA0] =	vst v4  }
0x66: {  	v4 =	vld [tilespmem:s0+$0x6480];
	[tilespmem:s0+$0x12FB0] =	vst v5  }
0x67: {  	v38 =	vld [tilespmem:s0+$0x6490];
	[tilespmem:s0+$0x12C00] =	vst v0  }
0x68: {  	v39 =	vld [tilespmem:s0+$0x64A0];
	[tilespmem:s0+$0x12C10] =	vst v1  }
0x69: {  	v40 =	vld [tilespmem:s0+$0x64B0];
	[tilespmem:s0+$0x12C20] =	vst v2  }
0x6a: {  	v41 =	vld [tilespmem:s0+$0x6500];
	[tilespmem:s0+$0x12C30] =	vst v3  }
0x6b: {  	v42 =	vld [tilespmem:s0+$0x6510];
	[tilespmem:s0+$0x12C80] =	vst v4  }
0x6c: {  	v43 =	vld [tilespmem:s0+$0x6520];
	[tilespmem:s0+$0x12C90] =	vst v38  }
0x6d: {  	v44 =	vld [tilespmem:s0+$0x6530];
	[tilespmem:s0+$0x12CA0] =	vst v39  }
0x6e: {  	v45 =	vld [tilespmem:s0+$0x6580];
	[tilespmem:s0+$0x12CB0] =	vst v40  }
0x6f: {  	v46 =	vld [tilespmem:s0+$0x6590];
	[tilespmem:s0+$0x12D00] =	vst v41  }
0x70: {  	v47 =	vld [tilespmem:s0+$0x65A0];
	[tilespmem:s0+$0x12D10] =	vst v42  }
0x71: {  	v48 =	vld [tilespmem:s0+$0x65B0];
	[tilespmem:s0+$0x12D20] =	vst v43  }
0x72: {  	v49 =	vld [tilespmem:s0+$0x6600];
	[tilespmem:s0+$0x12D30] =	vst v44  }
0x73: {  	v50 =	vld [tilespmem:s0+$0x6610];
	[tilespmem:s0+$0x12D80] =	vst v45  }
0x74: {  	v51 =	vld [tilespmem:s0+$0x6620];
	[tilespmem:s0+$0x12D90] =	vst v46  }
0x75: {  	v52 =	vld [tilespmem:s0+$0x6630];
	[tilespmem:s0+$0x12DA0] =	vst v47  }
0x76: {  	v53 =	vld [tilespmem:s0+$0x6680];
	[tilespmem:s0+$0x12DB0] =	vst v48  }
0x77: {  	v54 =	vld [tilespmem:s0+$0x6690];
	[tilespmem:s0+$0x12E00] =	vst v49  }
0x78: {  	v55 =	vld [tilespmem:s0+$0x66A0];
	[tilespmem:s0+$0x12E10] =	vst v50  }
0x79: {  	v56 =	vld [tilespmem:s0+$0x66B0];
	[tilespmem:s0+$0x12E20] =	vst v51  }
0x7a: {  	v57 =	vld [tilespmem:s0+$0x6700];
	[tilespmem:s0+$0x12E30] =	vst v52  }
0x7b: {  	v58 =	vld [tilespmem:s0+$0x6710];
	[tilespmem:s0+$0x12E80] =	vst v53  }
0x7c: {  	v59 =	vld [tilespmem:s0+$0x6720];
	[tilespmem:s0+$0x12E90] =	vst v54  }
0x7d: {  	v60 =	vld [tilespmem:s0+$0x6730];
	[tilespmem:s0+$0x12EA0] =	vst v55  }
0x7e: {  	v61 =	vld [tilespmem:s0+$0x6780];
	[tilespmem:s0+$0x12EB0] =	vst v56  }
0x7f: {  	v62 =	vld [tilespmem:s0+$0x6790];
	[tilespmem:s0+$0x12F00] =	vst v57  }
0x80: {  	v63 =	vld [tilespmem:s0+$0x67A0];
	[tilespmem:s0+$0x12F10] =	vst v58  }
0x81: {  	[tilespmem:s0+$0x12F20] =	vst v59  }
0x82: {  	[tilespmem:s0+$0x12F30] =	vst v60  }
0x83: {  	[tilespmem:s0+$0x12F80] =	vst v61  }
0x84: {  	[tilespmem:s0+$0x12F90] =	vst v62  }
0x85: {  	s26 =	simm.s32 $0x0;
	[tilespmem:s0+$0x12FA0] =	vst v63  }
0x86: {  	[hbm4b:s7+s26] =	stream.linear.scatter [tilespmem:s20], [sflag:$0x3], $0x6400, $0x38;
	[tilespmem:$0x1F400] =	vst v63  }
.LBB2_4:
0x87: {  	s29 =	sshll.u32 s26, $0x1  }
0x88: {  	s28 =	sadd.s32 $0x2, s29  }
0x89: {  	_ =	swait.ge [sflag:s21], $0x6400;
	s0 =	smul.u32 $0x320, s28  }
0x8a: {  	[sflag:s21] =	ssyncset.done $0x0  }
0x8b: {  	[sflag:s21] =	ssyncadd.s32 $0xFFFF9C00;
	s0 =	sshra.s32 s0, $0x2  }
0x8c: {  	[tilespmem:s12], [sflag:$0x1] =	stream.indirect.gather [hbm4b:s3+s11], $0x80, s0, s11, $0xb8;
	[tilespmem:$0x1F400] =	vst v63  }
0x8d: {  	s0 =	sadd.s32 $0x80, s0  }
0x8e: {  	[tilespmem:s14], [sflag:$0x1] =	stream.indirect.gather [hbm4b:s3+s13], $0x80, s0, s13, $0xb8;
	[tilespmem:$0x1F400] =	vst v63  }
0x8f: {  	_ =	swait.ge [sflag:s22], $0x4000  }
0x90: {  	[sflag:s22] =	ssyncset.done $0x0  }
0x91: {  	[sflag:s22] =	ssyncadd.s32 $0xFFFFC000  }
0x92: {  	_ =	swait.ge [sflag:s22], $0x2400  }
0x93: {  	[sflag:s22] =	ssyncset.done $0x0  }
0x94: {  	s30 =	simm.s32 $0x0;
	[sflag:s22] =	ssyncadd.s32 $0xFFFFDC00  }
0x95: {  	v0 =	vld [tilespmem:s30+$0xCBB0]  }
0x96: {  	v1 =	vld [tilespmem:s30+$0xC800]  }
0x97: {  	v2 =	vld [tilespmem:s30+$0xC810]  }
0x98: {  	v3 =	vld [tilespmem:s30+$0xC820]  }
0x99: {  	v4 =	vld [tilespmem:s30+$0xC830]  }
0x9a: {  	v5 =	vld [tilespmem:s30+$0xC880];
	[tilespmem:s30+$0x193B0] =	vst v0  }
0x9b: {  	[tilespmem:s30+$0x19000] =	vst v1;
	v0 =	vld [tilespmem:s30+$0xC890]  }
0x9c: {  	[tilespmem:s30+$0x19010] =	vst v2;
	v1 =	vld [tilespmem:s30+$0xC8A0]  }
0x9d: {  	[tilespmem:s30+$0x19020] =	vst v3;
	v2 =	vld [tilespmem:s30+$0xC8B0]  }
0x9e: {  	[tilespmem:s30+$0x19030] =	vst v4;
	v3 =	vld [tilespmem:s30+$0xC900]  }
0x9f: {  	[tilespmem:s30+$0x19080] =	vst v5;
	v4 =	vld [tilespmem:s30+$0xC910]  }
0xa0: {  	v5 =	vld [tilespmem:s30+$0xCB10];
	[tilespmem:s30+$0x19090] =	vst v0  }
0xa1: {  	v0 =	vld [tilespmem:s30+$0xC920];
	[tilespmem:s30+$0x190A0] =	vst v1  }
0xa2: {  	v1 =	vld [tilespmem:s30+$0xC930];
	[tilespmem:s30+$0x190B0] =	vst v2  }
0xa3: {  	v2 =	vld [tilespmem:s30+$0xC980];
	[tilespmem:s30+$0x19100] =	vst v3  }
0xa4: {  	v3 =	vld [tilespmem:s30+$0xC990];
	[tilespmem:s30+$0x19110] =	vst v4  }
0xa5: {  	v4 =	vld [tilespmem:s30+$0xC9A0];
	[tilespmem:s30+$0x19310] =	vst v5  }
0xa6: {  	[tilespmem:s30+$0x19120] =	vst v0;
	v0 =	vld [tilespmem:s30+$0xC9B0]  }
0xa7: {  	[tilespmem:s30+$0x19130] =	vst v1;
	v1 =	vld [tilespmem:s30+$0xCA00]  }
0xa8: {  	[tilespmem:s30+$0x19180] =	vst v2;
	v2 =	vld [tilespmem:s30+$0xCA10]  }
0xa9: {  	[tilespmem:s30+$0x19190] =	vst v3;
	v3 =	vld [tilespmem:s30+$0xCA20]  }
0xaa: {  	[tilespmem:s30+$0x191A0] =	vst v4;
	v4 =	vld [tilespmem:s30+$0xCA30]  }
0xab: {  	[tilespmem:s30+$0x191B0] =	vst v0;
	v0 =	vld [tilespmem:s30+$0xCA80]  }
0xac: {  	[tilespmem:s30+$0x19200] =	vst v1;
	v1 =	vld [tilespmem:s30+$0xCA90]  }
0xad: {  	[tilespmem:s30+$0x19210] =	vst v2;
	v2 =	vld [tilespmem:s30+$0xCAA0]  }
0xae: {  	[tilespmem:s30+$0x19220] =	vst v3;
	v3 =	vld [tilespmem:s30+$0xCAB0]  }
0xaf: {  	[tilespmem:s30+$0x19230] =	vst v4;
	v4 =	vld [tilespmem:s30+$0xCB00]  }
0xb0: {  	[tilespmem:s30+$0x19280] =	vst v0;
	v0 =	vld [tilespmem:s30+$0xCB20]  }
0xb1: {  	[tilespmem:s30+$0x19290] =	vst v1;
	v1 =	vld [tilespmem:s30+$0xCB30]  }
0xb2: {  	[tilespmem:s30+$0x192A0] =	vst v2;
	v2 =	vld [tilespmem:s30+$0xCB80]  }
0xb3: {  	[tilespmem:s30+$0x192B0] =	vst v3;
	v3 =	vld [tilespmem:s30+$0xCB90]  }
0xb4: {  	s31 =	simm.s32 $0x2000;
	s0 =	simm.s32 $0x400;
	[tilespmem:s30+$0x19300] =	vst v4;
	v4 =	vld [tilespmem:s30+$0xCBA0]  }
.LBB2_5:
0xb5: {  	p0 =	sne.s32 s31, $0x18000;
	v5 =	vld [tilespmem:s0+$0xCBB0];
	[tilespmem:s30+$0x19320] =	vst v0  }
0xb6: {  	v0 =	vld [tilespmem:s0+$0xC800];
	[tilespmem:s30+$0x19330] =	vst v1  }
0xb7: {  	v1 =	vld [tilespmem:s0+$0xC810];
	[tilespmem:s30+$0x19380] =	vst v2  }
0xb8: {  	v2 =	vld [tilespmem:s0+$0xC820];
	[tilespmem:s30+$0x19390] =	vst v3  }
0xb9: {  	v3 =	vld [tilespmem:s0+$0xC830];
	[tilespmem:s30+$0x193A0] =	vst v4;
	s30 =	smov.u32 s0  }
0xba: {  	v4 =	vld [tilespmem:s30+$0xC880];
	[tilespmem:s30+$0x193B0] =	vst v5  }
0xbb: {  	[tilespmem:s30+$0x19000] =	vst v0;
	v0 =	vld [tilespmem:s30+$0xC890]  }
0xbc: {  	[tilespmem:s30+$0x19010] =	vst v1;
	v1 =	vld [tilespmem:s30+$0xC8A0]  }
0xbd: {  	[tilespmem:s30+$0x19020] =	vst v2;
	v2 =	vld [tilespmem:s30+$0xC8B0]  }
0xbe: {  	[tilespmem:s30+$0x19030] =	vst v3;
	v3 =	vld [tilespmem:s30+$0xC900]  }
0xbf: {  	[tilespmem:s30+$0x19080] =	vst v4;
	v4 =	vld [tilespmem:s30+$0xC910]  }
0xc0: {  	[tilespmem:s30+$0x19090] =	vst v0;
	v0 =	vld [tilespmem:s30+$0xC920]  }
0xc1: {  	[tilespmem:s30+$0x190A0] =	vst v1;
	v1 =	vld [tilespmem:s30+$0xC930]  }
0xc2: {  	[tilespmem:s30+$0x190B0] =	vst v2;
	v2 =	vld [tilespmem:s30+$0xC980]  }
0xc3: {  	[tilespmem:s30+$0x19100] =	vst v3;
	v3 =	vld [tilespmem:s30+$0xC990]  }
0xc4: {  	[tilespmem:s30+$0x19110] =	vst v4;
	v4 =	vld [tilespmem:s30+$0xC9A0]  }
0xc5: {  	[tilespmem:s30+$0x19120] =	vst v0;
	v0 =	vld [tilespmem:s30+$0xC9B0]  }
0xc6: {  	[tilespmem:s30+$0x19130] =	vst v1;
	v1 =	vld [tilespmem:s30+$0xCA00]  }
0xc7: {  	[tilespmem:s30+$0x19180] =	vst v2;
	v2 =	vld [tilespmem:s30+$0xCA10]  }
0xc8: {  	[tilespmem:s30+$0x19190] =	vst v3;
	v3 =	vld [tilespmem:s30+$0xCA20]  }
0xc9: {  	[tilespmem:s30+$0x191A0] =	vst v4;
	v4 =	vld [tilespmem:s30+$0xCA30]  }
0xca: {  	[tilespmem:s30+$0x191B0] =	vst v0;
	v0 =	vld [tilespmem:s30+$0xCA80]  }
0xcb: {  	[tilespmem:s30+$0x19200] =	vst v1;
	v1 =	vld [tilespmem:s30+$0xCA90]  }
0xcc: {  	[tilespmem:s30+$0x19210] =	vst v2;
	v2 =	vld [tilespmem:s30+$0xCAA0]  }
0xcd: {  	[tilespmem:s30+$0x19220] =	vst v3;
	v3 =	vld [tilespmem:s30+$0xCAB0]  }
0xce: {  	[tilespmem:s30+$0x19230] =	vst v4;
	v4 =	vld [tilespmem:s30+$0xCB00]  }
0xcf: {  	[tilespmem:s30+$0x19280] =	vst v0;
	v5 =	vld [tilespmem:s30+$0xCB10]  }
.Ltmp1:
0xd0: {  	[tilespmem:s30+$0x19290] =	vst v1;
	v0 =	vld [tilespmem:s30+$0xCB20];
	(pc) =	sbr.rel @p0 .LBB2_5-.Ltmp1, $4  }
0xd1: {  	[tilespmem:s30+$0x192A0] =	vst v2;
	v1 =	vld [tilespmem:s30+$0xCB30]  }
0xd2: {  	[tilespmem:s30+$0x192B0] =	vst v3;
	v2 =	vld [tilespmem:s30+$0xCB80]  }
0xd3: {  	[tilespmem:s30+$0x19300] =	vst v4;
	v3 =	vld [tilespmem:s30+$0xCB90]  }
0xd4: {  	s0 =	sshra.s32 s31, $0x2;
	s31 =	sadd.s32 $0x1000, s31;
	[tilespmem:s30+$0x19310] =	vst v5;
	v4 =	vld [tilespmem:s30+$0xCBA0]  }
0xd5: {  	v5 =	vld [tilespmem:s0+$0xCBB0];
	[tilespmem:s30+$0x19320] =	vst v0  }
0xd6: {  	v0 =	vld [tilespmem:s0+$0xC800];
	[tilespmem:s30+$0x19330] =	vst v1  }
0xd7: {  	v1 =	vld [tilespmem:s0+$0xC810];
	[tilespmem:s30+$0x19380] =	vst v2  }
0xd8: {  	v2 =	vld [tilespmem:s0+$0xC820];
	[tilespmem:s30+$0x19390] =	vst v3  }
0xd9: {  	v3 =	vld [tilespmem:s0+$0xC830];
	[tilespmem:s30+$0x193A0] =	vst v4  }
0xda: {  	v4 =	vld [tilespmem:s0+$0xC880];
	[tilespmem:s0+$0x193B0] =	vst v5  }
0xdb: {  	[tilespmem:s0+$0x19000] =	vst v0;
	v0 =	vld [tilespmem:s0+$0xC890]  }
0xdc: {  	[tilespmem:s0+$0x19010] =	vst v1;
	v1 =	vld [tilespmem:s0+$0xC8A0]  }
0xdd: {  	[tilespmem:s0+$0x19020] =	vst v2;
	v2 =	vld [tilespmem:s0+$0xC8B0]  }
0xde: {  	[tilespmem:s0+$0x19030] =	vst v3;
	v3 =	vld [tilespmem:s0+$0xC900]  }
0xdf: {  	[tilespmem:s0+$0x19080] =	vst v4;
	v4 =	vld [tilespmem:s0+$0xC910]  }
0xe0: {  	[tilespmem:s0+$0x19090] =	vst v0;
	v0 =	vld [tilespmem:s0+$0xC920]  }
0xe1: {  	[tilespmem:s0+$0x190A0] =	vst v1;
	v1 =	vld [tilespmem:s0+$0xC930]  }
0xe2: {  	[tilespmem:s0+$0x190B0] =	vst v2;
	v2 =	vld [tilespmem:s0+$0xC980]  }
0xe3: {  	[tilespmem:s0+$0x19100] =	vst v3;
	v3 =	vld [tilespmem:s0+$0xC990]  }
0xe4: {  	[tilespmem:s0+$0x19110] =	vst v4;
	v4 =	vld [tilespmem:s0+$0xC9A0]  }
0xe5: {  	[tilespmem:s0+$0x19120] =	vst v0;
	v0 =	vld [tilespmem:s0+$0xC9B0]  }
0xe6: {  	[tilespmem:s0+$0x19130] =	vst v1;
	v1 =	vld [tilespmem:s0+$0xCA00]  }
0xe7: {  	[tilespmem:s0+$0x19180] =	vst v2;
	v2 =	vld [tilespmem:s0+$0xCA10]  }
0xe8: {  	[tilespmem:s0+$0x19190] =	vst v3;
	v3 =	vld [tilespmem:s0+$0xCA20]  }
0xe9: {  	[tilespmem:s0+$0x191A0] =	vst v4;
	v4 =	vld [tilespmem:s0+$0xCA30]  }
0xea: {  	[tilespmem:s0+$0x191B0] =	vst v0;
	v0 =	vld [tilespmem:s0+$0xCA80]  }
0xeb: {  	[tilespmem:s0+$0x19200] =	vst v1;
	v1 =	vld [tilespmem:s0+$0xCA90]  }
0xec: {  	[tilespmem:s0+$0x19210] =	vst v2;
	v2 =	vld [tilespmem:s0+$0xCAA0]  }
0xed: {  	[tilespmem:s0+$0x19220] =	vst v3;
	v3 =	vld [tilespmem:s0+$0xCAB0]  }
0xee: {  	[tilespmem:s0+$0x19230] =	vst v4;
	v4 =	vld [tilespmem:s0+$0xCB00]  }
0xef: {  	[tilespmem:s0+$0x19280] =	vst v0;
	v0 =	vld [tilespmem:s0+$0xCB10]  }
0xf0: {  	[tilespmem:s0+$0x19290] =	vst v1;
	v1 =	vld [tilespmem:s0+$0xCB20]  }
0xf1: {  	[tilespmem:s0+$0x192A0] =	vst v2;
	v2 =	vld [tilespmem:s0+$0xCB30]  }
0xf2: {  	[tilespmem:s0+$0x192B0] =	vst v3;
	v3 =	vld [tilespmem:s0+$0xCB80]  }
0xf3: {  	[tilespmem:s0+$0x19300] =	vst v4;
	v4 =	vld [tilespmem:s0+$0xCB90]  }
0xf4: {  	[tilespmem:s0+$0x19310] =	vst v0;
	v0 =	vld [tilespmem:s0+$0xCBA0]  }
0xf5: {  	s29 =	sadd.s32 s29, s5;
	[tilespmem:s0+$0x19320] =	vst v1  }
0xf6: {  	s29 =	smul.u32 $0xC80, s29;
	[tilespmem:s0+$0x19330] =	vst v2  }
0xf7: {  	[tilespmem:s0+$0x19380] =	vst v3  }
0xf8: {  	s29 =	sadd.s32 s4, s29;
	[tilespmem:s0+$0x19390] =	vst v4  }
0xf9: {  	s31 =	sadd.s32 $0xC80, s29;
	s29 =	simm.s32 $0x0;
	[tilespmem:s0+$0x193A0] =	vst v0  }
0xfa: {  	[hbm4b:s31+s29] =	stream.linear.scatter [tilespmem:s23], [sflag:$0x4], $0x6400, $0x38;
	[tilespmem:$0x1F400] =	vst v63  }
0xfb: {  	s31 =	smul.u32 $0x640, s26  }
0xfc: {  	_ =	swait.ge [sflag:s24], $0x6400  }
0xfd: {  	[sflag:s24] =	ssyncset.done $0x0;
	s0 =	sshra.s32 s31, $0x2  }
0xfe: {  	[sflag:s24] =	ssyncadd.s32 $0xFFFF9C00;
	s29 =	sadd.s32 $0x258, s0  }
0xff: {  	[tilespmem:s16], [sflag:$0x2] =	stream.indirect.gather [hbm4b:s3+s11], $0x80, s29, s11, $0xb8;
	[tilespmem:$0x1F400] =	vst v63  }
0x100: {  	s0 =	sadd.s32 $0x2D8, s0  }
0x101: {  	[tilespmem:s18], [sflag:$0x2] =	stream.indirect.gather [hbm4b:s3+s13], $0x80, s0, s13, $0xb8;
	[tilespmem:$0x1F400] =	vst v63  }
0x102: {  	_ =	swait.ge [sflag:s19], $0x4000  }
0x103: {  	[sflag:s19] =	ssyncset.done $0x0  }
0x104: {  	[sflag:s19] =	ssyncadd.s32 $0xFFFFC000  }
0x105: {  	_ =	swait.ge [sflag:s19], $0x2400  }
0x106: {  	[sflag:s19] =	ssyncset.done $0x0  }
0x107: {  	s29 =	simm.s32 $0x0;
	[sflag:s19] =	ssyncadd.s32 $0xFFFFDC00  }
0x108: {  	v0 =	vld [tilespmem:s29+$0x67B0]  }
0x109: {  	v1 =	vld [tilespmem:s29+$0x6400]  }
0x10a: {  	v2 =	vld [tilespmem:s29+$0x6410]  }
0x10b: {  	v3 =	vld [tilespmem:s29+$0x6420]  }
0x10c: {  	v4 =	vld [tilespmem:s29+$0x6430]  }
0x10d: {  	v5 =	vld [tilespmem:s29+$0x6480];
	[tilespmem:s29+$0x12FB0] =	vst v0  }
0x10e: {  	[tilespmem:s29+$0x12C00] =	vst v1;
	v0 =	vld [tilespmem:s29+$0x6490]  }
0x10f: {  	[tilespmem:s29+$0x12C10] =	vst v2;
	v1 =	vld [tilespmem:s29+$0x64A0]  }
0x110: {  	[tilespmem:s29+$0x12C20] =	vst v3;
	v2 =	vld [tilespmem:s29+$0x64B0]  }
0x111: {  	[tilespmem:s29+$0x12C30] =	vst v4;
	v3 =	vld [tilespmem:s29+$0x6500]  }
0x112: {  	[tilespmem:s29+$0x12C80] =	vst v5;
	v4 =	vld [tilespmem:s29+$0x6510]  }
0x113: {  	v5 =	vld [tilespmem:s29+$0x6710];
	[tilespmem:s29+$0x12C90] =	vst v0  }
0x114: {  	v0 =	vld [tilespmem:s29+$0x6520];
	[tilespmem:s29+$0x12CA0] =	vst v1  }
0x115: {  	v1 =	vld [tilespmem:s29+$0x6530];
	[tilespmem:s29+$0x12CB0] =	vst v2  }
0x116: {  	v2 =	vld [tilespmem:s29+$0x6580];
	[tilespmem:s29+$0x12D00] =	vst v3  }
0x117: {  	v3 =	vld [tilespmem:s29+$0x6590];
	[tilespmem:s29+$0x12D10] =	vst v4  }
0x118: {  	v4 =	vld [tilespmem:s29+$0x65A0];
	[tilespmem:s29+$0x12F10] =	vst v5  }
0x119: {  	[tilespmem:s29+$0x12D20] =	vst v0;
	v0 =	vld [tilespmem:s29+$0x65B0]  }
0x11a: {  	[tilespmem:s29+$0x12D30] =	vst v1;
	v1 =	vld [tilespmem:s29+$0x6600]  }
0x11b: {  	[tilespmem:s29+$0x12D80] =	vst v2;
	v2 =	vld [tilespmem:s29+$0x6610]  }
0x11c: {  	[tilespmem:s29+$0x12D90] =	vst v3;
	v3 =	vld [tilespmem:s29+$0x6620]  }
0x11d: {  	[tilespmem:s29+$0x12DA0] =	vst v4;
	v4 =	vld [tilespmem:s29+$0x6630]  }
0x11e: {  	[tilespmem:s29+$0x12DB0] =	vst v0;
	v0 =	vld [tilespmem:s29+$0x6680]  }
0x11f: {  	[tilespmem:s29+$0x12E00] =	vst v1;
	v1 =	vld [tilespmem:s29+$0x6690]  }
0x120: {  	[tilespmem:s29+$0x12E10] =	vst v2;
	v2 =	vld [tilespmem:s29+$0x66A0]  }
0x121: {  	[tilespmem:s29+$0x12E20] =	vst v3;
	v3 =	vld [tilespmem:s29+$0x66B0]  }
0x122: {  	[tilespmem:s29+$0x12E30] =	vst v4;
	v4 =	vld [tilespmem:s29+$0x6700]  }
0x123: {  	[tilespmem:s29+$0x12E80] =	vst v0;
	v0 =	vld [tilespmem:s29+$0x6720]  }
0x124: {  	[tilespmem:s29+$0x12E90] =	vst v1;
	v1 =	vld [tilespmem:s29+$0x6730]  }
0x125: {  	[tilespmem:s29+$0x12EA0] =	vst v2;
	v2 =	vld [tilespmem:s29+$0x6780]  }
0x126: {  	[tilespmem:s29+$0x12EB0] =	vst v3;
	v3 =	vld [tilespmem:s29+$0x6790]  }
0x127: {  	s30 =	simm.s32 $0x2000;
	s0 =	simm.s32 $0x400;
	[tilespmem:s29+$0x12F00] =	vst v4;
	v4 =	vld [tilespmem:s29+$0x67A0]  }
.LBB2_7:
0x128: {  	p0 =	sne.s32 s30, $0x18000;
	v5 =	vld [tilespmem:s0+$0x67B0];
	[tilespmem:s29+$0x12F20] =	vst v0  }
0x129: {  	v0 =	vld [tilespmem:s0+$0x6400];
	[tilespmem:s29+$0x12F30] =	vst v1  }
0x12a: {  	v1 =	vld [tilespmem:s0+$0x6410];
	[tilespmem:s29+$0x12F80] =	vst v2  }
0x12b: {  	v2 =	vld [tilespmem:s0+$0x6420];
	[tilespmem:s29+$0x12F90] =	vst v3  }
0x12c: {  	v3 =	vld [tilespmem:s0+$0x6430];
	[tilespmem:s29+$0x12FA0] =	vst v4;
	s29 =	smov.u32 s0  }
0x12d: {  	v4 =	vld [tilespmem:s29+$0x6480];
	[tilespmem:s29+$0x12FB0] =	vst v5  }
0x12e: {  	[tilespmem:s29+$0x12C00] =	vst v0;
	v0 =	vld [tilespmem:s29+$0x6490]  }
0x12f: {  	[tilespmem:s29+$0x12C10] =	vst v1;
	v1 =	vld [tilespmem:s29+$0x64A0]  }
0x130: {  	[tilespmem:s29+$0x12C20] =	vst v2;
	v2 =	vld [tilespmem:s29+$0x64B0]  }
0x131: {  	[tilespmem:s29+$0x12C30] =	vst v3;
	v3 =	vld [tilespmem:s29+$0x6500]  }
0x132: {  	[tilespmem:s29+$0x12C80] =	vst v4;
	v4 =	vld [tilespmem:s29+$0x6510]  }
0x133: {  	[tilespmem:s29+$0x12C90] =	vst v0;
	v0 =	vld [tilespmem:s29+$0x6520]  }
0x134: {  	[tilespmem:s29+$0x12CA0] =	vst v1;
	v1 =	vld [tilespmem:s29+$0x6530]  }
0x135: {  	[tilespmem:s29+$0x12CB0] =	vst v2;
	v2 =	vld [tilespmem:s29+$0x6580]  }
0x136: {  	[tilespmem:s29+$0x12D00] =	vst v3;
	v3 =	vld [tilespmem:s29+$0x6590]  }
0x137: {  	[tilespmem:s29+$0x12D10] =	vst v4;
	v4 =	vld [tilespmem:s29+$0x65A0]  }
0x138: {  	[tilespmem:s29+$0x12D20] =	vst v0;
	v0 =	vld [tilespmem:s29+$0x65B0]  }
0x139: {  	[tilespmem:s29+$0x12D30] =	vst v1;
	v1 =	vld [tilespmem:s29+$0x6600]  }
0x13a: {  	[tilespmem:s29+$0x12D80] =	vst v2;
	v2 =	vld [tilespmem:s29+$0x6610]  }
0x13b: {  	[tilespmem:s29+$0x12D90] =	vst v3;
	v3 =	vld [tilespmem:s29+$0x6620]  }
0x13c: {  	[tilespmem:s29+$0x12DA0] =	vst v4;
	v4 =	vld [tilespmem:s29+$0x6630]  }
0x13d: {  	[tilespmem:s29+$0x12DB0] =	vst v0;
	v0 =	vld [tilespmem:s29+$0x6680]  }
0x13e: {  	[tilespmem:s29+$0x12E00] =	vst v1;
	v1 =	vld [tilespmem:s29+$0x6690]  }
0x13f: {  	[tilespmem:s29+$0x12E10] =	vst v2;
	v2 =	vld [tilespmem:s29+$0x66A0]  }
0x140: {  	[tilespmem:s29+$0x12E20] =	vst v3;
	v3 =	vld [tilespmem:s29+$0x66B0]  }
0x141: {  	[tilespmem:s29+$0x12E30] =	vst v4;
	v4 =	vld [tilespmem:s29+$0x6700]  }
0x142: {  	[tilespmem:s29+$0x12E80] =	vst v0;
	v5 =	vld [tilespmem:s29+$0x6710]  }
.Ltmp2:
0x143: {  	[tilespmem:s29+$0x12E90] =	vst v1;
	v0 =	vld [tilespmem:s29+$0x6720];
	(pc) =	sbr.rel @p0 .LBB2_7-.Ltmp2, $4  }
0x144: {  	[tilespmem:s29+$0x12EA0] =	vst v2;
	v1 =	vld [tilespmem:s29+$0x6730]  }
0x145: {  	[tilespmem:s29+$0x12EB0] =	vst v3;
	v2 =	vld [tilespmem:s29+$0x6780]  }
0x146: {  	[tilespmem:s29+$0x12F00] =	vst v4;
	v3 =	vld [tilespmem:s29+$0x6790]  }
0x147: {  	s0 =	sshra.s32 s30, $0x2;
	s30 =	sadd.s32 $0x1000, s30;
	[tilespmem:s29+$0x12F10] =	vst v5;
	v4 =	vld [tilespmem:s29+$0x67A0]  }
0x148: {  	v5 =	vld [tilespmem:s0+$0x67B0];
	[tilespmem:s29+$0x12F20] =	vst v0  }
0x149: {  	v0 =	vld [tilespmem:s0+$0x6400];
	[tilespmem:s29+$0x12F30] =	vst v1  }
0x14a: {  	v1 =	vld [tilespmem:s0+$0x6410];
	[tilespmem:s29+$0x12F80] =	vst v2  }
0x14b: {  	v2 =	vld [tilespmem:s0+$0x6420];
	[tilespmem:s29+$0x12F90] =	vst v3  }
0x14c: {  	v3 =	vld [tilespmem:s0+$0x6430];
	[tilespmem:s29+$0x12FA0] =	vst v4  }
0x14d: {  	v4 =	vld [tilespmem:s0+$0x6480];
	[tilespmem:s0+$0x12FB0] =	vst v5  }
0x14e: {  	v38 =	vld [tilespmem:s0+$0x6490];
	[tilespmem:s0+$0x12C00] =	vst v0  }
0x14f: {  	v39 =	vld [tilespmem:s0+$0x64A0];
	[tilespmem:s0+$0x12C10] =	vst v1  }
0x150: {  	v40 =	vld [tilespmem:s0+$0x64B0];
	[tilespmem:s0+$0x12C20] =	vst v2  }
0x151: {  	v41 =	vld [tilespmem:s0+$0x6500];
	[tilespmem:s0+$0x12C30] =	vst v3  }
0x152: {  	v42 =	vld [tilespmem:s0+$0x6510];
	[tilespmem:s0+$0x12C80] =	vst v4  }
0x153: {  	v43 =	vld [tilespmem:s0+$0x6520];
	[tilespmem:s0+$0x12C90] =	vst v38  }
0x154: {  	v44 =	vld [tilespmem:s0+$0x6530];
	[tilespmem:s0+$0x12CA0] =	vst v39  }
0x155: {  	v45 =	vld [tilespmem:s0+$0x6580];
	[tilespmem:s0+$0x12CB0] =	vst v40  }
0x156: {  	v46 =	vld [tilespmem:s0+$0x6590];
	[tilespmem:s0+$0x12D00] =	vst v41  }
0x157: {  	v47 =	vld [tilespmem:s0+$0x65A0];
	[tilespmem:s0+$0x12D10] =	vst v42  }
0x158: {  	v48 =	vld [tilespmem:s0+$0x65B0];
	[tilespmem:s0+$0x12D20] =	vst v43  }
0x159: {  	v49 =	vld [tilespmem:s0+$0x6600];
	[tilespmem:s0+$0x12D30] =	vst v44  }
0x15a: {  	v50 =	vld [tilespmem:s0+$0x6610];
	[tilespmem:s0+$0x12D80] =	vst v45  }
0x15b: {  	v51 =	vld [tilespmem:s0+$0x6620];
	[tilespmem:s0+$0x12D90] =	vst v46  }
0x15c: {  	v52 =	vld [tilespmem:s0+$0x6630];
	[tilespmem:s0+$0x12DA0] =	vst v47  }
0x15d: {  	v53 =	vld [tilespmem:s0+$0x6680];
	[tilespmem:s0+$0x12DB0] =	vst v48  }
0x15e: {  	v54 =	vld [tilespmem:s0+$0x6690];
	[tilespmem:s0+$0x12E00] =	vst v49  }
0x15f: {  	v55 =	vld [tilespmem:s0+$0x66A0];
	[tilespmem:s0+$0x12E10] =	vst v50  }
0x160: {  	v56 =	vld [tilespmem:s0+$0x66B0];
	[tilespmem:s0+$0x12E20] =	vst v51  }
0x161: {  	v57 =	vld [tilespmem:s0+$0x6700];
	[tilespmem:s0+$0x12E30] =	vst v52  }
0x162: {  	v58 =	vld [tilespmem:s0+$0x6710];
	[tilespmem:s0+$0x12E80] =	vst v53  }
0x163: {  	v59 =	vld [tilespmem:s0+$0x6720];
	[tilespmem:s0+$0x12E90] =	vst v54  }
0x164: {  	v60 =	vld [tilespmem:s0+$0x6730];
	[tilespmem:s0+$0x12EA0] =	vst v55  }
0x165: {  	v61 =	vld [tilespmem:s0+$0x6780];
	[tilespmem:s0+$0x12EB0] =	vst v56  }
0x166: {  	v62 =	vld [tilespmem:s0+$0x6790];
	[tilespmem:s0+$0x12F00] =	vst v57  }
0x167: {  	s26 =	sadd.s32 $0x1, s26;
	v63 =	vld [tilespmem:s0+$0x67A0];
	[tilespmem:s0+$0x12F10] =	vst v58  }
0x168: {  	p0 =	sne.s32 s26, $0x3F;
	[tilespmem:s0+$0x12F20] =	vst v59  }
.Ltmp3:
0x169: {  	s28 =	sadd.s32 s5, s28;
	[tilespmem:s0+$0x12F30] =	vst v60;
	(pc) =	sbr.rel @p0 .LBB2_4-.Ltmp3, $4  }
0x16a: {  	s28 =	smul.u32 $0xC80, s28;
	[tilespmem:s0+$0x12F80] =	vst v61  }
0x16b: {  	[tilespmem:s0+$0x12F90] =	vst v62  }
0x16c: {  	s31 =	sadd.s32 s4, s28;
	[tilespmem:s0+$0x12FA0] =	vst v63  }
0x16d: {  	[hbm4b:s31+s2] =	stream.linear.scatter [tilespmem:s20], [sflag:$0x3], $0x6400, $0x38;
	[tilespmem:$0x1F400] =	vst v63  }
0x16e: {  	_ =	swait.ge [sflag:s21], $0x6400  }
0x16f: {  	[sflag:s21] =	ssyncset.done $0x0  }
0x170: {  	[sflag:s21] =	ssyncadd.s32 $0xFFFF9C00  }
0x171: {  	_ =	swait.ge [sflag:s22], $0x4000  }
0x172: {  	[sflag:s22] =	ssyncset.done $0x0  }
0x173: {  	[sflag:s22] =	ssyncadd.s32 $0xFFFFC000  }
0x174: {  	_ =	swait.ge [sflag:s22], $0x2400  }
0x175: {  	[sflag:s22] =	ssyncset.done $0x0  }
0x176: {  	s26 =	simm.s32 $0x0;
	[sflag:s22] =	ssyncadd.s32 $0xFFFFDC00  }
0x177: {  	v0 =	vld [tilespmem:s26+$0xCBB0]  }
0x178: {  	v1 =	vld [tilespmem:s26+$0xC800]  }
0x179: {  	v2 =	vld [tilespmem:s26+$0xC810]  }
0x17a: {  	v3 =	vld [tilespmem:s26+$0xC820]  }
0x17b: {  	v4 =	vld [tilespmem:s26+$0xC830]  }
0x17c: {  	v5 =	vld [tilespmem:s26+$0xC880];
	[tilespmem:s26+$0x193B0] =	vst v0  }
0x17d: {  	[tilespmem:s26+$0x19000] =	vst v1;
	v0 =	vld [tilespmem:s26+$0xC890]  }
0x17e: {  	[tilespmem:s26+$0x19010] =	vst v2;
	v1 =	vld [tilespmem:s26+$0xC8A0]  }
0x17f: {  	[tilespmem:s26+$0x19020] =	vst v3;
	v2 =	vld [tilespmem:s26+$0xC8B0]  }
0x180: {  	[tilespmem:s26+$0x19030] =	vst v4;
	v3 =	vld [tilespmem:s26+$0xC900]  }
0x181: {  	[tilespmem:s26+$0x19080] =	vst v5;
	v4 =	vld [tilespmem:s26+$0xC910]  }
0x182: {  	v5 =	vld [tilespmem:s26+$0xCB10];
	[tilespmem:s26+$0x19090] =	vst v0  }
0x183: {  	v0 =	vld [tilespmem:s26+$0xC920];
	[tilespmem:s26+$0x190A0] =	vst v1  }
0x184: {  	v1 =	vld [tilespmem:s26+$0xC930];
	[tilespmem:s26+$0x190B0] =	vst v2  }
0x185: {  	v2 =	vld [tilespmem:s26+$0xC980];
	[tilespmem:s26+$0x19100] =	vst v3  }
0x186: {  	v3 =	vld [tilespmem:s26+$0xC990];
	[tilespmem:s26+$0x19110] =	vst v4  }
0x187: {  	v4 =	vld [tilespmem:s26+$0xC9A0];
	[tilespmem:s26+$0x19310] =	vst v5  }
0x188: {  	[tilespmem:s26+$0x19120] =	vst v0;
	v0 =	vld [tilespmem:s26+$0xC9B0]  }
0x189: {  	[tilespmem:s26+$0x19130] =	vst v1;
	v1 =	vld [tilespmem:s26+$0xCA00]  }
0x18a: {  	[tilespmem:s26+$0x19180] =	vst v2;
	v2 =	vld [tilespmem:s26+$0xCA10]  }
0x18b: {  	[tilespmem:s26+$0x19190] =	vst v3;
	v3 =	vld [tilespmem:s26+$0xCA20]  }
0x18c: {  	[tilespmem:s26+$0x191A0] =	vst v4;
	v4 =	vld [tilespmem:s26+$0xCA30]  }
0x18d: {  	[tilespmem:s26+$0x191B0] =	vst v0;
	v0 =	vld [tilespmem:s26+$0xCA80]  }
0x18e: {  	[tilespmem:s26+$0x19200] =	vst v1;
	v1 =	vld [tilespmem:s26+$0xCA90]  }
0x18f: {  	[tilespmem:s26+$0x19210] =	vst v2;
	v2 =	vld [tilespmem:s26+$0xCAA0]  }
0x190: {  	[tilespmem:s26+$0x19220] =	vst v3;
	v3 =	vld [tilespmem:s26+$0xCAB0]  }
0x191: {  	[tilespmem:s26+$0x19230] =	vst v4;
	v4 =	vld [tilespmem:s26+$0xCB00]  }
0x192: {  	[tilespmem:s26+$0x19280] =	vst v0;
	v0 =	vld [tilespmem:s26+$0xCB20]  }
0x193: {  	[tilespmem:s26+$0x19290] =	vst v1;
	v1 =	vld [tilespmem:s26+$0xCB30]  }
0x194: {  	[tilespmem:s26+$0x192A0] =	vst v2;
	v2 =	vld [tilespmem:s26+$0xCB80]  }
0x195: {  	[tilespmem:s26+$0x192B0] =	vst v3;
	v3 =	vld [tilespmem:s26+$0xCB90]  }
0x196: {  	s0 =	simm.s32 $0x400;
	s28 =	simm.s32 $0x2000;
	[tilespmem:s26+$0x19300] =	vst v4;
	v4 =	vld [tilespmem:s26+$0xCBA0]  }
.LBB2_10:
0x197: {  	p0 =	sne.s32 s28, $0x18000;
	v5 =	vld [tilespmem:s0+$0xCBB0];
	[tilespmem:s26+$0x19320] =	vst v0  }
0x198: {  	v0 =	vld [tilespmem:s0+$0xC800];
	[tilespmem:s26+$0x19330] =	vst v1  }
0x199: {  	v1 =	vld [tilespmem:s0+$0xC810];
	[tilespmem:s26+$0x19380] =	vst v2  }
0x19a: {  	v2 =	vld [tilespmem:s0+$0xC820];
	[tilespmem:s26+$0x19390] =	vst v3  }
0x19b: {  	v3 =	vld [tilespmem:s0+$0xC830];
	[tilespmem:s26+$0x193A0] =	vst v4;
	s26 =	smov.u32 s0  }
0x19c: {  	v4 =	vld [tilespmem:s26+$0xC880];
	[tilespmem:s26+$0x193B0] =	vst v5  }
0x19d: {  	[tilespmem:s26+$0x19000] =	vst v0;
	v0 =	vld [tilespmem:s26+$0xC890]  }
0x19e: {  	[tilespmem:s26+$0x19010] =	vst v1;
	v1 =	vld [tilespmem:s26+$0xC8A0]  }
0x19f: {  	[tilespmem:s26+$0x19020] =	vst v2;
	v2 =	vld [tilespmem:s26+$0xC8B0]  }
0x1a0: {  	[tilespmem:s26+$0x19030] =	vst v3;
	v3 =	vld [tilespmem:s26+$0xC900]  }
0x1a1: {  	[tilespmem:s26+$0x19080] =	vst v4;
	v4 =	vld [tilespmem:s26+$0xC910]  }
0x1a2: {  	[tilespmem:s26+$0x19090] =	vst v0;
	v0 =	vld [tilespmem:s26+$0xC920]  }
0x1a3: {  	[tilespmem:s26+$0x190A0] =	vst v1;
	v1 =	vld [tilespmem:s26+$0xC930]  }
0x1a4: {  	[tilespmem:s26+$0x190B0] =	vst v2;
	v2 =	vld [tilespmem:s26+$0xC980]  }
0x1a5: {  	[tilespmem:s26+$0x19100] =	vst v3;
	v3 =	vld [tilespmem:s26+$0xC990]  }
0x1a6: {  	[tilespmem:s26+$0x19110] =	vst v4;
	v4 =	vld [tilespmem:s26+$0xC9A0]  }
0x1a7: {  	[tilespmem:s26+$0x19120] =	vst v0;
	v0 =	vld [tilespmem:s26+$0xC9B0]  }
0x1a8: {  	[tilespmem:s26+$0x19130] =	vst v1;
	v1 =	vld [tilespmem:s26+$0xCA00]  }
0x1a9: {  	[tilespmem:s26+$0x19180] =	vst v2;
	v2 =	vld [tilespmem:s26+$0xCA10]  }
0x1aa: {  	[tilespmem:s26+$0x19190] =	vst v3;
	v3 =	vld [tilespmem:s26+$0xCA20]  }
0x1ab: {  	[tilespmem:s26+$0x191A0] =	vst v4;
	v4 =	vld [tilespmem:s26+$0xCA30]  }
0x1ac: {  	[tilespmem:s26+$0x191B0] =	vst v0;
	v0 =	vld [tilespmem:s26+$0xCA80]  }
0x1ad: {  	[tilespmem:s26+$0x19200] =	vst v1;
	v1 =	vld [tilespmem:s26+$0xCA90]  }
0x1ae: {  	[tilespmem:s26+$0x19210] =	vst v2;
	v2 =	vld [tilespmem:s26+$0xCAA0]  }
0x1af: {  	[tilespmem:s26+$0x19220] =	vst v3;
	v3 =	vld [tilespmem:s26+$0xCAB0]  }
0x1b0: {  	[tilespmem:s26+$0x19230] =	vst v4;
	v4 =	vld [tilespmem:s26+$0xCB00]  }
0x1b1: {  	[tilespmem:s26+$0x19280] =	vst v0;
	v5 =	vld [tilespmem:s26+$0xCB10]  }
.Ltmp4:
0x1b2: {  	[tilespmem:s26+$0x19290] =	vst v1;
	v0 =	vld [tilespmem:s26+$0xCB20];
	(pc) =	sbr.rel @p0 .LBB2_10-.Ltmp4, $4  }
0x1b3: {  	[tilespmem:s26+$0x192A0] =	vst v2;
	v1 =	vld [tilespmem:s26+$0xCB30]  }
0x1b4: {  	[tilespmem:s26+$0x192B0] =	vst v3;
	v2 =	vld [tilespmem:s26+$0xCB80]  }
0x1b5: {  	[tilespmem:s26+$0x19300] =	vst v4;
	v3 =	vld [tilespmem:s26+$0xCB90]  }
0x1b6: {  	s0 =	sshra.s32 s28, $0x2;
	s28 =	sadd.s32 $0x1000, s28;
	[tilespmem:s26+$0x19310] =	vst v5;
	v4 =	vld [tilespmem:s26+$0xCBA0]  }
0x1b7: {  	v5 =	vld [tilespmem:s0+$0xCBB0];
	[tilespmem:s26+$0x19320] =	vst v0  }
0x1b8: {  	v0 =	vld [tilespmem:s0+$0xC800];
	[tilespmem:s26+$0x19330] =	vst v1  }
0x1b9: {  	v1 =	vld [tilespmem:s0+$0xC810];
	[tilespmem:s26+$0x19380] =	vst v2  }
0x1ba: {  	v2 =	vld [tilespmem:s0+$0xC820];
	[tilespmem:s26+$0x19390] =	vst v3  }
0x1bb: {  	v3 =	vld [tilespmem:s0+$0xC830];
	[tilespmem:s26+$0x193A0] =	vst v4  }
0x1bc: {  	v4 =	vld [tilespmem:s0+$0xC880];
	[tilespmem:s0+$0x193B0] =	vst v5  }
0x1bd: {  	v38 =	vld [tilespmem:s0+$0xC890];
	[tilespmem:s0+$0x19000] =	vst v0  }
0x1be: {  	v39 =	vld [tilespmem:s0+$0xC8A0];
	[tilespmem:s0+$0x19010] =	vst v1  }
0x1bf: {  	v40 =	vld [tilespmem:s0+$0xC8B0];
	[tilespmem:s0+$0x19020] =	vst v2  }
0x1c0: {  	v41 =	vld [tilespmem:s0+$0xC900];
	[tilespmem:s0+$0x19030] =	vst v3  }
0x1c1: {  	v42 =	vld [tilespmem:s0+$0xC910];
	[tilespmem:s0+$0x19080] =	vst v4  }
0x1c2: {  	v43 =	vld [tilespmem:s0+$0xC920];
	[tilespmem:s0+$0x19090] =	vst v38  }
0x1c3: {  	v44 =	vld [tilespmem:s0+$0xC930];
	[tilespmem:s0+$0x190A0] =	vst v39  }
0x1c4: {  	v45 =	vld [tilespmem:s0+$0xC980];
	[tilespmem:s0+$0x190B0] =	vst v40  }
0x1c5: {  	v46 =	vld [tilespmem:s0+$0xC990];
	[tilespmem:s0+$0x19100] =	vst v41  }
0x1c6: {  	v47 =	vld [tilespmem:s0+$0xC9A0];
	[tilespmem:s0+$0x19110] =	vst v42  }
0x1c7: {  	v48 =	vld [tilespmem:s0+$0xC9B0];
	[tilespmem:s0+$0x19120] =	vst v43  }
0x1c8: {  	v49 =	vld [tilespmem:s0+$0xCA00];
	[tilespmem:s0+$0x19130] =	vst v44  }
0x1c9: {  	v50 =	vld [tilespmem:s0+$0xCA10];
	[tilespmem:s0+$0x19180] =	vst v45  }
0x1ca: {  	v51 =	vld [tilespmem:s0+$0xCA20];
	[tilespmem:s0+$0x19190] =	vst v46  }
0x1cb: {  	v52 =	vld [tilespmem:s0+$0xCA30];
	[tilespmem:s0+$0x191A0] =	vst v47  }
0x1cc: {  	v53 =	vld [tilespmem:s0+$0xCA80];
	[tilespmem:s0+$0x191B0] =	vst v48  }
0x1cd: {  	v54 =	vld [tilespmem:s0+$0xCA90];
	[tilespmem:s0+$0x19200] =	vst v49  }
0x1ce: {  	v55 =	vld [tilespmem:s0+$0xCAA0];
	[tilespmem:s0+$0x19210] =	vst v50  }
0x1cf: {  	v56 =	vld [tilespmem:s0+$0xCAB0];
	[tilespmem:s0+$0x19220] =	vst v51  }
0x1d0: {  	v57 =	vld [tilespmem:s0+$0xCB00];
	[tilespmem:s0+$0x19230] =	vst v52  }
0x1d1: {  	v58 =	vld [tilespmem:s0+$0xCB10];
	[tilespmem:s0+$0x19280] =	vst v53  }
0x1d2: {  	v59 =	vld [tilespmem:s0+$0xCB20];
	[tilespmem:s0+$0x19290] =	vst v54  }
0x1d3: {  	v60 =	vld [tilespmem:s0+$0xCB30];
	[tilespmem:s0+$0x192A0] =	vst v55  }
0x1d4: {  	v61 =	vld [tilespmem:s0+$0xCB80];
	[tilespmem:s0+$0x192B0] =	vst v56  }
0x1d5: {  	v62 =	vld [tilespmem:s0+$0xCB90];
	[tilespmem:s0+$0x19300] =	vst v57  }
0x1d6: {  	v63 =	vld [tilespmem:s0+$0xCBA0];
	[tilespmem:s0+$0x19310] =	vst v58  }
0x1d7: {  	[tilespmem:s0+$0x19320] =	vst v59  }
0x1d8: {  	[tilespmem:s0+$0x19330] =	vst v60  }
0x1d9: {  	s25 =	sadd.s32 $0x1, s25;
	[tilespmem:s0+$0x19380] =	vst v61  }
0x1da: {  	p0 =	sne.s32 s25, s9;
	[tilespmem:s0+$0x19390] =	vst v62  }
.Ltmp5:
0x1db: {  	[tilespmem:s0+$0x193A0] =	vst v63;
	(pc) =	sbr.rel @p0 .LBB2_1-.Ltmp5, $4  }
0x1dc: {  	[hbm4b:s8+s2] =	stream.linear.scatter [tilespmem:s23], [sflag:$0x4], $0x6400, $0x38;
	[tilespmem:$0x1F400] =	vst v63  }
0x1dd: {  	_ =	swait.ge [sflag:s24], $0x6400  }
0x1de: {  	[sflag:s24] =	ssyncset.done $0x0  }
0x1df: {  	[sflag:s24] =	ssyncadd.s32 $0xFFFF9C00  }
0x1e0: {  	_ =	sfence.sel $0x180000  }
0x1e1: {  	[bflag:$0x0] =	sbarrier.arrive $0xFFFF  }
0x1e2: {  	_ =	strace $0x90000047  }
0x1e3: {  	[bflag:$0x2] =	sbarrier.arrive $0xFFFF  }
0x1e4: {  	p0 =	sne.s32 s1, $0x0;
	s0 =	rddreg [dreg:$0x2]  }
0x1e5: {  	s0 =	sadd.s32 @!p0 $0x100000, s0  }
0x1e6: {  	[sflag:s0] =	ssyncadd.tile.s32 @!p0 $0x1;
	_ =	shalt  }
.Lfunc_end2:
_tile_overlayer_lowered:
.L_overlay_start_2:
0x1e7: {  	(tag) =	ssettag $0x2  }
0x1e8: {  	s0 =	rddreg [dreg:$0x0];
	s2 =	stileid.u32  }
0x1e9: {  	s1 =	rddreg [dreg:$0x1];
	p0 =	sne.s32 s2, $0x0  }
0x1ea: {  	s3 =	rddreg [dreg:$0x2];
	[bflag:$0x3] =	sbarrier.arrive $0xFFFF;
	s2 =	simm.s32 @!p0 $0x1C05  }
0x1eb: {  	[timem:s3], [sflag:s2] =	dma.local @!p0 [hbm:s0], s1  }
0x1ec: {  	s0 =	simm.s32 @!p0 $0x5  }
0x1ed: {  	_ =	swait.ge @!p0 [sflag:s0], s1  }
0x1ee: {  	s1 =	ssub.s32 @!p0 $0x0, s1;
	[sflag:s0] =	ssyncset.done @!p0 $0x0  }
0x1ef: {  	[sflag:s0] =	ssyncadd.s32 @!p0 s1  }
0x1f0: {  	[bflag:$0x3] =	sbarrier.arrive $0xFFFF  }
0x1f1: {  	_ =	shalt  }

</sc_bundles>
